<compile_context>
chip_gen: v7x
topology: tpu7x:2x2x1
jax: 0.10.2.dev20260603
libtpu: 0.0.44.dev20260713+nightly
codegen_flags: <defaults>
</compile_context>

<pallas_src>
import functools

import jax
import jax.numpy as jnp
from jax import lax
from jax.experimental import pallas as pl
from jax.experimental.pallas import tpu as pltpu
from jax.experimental.pallas import tpu_sc as plsc

N = 10000
NP = 10240
E = 320000
G = 128
DIN = 128
H = 64
NC, NS, L = 2, 16, 16
NW = NC * NS
CH = 80
EP = NW * CH * 128
CHUNK = 128
ROWS_PER_TILE = NP // NS

_EPS = 1e-5
_f32 = jnp.float32


def _mesh():
  return plsc.VectorSubcoreMesh(core_axis_name="c", subcore_axis_name="s",
                                num_cores=NC, num_subcores=NS)


def _fill_const(buf, width, value):
  @pl.loop(0, CHUNK)
  def _fill(i):
    for kk in range(width // L):
      buf[i, pl.ds(kk * L, L)] = jnp.full((L,), value, _f32)


@functools.cache
def _deg_kernel():
  @functools.partial(
      pl.kernel,
      out_type=[jax.ShapeDtypeStruct((NC, NP, 16), _f32),
                jax.ShapeDtypeStruct((NC, NP, 16), _f32)],
      mesh=_mesh(),
      scratch_types=[
          pltpu.VMEM((CH, CHUNK), jnp.int32),
          pltpu.VMEM((CH, CHUNK), jnp.int32),
          pltpu.VMEM((CHUNK, 16), _f32),
          pltpu.VMEM_SHARED((NP, 16), _f32),
          pltpu.VMEM_SHARED((NP, 16), _f32),
          pltpu.SemaphoreType.DMA,
      ],
      compiler_params=pltpu.CompilerParams(use_tc_tiling_on_sc=False),
  )
  def k(src_hbm, dst_hbm, zeros_hbm, dego_hbm, degi_hbm,
        idx_s, idx_d, ones_v, dego_sh, degi_sh, sem):
    c = lax.axis_index("c")
    s = lax.axis_index("s")
    w = s * NC + c
    r0 = s * ROWS_PER_TILE

    _fill_const(ones_v, 16, 1.0)

    pltpu.sync_copy(zeros_hbm.at[pl.ds(r0, ROWS_PER_TILE)],
                    dego_sh.at[pl.ds(r0, ROWS_PER_TILE)])
    pltpu.sync_copy(zeros_hbm.at[pl.ds(r0, ROWS_PER_TILE)],
                    degi_sh.at[pl.ds(r0, ROWS_PER_TILE)])
    pltpu.sync_copy(src_hbm.at[pl.ds(w * CH, CH)], idx_s)
    pltpu.sync_copy(dst_hbm.at[pl.ds(w * CH, CH)], idx_d)
    plsc.subcore_barrier()

    @pl.loop(0, CH // 8)
    def _scatter(t):
      j0 = t * 8
      for u in range(8):
        pltpu.async_copy(ones_v, dego_sh.at[idx_s.at[j0 + u]], sem,
                         add=True)
        pltpu.async_copy(ones_v, degi_sh.at[idx_d.at[j0 + u]], sem,
                         add=True)
      for u in range(8):
        pltpu.make_async_copy(ones_v, dego_sh.at[idx_s.at[j0 + u]],
                              sem).wait()
        pltpu.make_async_copy(ones_v, degi_sh.at[idx_d.at[j0 + u]],
                              sem).wait()

    plsc.subcore_barrier()
    pltpu.sync_copy(dego_sh.at[pl.ds(r0, ROWS_PER_TILE)],
                    dego_hbm.at[c, pl.ds(r0, ROWS_PER_TILE)])
    pltpu.sync_copy(degi_sh.at[pl.ds(r0, ROWS_PER_TILE)],
                    degi_hbm.at[c, pl.ds(r0, ROWS_PER_TILE)])

  return k


def _sc_degrees(srcp, dstp, zeros16):
  return _deg_kernel()(srcp, dstp, zeros16)


@functools.cache
def _agg_kernel():
  @functools.partial(
      pl.kernel,
      out_type=jax.ShapeDtypeStruct((NC, NP, H), _f32),
      mesh=_mesh(),
      scratch_types=[
          pltpu.VMEM((CH, CHUNK), jnp.int32),
          pltpu.VMEM((CH, CHUNK), jnp.int32),
          pltpu.VMEM((CHUNK, H), _f32),
          pltpu.VMEM((CHUNK, H), _f32),
          pltpu.VMEM((CHUNK, H), _f32),
          pltpu.VMEM_SHARED((NP, H), _f32),
          pltpu.VMEM_SHARED((NP, H), _f32),
          pltpu.SemaphoreType.DMA,
          pltpu.SemaphoreType.DMA,
          pltpu.SemaphoreType.DMA,
          pltpu.SemaphoreType.DMA,
          pltpu.SemaphoreType.DMA,
          pltpu.SemaphoreType.DMA,
      ],
      compiler_params=pltpu.CompilerParams(use_tc_tiling_on_sc=False),
  )
  def k(ytab_hbm, src_hbm, dst_hbm, zeros_hbm, out_hbm,
        idx_s, idx_d, rows_a, rows_b, rows_c, ytab_sh, agg_sh,
        sga, sgb, sgc, ssa, ssb, ssc):
    c = lax.axis_index("c")
    s = lax.axis_index("s")
    w = s * NC + c
    r0 = s * ROWS_PER_TILE

    stage = (
        (zeros_hbm.at[pl.ds(r0, ROWS_PER_TILE)],
         agg_sh.at[pl.ds(r0, ROWS_PER_TILE)]),
        (ytab_hbm.at[pl.ds(r0, ROWS_PER_TILE)],
         ytab_sh.at[pl.ds(r0, ROWS_PER_TILE)]),
        (src_hbm.at[pl.ds(w * CH, CH)], idx_s),
        (dst_hbm.at[pl.ds(w * CH, CH)], idx_d),
    )
    for src, dst in stage:
      pltpu.async_copy(src, dst, sga)
    for src, dst in stage:
      pltpu.make_async_copy(src, dst, sga).wait()
    plsc.subcore_barrier()

    bufs = ((rows_a, sga, ssa), (rows_b, sgb, ssb), (rows_c, sgc, ssc))

    def gather_start(j, b):
      pltpu.async_copy(ytab_sh.at[idx_s.at[j]], bufs[b][0], bufs[b][1])

    def gather_wait(j, b):
      pltpu.make_async_copy(ytab_sh.at[idx_s.at[j]], bufs[b][0],
                            bufs[b][1]).wait()

    def scat_start(j, b):
      pltpu.async_copy(bufs[b][0], agg_sh.at[idx_d.at[j]], bufs[b][2],
                       add=True)

    def scat_wait(j, b):
      pltpu.make_async_copy(bufs[b][0], agg_sh.at[idx_d.at[j]],
                            bufs[b][2]).wait()

    gather_start(0, 0)
    gather_start(1, 1)

    @pl.loop(0, (CH - 2) // 3)
    def _edge_chunk(jj):
      j0 = jj * 3
      for b in range(3):
        j = j0 + b
        gather_wait(j, b)
        scat_start(j, b)
        nb = (b + 2) % 3

        @pl.when(j > 0)
        def _drain():
          scat_wait(j - 1, nb)

        gather_start(j + 2, nb)

    for j, b in ((CH - 2, (CH - 2) % 3), (CH - 1, (CH - 1) % 3)):
      gather_wait(j, b)
      scat_start(j, b)
    for j in (CH - 3, CH - 2, CH - 1):
      scat_wait(j, j % 3)

    plsc.subcore_barrier()
    pltpu.sync_copy(agg_sh.at[pl.ds(r0, ROWS_PER_TILE)],
                    out_hbm.at[c, pl.ds(r0, ROWS_PER_TILE)])

  return k


def _sc_aggregate(ytab, srcp, dstp, zeros64):
  return _agg_kernel()(ytab, srcp, dstp, zeros64)


BLK = 640
NBLK = NP // BLK


def _norm_from(p0, p1):
  deg = p0[:, :1] + p1[:, :1]
  return jnp.where(deg > 0, lax.rsqrt(jnp.maximum(deg, 1.0)), 0.0)


def _tc_layer0(x, dgo0, dgo1, W0, Rw0, Rb0):
  def body(x_ref, o0_ref, o1_ref, w_ref, rw_ref, rb_ref, y_ref, res_ref):
    xb = x_ref[...]
    norm_o = _norm_from(o0_ref[...], o1_ref[...])
    y_ref[...] = jnp.dot(xb * norm_o, w_ref[...],
                         preferred_element_type=_f32)
    res_ref[...] = jax.nn.relu(
        jnp.dot(xb, rw_ref[...], preferred_element_type=_f32) + rb_ref[...])

  return pl.pallas_call(
      body,
      grid=(NBLK,),
      in_specs=[
          pl.BlockSpec((BLK, DIN), lambda k: (k, 0)),
          pl.BlockSpec((BLK, 16), lambda k: (k, 0)),
          pl.BlockSpec((BLK, 16), lambda k: (k, 0)),
          pl.BlockSpec((DIN, H), lambda k: (0, 0)),
          pl.BlockSpec((DIN, H), lambda k: (0, 0)),
          pl.BlockSpec((1, H), lambda k: (0, 0)),
      ],
      out_specs=[
          pl.BlockSpec((BLK, H), lambda k: (k, 0)),
          pl.BlockSpec((BLK, H), lambda k: (k, 0)),
      ],
      out_shape=[jax.ShapeDtypeStruct((NP, H), _f32),
                 jax.ShapeDtypeStruct((NP, H), _f32)],
  )(x, dgo0, dgo1, W0, Rw0, Rb0)


def _tc_mid(p0, p1, res_prev, dgo0, dgo1, dgi0, dgi1,
            b_prev, g_prev, beta_prev, m_prev, v_prev, Wn, Rwn, Rbn):
  def body(p0_ref, p1_ref, rp_ref, o0_ref, o1_ref, i0_ref, i1_ref,
           b_ref, g_ref, be_ref, m_ref, v_ref, w_ref, rw_ref, rb_ref,
           y_ref, res_ref):
    norm_i = _norm_from(i0_ref[...], i1_ref[...])
    h = jax.nn.relu(norm_i * (p0_ref[...] + p1_ref[...]) + b_ref[...])
    h = h + rp_ref[...]
    h = (h - m_ref[...]) * lax.rsqrt(v_ref[...] + _EPS) * g_ref[...] \
        + be_ref[...]
    norm_o = _norm_from(o0_ref[...], o1_ref[...])
    y_ref[...] = jnp.dot(h * norm_o, w_ref[...],
                         preferred_element_type=_f32)
    res_ref[...] = jax.nn.relu(
        jnp.dot(h, rw_ref[...], preferred_element_type=_f32) + rb_ref[...])

  row = lambda k: (k, 0)
  fix = lambda k: (0, 0)
  return pl.pallas_call(
      body,
      grid=(NBLK,),
      in_specs=[
          pl.BlockSpec((BLK, H), row), pl.BlockSpec((BLK, H), row),
          pl.BlockSpec((BLK, H), row),
          pl.BlockSpec((BLK, 16), row), pl.BlockSpec((BLK, 16), row),
          pl.BlockSpec((BLK, 16), row), pl.BlockSpec((BLK, 16), row),
          pl.BlockSpec((1, H), fix), pl.BlockSpec((1, H), fix),
          pl.BlockSpec((1, H), fix), pl.BlockSpec((1, H), fix),
          pl.BlockSpec((1, H), fix),
          pl.BlockSpec((H, H), fix), pl.BlockSpec((H, H), fix),
          pl.BlockSpec((1, H), fix),
      ],
      out_specs=[
          pl.BlockSpec((BLK, H), row),
          pl.BlockSpec((BLK, H), row),
      ],
      out_shape=[jax.ShapeDtypeStruct((NP, H), _f32),
                 jax.ShapeDtypeStruct((NP, H), _f32)],
  )(p0, p1, res_prev, dgo0, dgo1, dgi0, dgi1,
    b_prev, g_prev, beta_prev, m_prev, v_prev, Wn, Rwn, Rbn)


def _tc_final(p0, p1, res_prev, dgi0, dgi1,
              b2, g2, beta2, m2, v2, gid3, Wc1, bc1, Wc2, bc2):
  def body(p0_ref, p1_ref, rp_ref, i0_ref, i1_ref,
           b_ref, g_ref, be_ref, m_ref, v_ref, gid_ref,
           wc1_ref, bc1_ref, wc2_ref, bc2_ref, pooled_ref, out_ref):
    k = pl.program_id(0)
    norm_i = _norm_from(i0_ref[...], i1_ref[...])
    h = jax.nn.relu(norm_i * (p0_ref[...] + p1_ref[...]) + b_ref[...])
    h = h + rp_ref[...]
    h = (h - m_ref[...]) * lax.rsqrt(v_ref[...] + _EPS) * g_ref[...] \
        + be_ref[...]
    gid = gid_ref[0]
    seg = lax.broadcasted_iota(jnp.int32, (G, BLK), 0)
    mask = (seg == gid).astype(_f32)
    contrib = jnp.dot(mask, h, preferred_element_type=_f32)

    @pl.when(k == 0)
    def _init():
      pooled_ref[...] = contrib

    @pl.when(k > 0)
    def _acc():
      pooled_ref[...] += contrib

    @pl.when(k == NBLK - 1)
    def _head():
      pooled = pooled_ref[...]
      hid = jax.nn.relu(
          jnp.dot(pooled, wc1_ref[...], preferred_element_type=_f32)
          + bc1_ref[...])
      out_ref[...] = jnp.dot(hid, wc2_ref[...],
                             preferred_element_type=_f32) + bc2_ref[...]

  row = lambda k: (k, 0)
  fix = lambda k: (0, 0)
  return pl.pallas_call(
      body,
      grid=(NBLK,),
      in_specs=[
          pl.BlockSpec((BLK, H), row), pl.BlockSpec((BLK, H), row),
          pl.BlockSpec((BLK, H), row),
          pl.BlockSpec((BLK, 16), row), pl.BlockSpec((BLK, 16), row),
          pl.BlockSpec((1, H), fix), pl.BlockSpec((1, H), fix),
          pl.BlockSpec((1, H), fix), pl.BlockSpec((1, H), fix),
          pl.BlockSpec((1, H), fix),
          pl.BlockSpec((1, 1, BLK), lambda k: (k, 0, 0)),
          pl.BlockSpec((H, G), fix), pl.BlockSpec((1, G), fix),
          pl.BlockSpec((G, 2), fix), pl.BlockSpec((1, 2), fix),
      ],
      out_specs=[
          pl.BlockSpec((G, H), fix),
          pl.BlockSpec((G, 2), fix),
      ],
      out_shape=[jax.ShapeDtypeStruct((G, H), _f32),
                 jax.ShapeDtypeStruct((G, 2), _f32)],
  )(p0, p1, res_prev, dgi0, dgi1,
    b2, g2, beta2, m2, v2, gid3, Wc1, bc1, Wc2, bc2)[1]


def kernel(node_feats, edge_index, graph_ids,
           W0, b0, Rw0, Rb0, g0, beta0, m0, v0,
           W1, b1, Rw1, Rb1, g1, beta1, m1, v1,
           W2, b2, Rw2, Rb2, g2, beta2, m2, v2,
           Wc1, bc1, Wc2, bc2):
  x = jnp.pad(node_feats, ((0, NP - N), (0, 0)))
  pad_e = EP - E
  srcp = jnp.concatenate(
      [edge_index[0], jnp.full((pad_e,), N, jnp.int32)]).reshape(NW * CH, CHUNK)
  dstp = jnp.concatenate(
      [edge_index[1], jnp.full((pad_e,), N, jnp.int32)]).reshape(NW * CH, CHUNK)
  gid3 = jnp.pad(graph_ids, (0, NP - N),
                 constant_values=G + 1).reshape(NBLK, 1, BLK)
  zeros64 = jnp.zeros((NP, H), _f32)
  zeros16 = jnp.zeros((NP, 16), _f32)
  as_row = lambda t: t.reshape(1, -1)

  dego, degi = _sc_degrees(srcp, dstp, zeros16)
  dgo0, dgo1 = dego[0], dego[1]
  dgi0, dgi1 = degi[0], degi[1]

  y0, res0 = _tc_layer0(x, dgo0, dgo1, W0, Rw0, as_row(Rb0))
  p = _sc_aggregate(y0, srcp, dstp, zeros64)

  y1, res1 = _tc_mid(p[0], p[1], res0, dgo0, dgo1, dgi0, dgi1,
                     as_row(b0), as_row(g0), as_row(beta0), as_row(m0),
                     as_row(v0), W1, Rw1, as_row(Rb1))
  p = _sc_aggregate(y1, srcp, dstp, zeros64)

  y2, res2 = _tc_mid(p[0], p[1], res1, dgo0, dgo1, dgi0, dgi1,
                     as_row(b1), as_row(g1), as_row(beta1), as_row(m1),
                     as_row(v1), W2, Rw2, as_row(Rb2))
  p = _sc_aggregate(y2, srcp, dstp, zeros64)

  return _tc_final(p[0], p[1], res2, dgi0, dgi1,
                   as_row(b2), as_row(g2), as_row(beta2), as_row(m2),
                   as_row(v2), gid3, Wc1, bc1.reshape(1, G), Wc2,
                   bc2.reshape(1, 2))

# --- scband reference (transcript-rebuilt; emitter-appended) ---
"""Pipeline reference for scband-dgllife-gcnclassifier-11785390260439 (READ-ONLY COPY).

The authoritative reference and input builder live on the scoring server;
editing this copy changes nothing except your own understanding.
"""

import jax, jax.numpy as jnp
import numpy as np

_EPS = 1e-5

def _gcn_layer(x, src, dst, W, b, Rw, Rb, g, beta, m, v):
    N, D = x.shape
    outdeg = jnp.zeros((N,), x.dtype).at[src].add(1.0)
    indeg = jnp.zeros((N,), x.dtype).at[dst].add(1.0)
    norm_out = jnp.where(outdeg > 0, jax.lax.rsqrt(jnp.maximum(outdeg, 1.0)), 0.0)
    norm_in = jnp.where(indeg > 0, jax.lax.rsqrt(jnp.maximum(indeg, 1.0)), 0.0)
    h = x * norm_out[:, None]
    agg = jnp.zeros((N, D), x.dtype).at[dst].add(h[src])
    agg = agg * norm_in[:, None]
    h = jax.nn.relu(agg @ W + b)
    res = jax.nn.relu(x @ Rw + Rb)
    h = h + res
    h = (h - m) * jax.lax.rsqrt(v + _EPS) * g + beta
    return h

def setup_inputs(seed: int = 0) -> dict:
    key = jax.random.key(seed)
    ks = jax.random.split(key, 32)
    N, E, Din, H, G = 10000, 320000, 128, 64, 128
    inp = {}
    inp['node_feats'] = jax.random.normal(ks[0], (N, Din), jnp.float32)
    inp['edge_index'] = jax.random.randint(ks[1], (2, E), 0, N, dtype=jnp.int32)
    inp['graph_ids'] = jnp.sort(jax.random.randint(ks[2], (N,), 0, G, dtype=jnp.int32))
    dims = [(Din, H), (H, H), (H, H)]
    ki = 3
    for i, (di, do) in enumerate(dims):
        inp[f'W{i}'] = jax.random.normal(ks[ki], (di, do), jnp.float32) * (1.0 / np.sqrt(di)); ki += 1
        inp[f'b{i}'] = jnp.zeros((do,), jnp.float32)
        inp[f'Rw{i}'] = jax.random.normal(ks[ki], (di, do), jnp.float32) * (1.0 / np.sqrt(di)); ki += 1
        inp[f'Rb{i}'] = jnp.zeros((do,), jnp.float32)
        inp[f'g{i}'] = jnp.ones((do,), jnp.float32)
        inp[f'beta{i}'] = jnp.zeros((do,), jnp.float32)
        inp[f'm{i}'] = jnp.zeros((do,), jnp.float32)
        inp[f'v{i}'] = jnp.ones((do,), jnp.float32)
    inp['Wc1'] = jax.random.normal(ks[ki], (H, 128), jnp.float32) * (1.0 / np.sqrt(H)); ki += 1
    inp['bc1'] = jnp.zeros((128,), jnp.float32)
    inp['Wc2'] = jax.random.normal(ks[ki], (128, 2), jnp.float32) * (1.0 / np.sqrt(128.0)); ki += 1
    inp['bc2'] = jnp.zeros((2,), jnp.float32)
    return inp

def reference(node_feats, edge_index, graph_ids,
              W0, b0, Rw0, Rb0, g0, beta0, m0, v0,
              W1, b1, Rw1, Rb1, g1, beta1, m1, v1,
              W2, b2, Rw2, Rb2, g2, beta2, m2, v2,
              Wc1, bc1, Wc2, bc2):
    src = edge_index[0]
    dst = edge_index[1]
    h = _gcn_layer(node_feats, src, dst, W0, b0, Rw0, Rb0, g0, beta0, m0, v0)
    h = _gcn_layer(h, src, dst, W1, b1, Rw1, Rb1, g1, beta1, m1, v1)
    h = _gcn_layer(h, src, dst, W2, b2, Rw2, Rb2, g2, beta2, m2, v2)
    pooled = jax.ops.segment_sum(h, graph_ids, num_segments=128)
    hid = jax.nn.relu(pooled @ Wc1 + bc1)
    logits = hid @ Wc2 + bc2
    return logits

if __name__ == "__main__":
    import jax
    _d = setup_inputs()
    print(jax.jit(kernel)(*tuple(_d.values())))

</pallas_src>

<mosaic_0001>
#map = affine_map<(d0, d1) -> (0, 0)>
#map1 = affine_map<(d0, d1) -> (0, 0, 0)>
module attributes {stable_mosaic.version = 14 : i64} {
  func.func @k(%arg0: i32, %arg1: i32, %arg2: memref<10240x64xf32, #tpu.memory_space<hbm>>, %arg3: memref<2560x128xi32, #tpu.memory_space<hbm>>, %arg4: memref<2560x128xi32, #tpu.memory_space<hbm>>, %arg5: memref<10240x64xf32, #tpu.memory_space<hbm>>, %arg6: memref<2x10240x64xf32, #tpu.memory_space<hbm>>, %arg7: memref<80x128xi32, #tpu.memory_space<vmem>>, %arg8: memref<80x128xi32, #tpu.memory_space<vmem>>, %arg9: memref<128x64xf32, #tpu.memory_space<vmem>>, %arg10: memref<128x64xf32, #tpu.memory_space<vmem>>, %arg11: memref<128x64xf32, #tpu.memory_space<vmem>>, %arg12: memref<10240x64xf32, #tpu.memory_space<vmem_shared>>, %arg13: memref<10240x64xf32, #tpu.memory_space<vmem_shared>>, %arg14: memref<!tpu.dma_semaphore, #tpu.memory_space<semaphore_mem>>, %arg15: memref<!tpu.dma_semaphore, #tpu.memory_space<semaphore_mem>>, %arg16: memref<!tpu.dma_semaphore, #tpu.memory_space<semaphore_mem>>, %arg17: memref<!tpu.dma_semaphore, #tpu.memory_space<semaphore_mem>>, %arg18: memref<!tpu.dma_semaphore, #tpu.memory_space<semaphore_mem>>, %arg19: memref<!tpu.dma_semaphore, #tpu.memory_space<semaphore_mem>>) attributes {dimension_semantics = [#tpu.dimension_semantics<core_parallel>, #tpu.dimension_semantics<subcore_parallel>], iteration_bounds = array<i64: 2, 16>, scalar_prefetch = 0 : i64, scratch_operands = 13 : i64, tpu.core_type = #tpu.core_type<sc_vector_subcore>, window_params = [{transform_indices = #map}, {transform_indices = #map}, {transform_indices = #map}, {transform_indices = #map}, {transform_indices = #map1}]} {
    %mul3A = arith.constant 2 : i32
    %mul3A_0 = arith.muli %arg1, %mul3A : i32
    %add3A = arith.addi %mul3A_0, %arg0 : i32
    %mul3A_1 = arith.constant 640 : i32
    %mul3A_2 = arith.muli %arg1, %mul3A_1 : i32
    %mul3A_3 = arith.constant 80 : i32
    %mul3A_4 = arith.muli %add3A, %mul3A_3 : i32
    %mul3A_5 = arith.constant 80 : i32
    %mul3A_6 = arith.muli %add3A, %mul3A_5 : i32
    %dma_start3A = arith.constant 0 : i32
    %dma_start3A_7 = tpu.memref_slice %arg13[%mul3A_2, %dma_start3A] : memref<10240x64xf32, #tpu.memory_space<vmem_shared>> -> memref<640x64xf32, #tpu.memory_space<vmem_shared>>
    %dma_start3A_8 = arith.constant 0 : i32
    %dma_start3A_9 = tpu.memref_slice %arg5[%mul3A_2, %dma_start3A_8] : memref<10240x64xf32, #tpu.memory_space<hbm>> -> memref<640x64xf32, #tpu.memory_space<hbm>>
    tpu.enqueue_dma source(%dma_start3A_9 : memref<640x64xf32, #tpu.memory_space<hbm>>) target(%dma_start3A_7 : memref<640x64xf32, #tpu.memory_space<vmem_shared>>) target_semaphore(%arg14 : memref<!tpu.dma_semaphore, #tpu.memory_space<semaphore_mem>>)
    %dma_start3A_10 = arith.constant 0 : i32
    %dma_start3A_11 = tpu.memref_slice %arg12[%mul3A_2, %dma_start3A_10] : memref<10240x64xf32, #tpu.memory_space<vmem_shared>> -> memref<640x64xf32, #tpu.memory_space<vmem_shared>>
    %dma_start3A_12 = arith.constant 0 : i32
    %dma_start3A_13 = tpu.memref_slice %arg2[%mul3A_2, %dma_start3A_12] : memref<10240x64xf32, #tpu.memory_space<hbm>> -> memref<640x64xf32, #tpu.memory_space<hbm>>
    tpu.enqueue_dma source(%dma_start3A_13 : memref<640x64xf32, #tpu.memory_space<hbm>>) target(%dma_start3A_11 : memref<640x64xf32, #tpu.memory_space<vmem_shared>>) target_semaphore(%arg14 : memref<!tpu.dma_semaphore, #tpu.memory_space<semaphore_mem>>)
    %dma_start3A_14 = arith.constant 0 : i32
    %dma_start3A_15 = tpu.memref_slice %arg3[%mul3A_4, %dma_start3A_14] : memref<2560x128xi32, #tpu.memory_space<hbm>> -> memref<80x128xi32, #tpu.memory_space<hbm>>
    %dma_start3A_16 = arith.constant 0 : i32
    %dma_start3A_17 = tpu.memref_slice %arg3[%mul3A_4, %dma_start3A_16] : memref<2560x128xi32, #tpu.memory_space<hbm>> -> memref<80x128xi32, #tpu.memory_space<hbm>>
    tpu.enqueue_dma source(%dma_start3A_17 : memref<80x128xi32, #tpu.memory_space<hbm>>) target(%arg7 : memref<80x128xi32, #tpu.memory_space<vmem>>) target_semaphore(%arg14 : memref<!tpu.dma_semaphore, #tpu.memory_space<semaphore_mem>>)
    %dma_start3A_18 = arith.constant 0 : i32
    %dma_start3A_19 = tpu.memref_slice %arg4[%mul3A_6, %dma_start3A_18] : memref<2560x128xi32, #tpu.memory_space<hbm>> -> memref<80x128xi32, #tpu.memory_space<hbm>>
    %dma_start3A_20 = arith.constant 0 : i32
    %dma_start3A_21 = tpu.memref_slice %arg4[%mul3A_6, %dma_start3A_20] : memref<2560x128xi32, #tpu.memory_space<hbm>> -> memref<80x128xi32, #tpu.memory_space<hbm>>
    tpu.enqueue_dma source(%dma_start3A_21 : memref<80x128xi32, #tpu.memory_space<hbm>>) target(%arg8 : memref<80x128xi32, #tpu.memory_space<vmem>>) target_semaphore(%arg14 : memref<!tpu.dma_semaphore, #tpu.memory_space<semaphore_mem>>)
    %dma_wait3A = arith.constant 0 : i32
    %dma_wait3A_22 = tpu.memref_slice %arg13[%mul3A_2, %dma_wait3A] : memref<10240x64xf32, #tpu.memory_space<vmem_shared>> -> memref<640x64xf32, #tpu.memory_space<vmem_shared>>
    %dma_wait3A_23 = arith.constant 0 : i32
    %dma_wait3A_24 = tpu.memref_slice %arg5[%mul3A_2, %dma_wait3A_23] : memref<10240x64xf32, #tpu.memory_space<hbm>> -> memref<640x64xf32, #tpu.memory_space<hbm>>
    tpu.wait_dma2 semaphore(%arg14 : memref<!tpu.dma_semaphore, #tpu.memory_space<semaphore_mem>>) src(%dma_wait3A_24 : memref<640x64xf32, #tpu.memory_space<hbm>>) dst(%dma_wait3A_22 : memref<640x64xf32, #tpu.memory_space<vmem_shared>>)
    %dma_wait3A_25 = arith.constant 0 : i32
    %dma_wait3A_26 = tpu.memref_slice %arg12[%mul3A_2, %dma_wait3A_25] : memref<10240x64xf32, #tpu.memory_space<vmem_shared>> -> memref<640x64xf32, #tpu.memory_space<vmem_shared>>
    %dma_wait3A_27 = arith.constant 0 : i32
    %dma_wait3A_28 = tpu.memref_slice %arg2[%mul3A_2, %dma_wait3A_27] : memref<10240x64xf32, #tpu.memory_space<hbm>> -> memref<640x64xf32, #tpu.memory_space<hbm>>
    tpu.wait_dma2 semaphore(%arg14 : memref<!tpu.dma_semaphore, #tpu.memory_space<semaphore_mem>>) src(%dma_wait3A_28 : memref<640x64xf32, #tpu.memory_space<hbm>>) dst(%dma_wait3A_26 : memref<640x64xf32, #tpu.memory_space<vmem_shared>>)
    %dma_wait3A_29 = arith.constant 0 : i32
    %dma_wait3A_30 = tpu.memref_slice %arg3[%mul3A_4, %dma_wait3A_29] : memref<2560x128xi32, #tpu.memory_space<hbm>> -> memref<80x128xi32, #tpu.memory_space<hbm>>
    %dma_wait3A_31 = arith.constant 0 : i32
    %dma_wait3A_32 = tpu.memref_slice %arg3[%mul3A_4, %dma_wait3A_31] : memref<2560x128xi32, #tpu.memory_space<hbm>> -> memref<80x128xi32, #tpu.memory_space<hbm>>
    tpu.wait_dma2 semaphore(%arg14 : memref<!tpu.dma_semaphore, #tpu.memory_space<semaphore_mem>>) src(%dma_wait3A_32 : memref<80x128xi32, #tpu.memory_space<hbm>>) dst(%arg7 : memref<80x128xi32, #tpu.memory_space<vmem>>)
    %dma_wait3A_33 = arith.constant 0 : i32
    %dma_wait3A_34 = tpu.memref_slice %arg4[%mul3A_6, %dma_wait3A_33] : memref<2560x128xi32, #tpu.memory_space<hbm>> -> memref<80x128xi32, #tpu.memory_space<hbm>>
    %dma_wait3A_35 = arith.constant 0 : i32
    %dma_wait3A_36 = tpu.memref_slice %arg4[%mul3A_6, %dma_wait3A_35] : memref<2560x128xi32, #tpu.memory_space<hbm>> -> memref<80x128xi32, #tpu.memory_space<hbm>>
    tpu.wait_dma2 semaphore(%arg14 : memref<!tpu.dma_semaphore, #tpu.memory_space<semaphore_mem>>) src(%dma_wait3A_36 : memref<80x128xi32, #tpu.memory_space<hbm>>) dst(%arg8 : memref<80x128xi32, #tpu.memory_space<vmem>>)
    %barrier3A = arith.constant 0 : index
    tpu.barrier barrier_id(%barrier3A)
    %dma_start3A_37 = arith.constant 0 : i32
    %dma_start3A_38 = arith.constant 0 : i32
    %dma_start3A_39 = tpu.memref_slice %arg7[%dma_start3A_37, %dma_start3A_38] : memref<80x128xi32, #tpu.memory_space<vmem>> -> memref<1x128xi32, #tpu.memory_space<vmem>>
    %dma_start3A_40 = tpu.memref_squeeze %dma_start3A_39 : memref<1x128xi32, #tpu.memory_space<vmem>> -> memref<128xi32, #tpu.memory_space<vmem>>
    %dma_start3A_41 = arith.constant 0 : i32
    %dma_start3A_42 = arith.constant 0 : i32
    %dma_start3A_43 = tpu.memref_slice %arg12[%dma_start3A_41, %dma_start3A_42] : memref<10240x64xf32, #tpu.memory_space<vmem_shared>> -> memref<10240x64xf32, #tpu.memory_space<vmem_shared>>
    tpu.enqueue_indirect_dma source(%dma_start3A_43 : memref<10240x64xf32, #tpu.memory_space<vmem_shared>>) target(%arg9 : memref<128x64xf32, #tpu.memory_space<vmem>>) offsets(%dma_start3A_40 : memref<128xi32, #tpu.memory_space<vmem>>) semaphore(%arg14 : memref<!tpu.dma_semaphore, #tpu.memory_space<semaphore_mem>>)
    %dma_start3A_44 = arith.constant 1 : i32
    %dma_start3A_45 = arith.constant 0 : i32
    %dma_start3A_46 = tpu.memref_slice %arg7[%dma_start3A_44, %dma_start3A_45] : memref<80x128xi32, #tpu.memory_space<vmem>> -> memref<1x128xi32, #tpu.memory_space<vmem>>
    %dma_start3A_47 = tpu.memref_squeeze %dma_start3A_46 : memref<1x128xi32, #tpu.memory_space<vmem>> -> memref<128xi32, #tpu.memory_space<vmem>>
    %dma_start3A_48 = arith.constant 0 : i32
    %dma_start3A_49 = arith.constant 0 : i32
    %dma_start3A_50 = tpu.memref_slice %arg12[%dma_start3A_48, %dma_start3A_49] : memref<10240x64xf32, #tpu.memory_space<vmem_shared>> -> memref<10240x64xf32, #tpu.memory_space<vmem_shared>>
    tpu.enqueue_indirect_dma source(%dma_start3A_50 : memref<10240x64xf32, #tpu.memory_space<vmem_shared>>) target(%arg10 : memref<128x64xf32, #tpu.memory_space<vmem>>) offsets(%dma_start3A_47 : memref<128xi32, #tpu.memory_space<vmem>>) semaphore(%arg15 : memref<!tpu.dma_semaphore, #tpu.memory_space<semaphore_mem>>)
    %scan3A = arith.constant 0 : i32
    %scan3A_51 = arith.constant 26 : i32
    %scan3A_52 = arith.addi %scan3A, %scan3A_51 : i32
    %scan3A_53 = arith.constant 1 : i32
    scf.for %scan3A_105 = %scan3A to %scan3A_52 step %scan3A_53  : i32 {
      %mul3A_106 = arith.constant 1 : i32
      %mul3A_107 = arith.muli %scan3A_105, %mul3A_106 : i32
      %add3A_108 = arith.constant 0 : i32
      %add3A_109 = arith.addi %add3A_108, %mul3A_107 : i32
      %mul3A_110 = arith.constant 3 : i32
      %mul3A_111 = arith.muli %add3A_109, %mul3A_110 : i32
      %add3A_112 = arith.constant 0 : i32
      %add3A_113 = arith.addi %mul3A_111, %add3A_112 : i32
      %dma_wait3A_114 = arith.constant 0 : i32
      %dma_wait3A_115 = tpu.memref_slice %arg7[%add3A_113, %dma_wait3A_114] : memref<80x128xi32, #tpu.memory_space<vmem>> -> memref<1x128xi32, #tpu.memory_space<vmem>>
      %dma_wait3A_116 = tpu.memref_squeeze %dma_wait3A_115 : memref<1x128xi32, #tpu.memory_space<vmem>> -> memref<128xi32, #tpu.memory_space<vmem>>
      %dma_wait3A_117 = arith.constant 0 : i32
      %dma_wait3A_118 = arith.constant 0 : i32
      %dma_wait3A_119 = tpu.memref_slice %arg12[%dma_wait3A_117, %dma_wait3A_118] : memref<10240x64xf32, #tpu.memory_space<vmem_shared>> -> memref<10240x64xf32, #tpu.memory_space<vmem_shared>>
      tpu.wait_indirect_dma semaphore(%arg14 : memref<!tpu.dma_semaphore, #tpu.memory_space<semaphore_mem>>) src(%dma_wait3A_119 : memref<10240x64xf32, #tpu.memory_space<vmem_shared>>) dst(%arg9 : memref<128x64xf32, #tpu.memory_space<vmem>>)
      %dma_start3A_120 = arith.constant 0 : i32
      %dma_start3A_121 = tpu.memref_slice %arg8[%add3A_113, %dma_start3A_120] : memref<80x128xi32, #tpu.memory_space<vmem>> -> memref<1x128xi32, #tpu.memory_space<vmem>>
      %dma_start3A_122 = tpu.memref_squeeze %dma_start3A_121 : memref<1x128xi32, #tpu.memory_space<vmem>> -> memref<128xi32, #tpu.memory_space<vmem>>
      %dma_start3A_123 = arith.constant 0 : i32
      %dma_start3A_124 = arith.constant 0 : i32
      %dma_start3A_125 = tpu.memref_slice %arg13[%dma_start3A_123, %dma_start3A_124] : memref<10240x64xf32, #tpu.memory_space<vmem_shared>> -> memref<10240x64xf32, #tpu.memory_space<vmem_shared>>
      tpu.enqueue_indirect_dma source(%arg9 : memref<128x64xf32, #tpu.memory_space<vmem>>) target(%dma_start3A_125 : memref<10240x64xf32, #tpu.memory_space<vmem_shared>>) offsets(%dma_start3A_122 : memref<128xi32, #tpu.memory_space<vmem>>) semaphore(%arg17 : memref<!tpu.dma_semaphore, #tpu.memory_space<semaphore_mem>>) {add = true}
      %gt3A = arith.constant 0 : i32
      %gt3A_126 = arith.cmpi sgt, %add3A_113, %gt3A : i32
      %convert_element_type3A = arith.extui %gt3A_126 : i1 to i32
      %cond3A = arith.constant 0 : i32
      %cond3A_127 = arith.cmpi ne, %convert_element_type3A, %cond3A : i32
      scf.if %cond3A_127 {
        %sub3A = arith.constant 1 : i32
        %sub3A_190 = arith.subi %add3A_113, %sub3A : i32
        %dma_wait3A_191 = arith.constant 0 : i32
        %dma_wait3A_192 = tpu.memref_slice %arg8[%sub3A_190, %dma_wait3A_191] : memref<80x128xi32, #tpu.memory_space<vmem>> -> memref<1x128xi32, #tpu.memory_space<vmem>>
        %dma_wait3A_193 = tpu.memref_squeeze %dma_wait3A_192 : memref<1x128xi32, #tpu.memory_space<vmem>> -> memref<128xi32, #tpu.memory_space<vmem>>
        %dma_wait3A_194 = arith.constant 0 : i32
        %dma_wait3A_195 = arith.constant 0 : i32
        %dma_wait3A_196 = tpu.memref_slice %arg13[%dma_wait3A_194, %dma_wait3A_195] : memref<10240x64xf32, #tpu.memory_space<vmem_shared>> -> memref<10240x64xf32, #tpu.memory_space<vmem_shared>>
        tpu.wait_indirect_dma semaphore(%arg19 : memref<!tpu.dma_semaphore, #tpu.memory_space<semaphore_mem>>) src(%arg11 : memref<128x64xf32, #tpu.memory_space<vmem>>) dst(%dma_wait3A_196 : memref<10240x64xf32, #tpu.memory_space<vmem_shared>>)
      } else {
      }
      %add3A_128 = arith.constant 2 : i32
      %add3A_129 = arith.addi %add3A_113, %add3A_128 : i32
      %dma_start3A_130 = arith.constant 0 : i32
      %dma_start3A_131 = tpu.memref_slice %arg7[%add3A_129, %dma_start3A_130] : memref<80x128xi32, #tpu.memory_space<vmem>> -> memref<1x128xi32, #tpu.memory_space<vmem>>
      %dma_start3A_132 = tpu.memref_squeeze %dma_start3A_131 : memref<1x128xi32, #tpu.memory_space<vmem>> -> memref<128xi32, #tpu.memory_space<vmem>>
      %dma_start3A_133 = arith.constant 0 : i32
      %dma_start3A_134 = arith.constant 0 : i32
      %dma_start3A_135 = tpu.memref_slice %arg12[%dma_start3A_133, %dma_start3A_134] : memref<10240x64xf32, #tpu.memory_space<vmem_shared>> -> memref<10240x64xf32, #tpu.memory_space<vmem_shared>>
      tpu.enqueue_indirect_dma source(%dma_start3A_135 : memref<10240x64xf32, #tpu.memory_space<vmem_shared>>) target(%arg11 : memref<128x64xf32, #tpu.memory_space<vmem>>) offsets(%dma_start3A_132 : memref<128xi32, #tpu.memory_space<vmem>>) semaphore(%arg16 : memref<!tpu.dma_semaphore, #tpu.memory_space<semaphore_mem>>)
      %add3A_136 = arith.constant 1 : i32
      %add3A_137 = arith.addi %mul3A_111, %add3A_136 : i32
      %dma_wait3A_138 = arith.constant 0 : i32
      %dma_wait3A_139 = tpu.memref_slice %arg7[%add3A_137, %dma_wait3A_138] : memref<80x128xi32, #tpu.memory_space<vmem>> -> memref<1x128xi32, #tpu.memory_space<vmem>>
      %dma_wait3A_140 = tpu.memref_squeeze %dma_wait3A_139 : memref<1x128xi32, #tpu.memory_space<vmem>> -> memref<128xi32, #tpu.memory_space<vmem>>
      %dma_wait3A_141 = arith.constant 0 : i32
      %dma_wait3A_142 = arith.constant 0 : i32
      %dma_wait3A_143 = tpu.memref_slice %arg12[%dma_wait3A_141, %dma_wait3A_142] : memref<10240x64xf32, #tpu.memory_space<vmem_shared>> -> memref<10240x64xf32, #tpu.memory_space<vmem_shared>>
      tpu.wait_indirect_dma semaphore(%arg15 : memref<!tpu.dma_semaphore, #tpu.memory_space<semaphore_mem>>) src(%dma_wait3A_143 : memref<10240x64xf32, #tpu.memory_space<vmem_shared>>) dst(%arg10 : memref<128x64xf32, #tpu.memory_space<vmem>>)
      %dma_start3A_144 = arith.constant 0 : i32
      %dma_start3A_145 = tpu.memref_slice %arg8[%add3A_137, %dma_start3A_144] : memref<80x128xi32, #tpu.memory_space<vmem>> -> memref<1x128xi32, #tpu.memory_space<vmem>>
      %dma_start3A_146 = tpu.memref_squeeze %dma_start3A_145 : memref<1x128xi32, #tpu.memory_space<vmem>> -> memref<128xi32, #tpu.memory_space<vmem>>
      %dma_start3A_147 = arith.constant 0 : i32
      %dma_start3A_148 = arith.constant 0 : i32
      %dma_start3A_149 = tpu.memref_slice %arg13[%dma_start3A_147, %dma_start3A_148] : memref<10240x64xf32, #tpu.memory_space<vmem_shared>> -> memref<10240x64xf32, #tpu.memory_space<vmem_shared>>
      tpu.enqueue_indirect_dma source(%arg10 : memref<128x64xf32, #tpu.memory_space<vmem>>) target(%dma_start3A_149 : memref<10240x64xf32, #tpu.memory_space<vmem_shared>>) offsets(%dma_start3A_146 : memref<128xi32, #tpu.memory_space<vmem>>) semaphore(%arg18 : memref<!tpu.dma_semaphore, #tpu.memory_space<semaphore_mem>>) {add = true}
      %gt3A_150 = arith.constant 0 : i32
      %gt3A_151 = arith.cmpi sgt, %add3A_137, %gt3A_150 : i32
      %convert_element_type3A_152 = arith.extui %gt3A_151 : i1 to i32
      %cond3A_153 = arith.constant 0 : i32
      %cond3A_154 = arith.cmpi ne, %convert_element_type3A_152, %cond3A_153 : i32
      scf.if %cond3A_154 {
        %sub3A = arith.constant 1 : i32
        %sub3A_190 = arith.subi %add3A_137, %sub3A : i32
        %dma_wait3A_191 = arith.constant 0 : i32
        %dma_wait3A_192 = tpu.memref_slice %arg8[%sub3A_190, %dma_wait3A_191] : memref<80x128xi32, #tpu.memory_space<vmem>> -> memref<1x128xi32, #tpu.memory_space<vmem>>
        %dma_wait3A_193 = tpu.memref_squeeze %dma_wait3A_192 : memref<1x128xi32, #tpu.memory_space<vmem>> -> memref<128xi32, #tpu.memory_space<vmem>>
        %dma_wait3A_194 = arith.constant 0 : i32
        %dma_wait3A_195 = arith.constant 0 : i32
        %dma_wait3A_196 = tpu.memref_slice %arg13[%dma_wait3A_194, %dma_wait3A_195] : memref<10240x64xf32, #tpu.memory_space<vmem_shared>> -> memref<10240x64xf32, #tpu.memory_space<vmem_shared>>
        tpu.wait_indirect_dma semaphore(%arg17 : memref<!tpu.dma_semaphore, #tpu.memory_space<semaphore_mem>>) src(%arg9 : memref<128x64xf32, #tpu.memory_space<vmem>>) dst(%dma_wait3A_196 : memref<10240x64xf32, #tpu.memory_space<vmem_shared>>)
      } else {
      }
      %add3A_155 = arith.constant 2 : i32
      %add3A_156 = arith.addi %add3A_137, %add3A_155 : i32
      %dma_start3A_157 = arith.constant 0 : i32
      %dma_start3A_158 = tpu.memref_slice %arg7[%add3A_156, %dma_start3A_157] : memref<80x128xi32, #tpu.memory_space<vmem>> -> memref<1x128xi32, #tpu.memory_space<vmem>>
      %dma_start3A_159 = tpu.memref_squeeze %dma_start3A_158 : memref<1x128xi32, #tpu.memory_space<vmem>> -> memref<128xi32, #tpu.memory_space<vmem>>
      %dma_start3A_160 = arith.constant 0 : i32
      %dma_start3A_161 = arith.constant 0 : i32
      %dma_start3A_162 = tpu.memref_slice %arg12[%dma_start3A_160, %dma_start3A_161] : memref<10240x64xf32, #tpu.memory_space<vmem_shared>> -> memref<10240x64xf32, #tpu.memory_space<vmem_shared>>
      tpu.enqueue_indirect_dma source(%dma_start3A_162 : memref<10240x64xf32, #tpu.memory_space<vmem_shared>>) target(%arg9 : memref<128x64xf32, #tpu.memory_space<vmem>>) offsets(%dma_start3A_159 : memref<128xi32, #tpu.memory_space<vmem>>) semaphore(%arg14 : memref<!tpu.dma_semaphore, #tpu.memory_space<semaphore_mem>>)
      %add3A_163 = arith.constant 2 : i32
      %add3A_164 = arith.addi %mul3A_111, %add3A_163 : i32
      %dma_wait3A_165 = arith.constant 0 : i32
      %dma_wait3A_166 = tpu.memref_slice %arg7[%add3A_164, %dma_wait3A_165] : memref<80x128xi32, #tpu.memory_space<vmem>> -> memref<1x128xi32, #tpu.memory_space<vmem>>
      %dma_wait3A_167 = tpu.memref_squeeze %dma_wait3A_166 : memref<1x128xi32, #tpu.memory_space<vmem>> -> memref<128xi32, #tpu.memory_space<vmem>>
      %dma_wait3A_168 = arith.constant 0 : i32
      %dma_wait3A_169 = arith.constant 0 : i32
      %dma_wait3A_170 = tpu.memref_slice %arg12[%dma_wait3A_168, %dma_wait3A_169] : memref<10240x64xf32, #tpu.memory_space<vmem_shared>> -> memref<10240x64xf32, #tpu.memory_space<vmem_shared>>
      tpu.wait_indirect_dma semaphore(%arg16 : memref<!tpu.dma_semaphore, #tpu.memory_space<semaphore_mem>>) src(%dma_wait3A_170 : memref<10240x64xf32, #tpu.memory_space<vmem_shared>>) dst(%arg11 : memref<128x64xf32, #tpu.memory_space<vmem>>)
      %dma_start3A_171 = arith.constant 0 : i32
      %dma_start3A_172 = tpu.memref_slice %arg8[%add3A_164, %dma_start3A_171] : memref<80x128xi32, #tpu.memory_space<vmem>> -> memref<1x128xi32, #tpu.memory_space<vmem>>
      %dma_start3A_173 = tpu.memref_squeeze %dma_start3A_172 : memref<1x128xi32, #tpu.memory_space<vmem>> -> memref<128xi32, #tpu.memory_space<vmem>>
      %dma_start3A_174 = arith.constant 0 : i32
      %dma_start3A_175 = arith.constant 0 : i32
      %dma_start3A_176 = tpu.memref_slice %arg13[%dma_start3A_174, %dma_start3A_175] : memref<10240x64xf32, #tpu.memory_space<vmem_shared>> -> memref<10240x64xf32, #tpu.memory_space<vmem_shared>>
      tpu.enqueue_indirect_dma source(%arg11 : memref<128x64xf32, #tpu.memory_space<vmem>>) target(%dma_start3A_176 : memref<10240x64xf32, #tpu.memory_space<vmem_shared>>) offsets(%dma_start3A_173 : memref<128xi32, #tpu.memory_space<vmem>>) semaphore(%arg19 : memref<!tpu.dma_semaphore, #tpu.memory_space<semaphore_mem>>) {add = true}
      %gt3A_177 = arith.constant 0 : i32
      %gt3A_178 = arith.cmpi sgt, %add3A_164, %gt3A_177 : i32
      %convert_element_type3A_179 = arith.extui %gt3A_178 : i1 to i32
      %cond3A_180 = arith.constant 0 : i32
      %cond3A_181 = arith.cmpi ne, %convert_element_type3A_179, %cond3A_180 : i32
      scf.if %cond3A_181 {
        %sub3A = arith.constant 1 : i32
        %sub3A_190 = arith.subi %add3A_164, %sub3A : i32
        %dma_wait3A_191 = arith.constant 0 : i32
        %dma_wait3A_192 = tpu.memref_slice %arg8[%sub3A_190, %dma_wait3A_191] : memref<80x128xi32, #tpu.memory_space<vmem>> -> memref<1x128xi32, #tpu.memory_space<vmem>>
        %dma_wait3A_193 = tpu.memref_squeeze %dma_wait3A_192 : memref<1x128xi32, #tpu.memory_space<vmem>> -> memref<128xi32, #tpu.memory_space<vmem>>
        %dma_wait3A_194 = arith.constant 0 : i32
        %dma_wait3A_195 = arith.constant 0 : i32
        %dma_wait3A_196 = tpu.memref_slice %arg13[%dma_wait3A_194, %dma_wait3A_195] : memref<10240x64xf32, #tpu.memory_space<vmem_shared>> -> memref<10240x64xf32, #tpu.memory_space<vmem_shared>>
        tpu.wait_indirect_dma semaphore(%arg18 : memref<!tpu.dma_semaphore, #tpu.memory_space<semaphore_mem>>) src(%arg10 : memref<128x64xf32, #tpu.memory_space<vmem>>) dst(%dma_wait3A_196 : memref<10240x64xf32, #tpu.memory_space<vmem_shared>>)
      } else {
      }
      %add3A_182 = arith.constant 2 : i32
      %add3A_183 = arith.addi %add3A_164, %add3A_182 : i32
      %dma_start3A_184 = arith.constant 0 : i32
      %dma_start3A_185 = tpu.memref_slice %arg7[%add3A_183, %dma_start3A_184] : memref<80x128xi32, #tpu.memory_space<vmem>> -> memref<1x128xi32, #tpu.memory_space<vmem>>
      %dma_start3A_186 = tpu.memref_squeeze %dma_start3A_185 : memref<1x128xi32, #tpu.memory_space<vmem>> -> memref<128xi32, #tpu.memory_space<vmem>>
      %dma_start3A_187 = arith.constant 0 : i32
      %dma_start3A_188 = arith.constant 0 : i32
      %dma_start3A_189 = tpu.memref_slice %arg12[%dma_start3A_187, %dma_start3A_188] : memref<10240x64xf32, #tpu.memory_space<vmem_shared>> -> memref<10240x64xf32, #tpu.memory_space<vmem_shared>>
      tpu.enqueue_indirect_dma source(%dma_start3A_189 : memref<10240x64xf32, #tpu.memory_space<vmem_shared>>) target(%arg10 : memref<128x64xf32, #tpu.memory_space<vmem>>) offsets(%dma_start3A_186 : memref<128xi32, #tpu.memory_space<vmem>>) semaphore(%arg15 : memref<!tpu.dma_semaphore, #tpu.memory_space<semaphore_mem>>)
    }
    %scan3A_54 = arith.constant 26 : i32
    %dma_wait3A_55 = arith.constant 78 : i32
    %dma_wait3A_56 = arith.constant 0 : i32
    %dma_wait3A_57 = tpu.memref_slice %arg7[%dma_wait3A_55, %dma_wait3A_56] : memref<80x128xi32, #tpu.memory_space<vmem>> -> memref<1x128xi32, #tpu.memory_space<vmem>>
    %dma_wait3A_58 = tpu.memref_squeeze %dma_wait3A_57 : memref<1x128xi32, #tpu.memory_space<vmem>> -> memref<128xi32, #tpu.memory_space<vmem>>
    %dma_wait3A_59 = arith.constant 0 : i32
    %dma_wait3A_60 = arith.constant 0 : i32
    %dma_wait3A_61 = tpu.memref_slice %arg12[%dma_wait3A_59, %dma_wait3A_60] : memref<10240x64xf32, #tpu.memory_space<vmem_shared>> -> memref<10240x64xf32, #tpu.memory_space<vmem_shared>>
    tpu.wait_indirect_dma semaphore(%arg14 : memref<!tpu.dma_semaphore, #tpu.memory_space<semaphore_mem>>) src(%dma_wait3A_61 : memref<10240x64xf32, #tpu.memory_space<vmem_shared>>) dst(%arg9 : memref<128x64xf32, #tpu.memory_space<vmem>>)
    %dma_start3A_62 = arith.constant 78 : i32
    %dma_start3A_63 = arith.constant 0 : i32
    %dma_start3A_64 = tpu.memref_slice %arg8[%dma_start3A_62, %dma_start3A_63] : memref<80x128xi32, #tpu.memory_space<vmem>> -> memref<1x128xi32, #tpu.memory_space<vmem>>
    %dma_start3A_65 = tpu.memref_squeeze %dma_start3A_64 : memref<1x128xi32, #tpu.memory_space<vmem>> -> memref<128xi32, #tpu.memory_space<vmem>>
    %dma_start3A_66 = arith.constant 0 : i32
    %dma_start3A_67 = arith.constant 0 : i32
    %dma_start3A_68 = tpu.memref_slice %arg13[%dma_start3A_66, %dma_start3A_67] : memref<10240x64xf32, #tpu.memory_space<vmem_shared>> -> memref<10240x64xf32, #tpu.memory_space<vmem_shared>>
    tpu.enqueue_indirect_dma source(%arg9 : memref<128x64xf32, #tpu.memory_space<vmem>>) target(%dma_start3A_68 : memref<10240x64xf32, #tpu.memory_space<vmem_shared>>) offsets(%dma_start3A_65 : memref<128xi32, #tpu.memory_space<vmem>>) semaphore(%arg17 : memref<!tpu.dma_semaphore, #tpu.memory_space<semaphore_mem>>) {add = true}
    %dma_wait3A_69 = arith.constant 79 : i32
    %dma_wait3A_70 = arith.constant 0 : i32
    %dma_wait3A_71 = tpu.memref_slice %arg7[%dma_wait3A_69, %dma_wait3A_70] : memref<80x128xi32, #tpu.memory_space<vmem>> -> memref<1x128xi32, #tpu.memory_space<vmem>>
    %dma_wait3A_72 = tpu.memref_squeeze %dma_wait3A_71 : memref<1x128xi32, #tpu.memory_space<vmem>> -> memref<128xi32, #tpu.memory_space<vmem>>
    %dma_wait3A_73 = arith.constant 0 : i32
    %dma_wait3A_74 = arith.constant 0 : i32
    %dma_wait3A_75 = tpu.memref_slice %arg12[%dma_wait3A_73, %dma_wait3A_74] : memref<10240x64xf32, #tpu.memory_space<vmem_shared>> -> memref<10240x64xf32, #tpu.memory_space<vmem_shared>>
    tpu.wait_indirect_dma semaphore(%arg15 : memref<!tpu.dma_semaphore, #tpu.memory_space<semaphore_mem>>) src(%dma_wait3A_75 : memref<10240x64xf32, #tpu.memory_space<vmem_shared>>) dst(%arg10 : memref<128x64xf32, #tpu.memory_space<vmem>>)
    %dma_start3A_76 = arith.constant 79 : i32
    %dma_start3A_77 = arith.constant 0 : i32
    %dma_start3A_78 = tpu.memref_slice %arg8[%dma_start3A_76, %dma_start3A_77] : memref<80x128xi32, #tpu.memory_space<vmem>> -> memref<1x128xi32, #tpu.memory_space<vmem>>
    %dma_start3A_79 = tpu.memref_squeeze %dma_start3A_78 : memref<1x128xi32, #tpu.memory_space<vmem>> -> memref<128xi32, #tpu.memory_space<vmem>>
    %dma_start3A_80 = arith.constant 0 : i32
    %dma_start3A_81 = arith.constant 0 : i32
    %dma_start3A_82 = tpu.memref_slice %arg13[%dma_start3A_80, %dma_start3A_81] : memref<10240x64xf32, #tpu.memory_space<vmem_shared>> -> memref<10240x64xf32, #tpu.memory_space<vmem_shared>>
    tpu.enqueue_indirect_dma source(%arg10 : memref<128x64xf32, #tpu.memory_space<vmem>>) target(%dma_start3A_82 : memref<10240x64xf32, #tpu.memory_space<vmem_shared>>) offsets(%dma_start3A_79 : memref<128xi32, #tpu.memory_space<vmem>>) semaphore(%arg18 : memref<!tpu.dma_semaphore, #tpu.memory_space<semaphore_mem>>) {add = true}
    %dma_wait3A_83 = arith.constant 77 : i32
    %dma_wait3A_84 = arith.constant 0 : i32
    %dma_wait3A_85 = tpu.memref_slice %arg8[%dma_wait3A_83, %dma_wait3A_84] : memref<80x128xi32, #tpu.memory_space<vmem>> -> memref<1x128xi32, #tpu.memory_space<vmem>>
    %dma_wait3A_86 = tpu.memref_squeeze %dma_wait3A_85 : memref<1x128xi32, #tpu.memory_space<vmem>> -> memref<128xi32, #tpu.memory_space<vmem>>
    %dma_wait3A_87 = arith.constant 0 : i32
    %dma_wait3A_88 = arith.constant 0 : i32
    %dma_wait3A_89 = tpu.memref_slice %arg13[%dma_wait3A_87, %dma_wait3A_88] : memref<10240x64xf32, #tpu.memory_space<vmem_shared>> -> memref<10240x64xf32, #tpu.memory_space<vmem_shared>>
    tpu.wait_indirect_dma semaphore(%arg19 : memref<!tpu.dma_semaphore, #tpu.memory_space<semaphore_mem>>) src(%arg11 : memref<128x64xf32, #tpu.memory_space<vmem>>) dst(%dma_wait3A_89 : memref<10240x64xf32, #tpu.memory_space<vmem_shared>>)
    %dma_wait3A_90 = arith.constant 78 : i32
    %dma_wait3A_91 = arith.constant 0 : i32
    %dma_wait3A_92 = tpu.memref_slice %arg8[%dma_wait3A_90, %dma_wait3A_91] : memref<80x128xi32, #tpu.memory_space<vmem>> -> memref<1x128xi32, #tpu.memory_space<vmem>>
    %dma_wait3A_93 = tpu.memref_squeeze %dma_wait3A_92 : memref<1x128xi32, #tpu.memory_space<vmem>> -> memref<128xi32, #tpu.memory_space<vmem>>
    %dma_wait3A_94 = arith.constant 0 : i32
    %dma_wait3A_95 = arith.constant 0 : i32
    %dma_wait3A_96 = tpu.memref_slice %arg13[%dma_wait3A_94, %dma_wait3A_95] : memref<10240x64xf32, #tpu.memory_space<vmem_shared>> -> memref<10240x64xf32, #tpu.memory_space<vmem_shared>>
    tpu.wait_indirect_dma semaphore(%arg17 : memref<!tpu.dma_semaphore, #tpu.memory_space<semaphore_mem>>) src(%arg9 : memref<128x64xf32, #tpu.memory_space<vmem>>) dst(%dma_wait3A_96 : memref<10240x64xf32, #tpu.memory_space<vmem_shared>>)
    %dma_wait3A_97 = arith.constant 79 : i32
    %dma_wait3A_98 = arith.constant 0 : i32
    %dma_wait3A_99 = tpu.memref_slice %arg8[%dma_wait3A_97, %dma_wait3A_98] : memref<80x128xi32, #tpu.memory_space<vmem>> -> memref<1x128xi32, #tpu.memory_space<vmem>>
    %dma_wait3A_100 = tpu.memref_squeeze %dma_wait3A_99 : memref<1x128xi32, #tpu.memory_space<vmem>> -> memref<128xi32, #tpu.memory_space<vmem>>
    %dma_wait3A_101 = arith.constant 0 : i32
    %dma_wait3A_102 = arith.constant 0 : i32
    %dma_wait3A_103 = tpu.memref_slice %arg13[%dma_wait3A_101, %dma_wait3A_102] : memref<10240x64xf32, #tpu.memory_space<vmem_shared>> -> memref<10240x64xf32, #tpu.memory_space<vmem_shared>>
    tpu.wait_indirect_dma semaphore(%arg18 : memref<!tpu.dma_semaphore, #tpu.memory_space<semaphore_mem>>) src(%arg10 : memref<128x64xf32, #tpu.memory_space<vmem>>) dst(%dma_wait3A_103 : memref<10240x64xf32, #tpu.memory_space<vmem_shared>>)
    %barrier3A_104 = arith.constant 0 : index
    tpu.barrier barrier_id(%barrier3A_104)
    "tpu.region"() ({
      %run_scoped3A = tpu.sem_alloc : memref<!tpu.dma_semaphore, #tpu.memory_space<semaphore_mem>>
      %dma_start3A_105 = arith.constant 0 : i32
      %dma_start3A_106 = tpu.memref_slice %arg6[%arg0, %mul3A_2, %dma_start3A_105] : memref<2x10240x64xf32, #tpu.memory_space<hbm>> -> memref<1x640x64xf32, #tpu.memory_space<hbm>>
      %dma_start3A_107 = tpu.memref_squeeze %dma_start3A_106 : memref<1x640x64xf32, #tpu.memory_space<hbm>> -> memref<640x64xf32, #tpu.memory_space<hbm>>
      %dma_start3A_108 = arith.constant 0 : i32
      %dma_start3A_109 = tpu.memref_slice %arg13[%mul3A_2, %dma_start3A_108] : memref<10240x64xf32, #tpu.memory_space<vmem_shared>> -> memref<640x64xf32, #tpu.memory_space<vmem_shared>>
      tpu.enqueue_dma source(%dma_start3A_109 : memref<640x64xf32, #tpu.memory_space<vmem_shared>>) target(%dma_start3A_107 : memref<640x64xf32, #tpu.memory_space<hbm>>) target_semaphore(%run_scoped3A : memref<!tpu.dma_semaphore, #tpu.memory_space<semaphore_mem>>)
      %dma_wait3A_110 = arith.constant 0 : i32
      %dma_wait3A_111 = tpu.memref_slice %arg6[%arg0, %mul3A_2, %dma_wait3A_110] : memref<2x10240x64xf32, #tpu.memory_space<hbm>> -> memref<1x640x64xf32, #tpu.memory_space<hbm>>
      %dma_wait3A_112 = tpu.memref_squeeze %dma_wait3A_111 : memref<1x640x64xf32, #tpu.memory_space<hbm>> -> memref<640x64xf32, #tpu.memory_space<hbm>>
      %dma_wait3A_113 = arith.constant 0 : i32
      %dma_wait3A_114 = tpu.memref_slice %arg13[%mul3A_2, %dma_wait3A_113] : memref<10240x64xf32, #tpu.memory_space<vmem_shared>> -> memref<640x64xf32, #tpu.memory_space<vmem_shared>>
      tpu.wait_dma2 semaphore(%run_scoped3A : memref<!tpu.dma_semaphore, #tpu.memory_space<semaphore_mem>>) src(%dma_wait3A_114 : memref<640x64xf32, #tpu.memory_space<vmem_shared>>) dst(%dma_wait3A_112 : memref<640x64xf32, #tpu.memory_space<hbm>>)
      tpu.yield
    }) : () -> ()
    return
  }
}

#map = affine_map<(d0, d1) -> (0, 0)>
#map1 = affine_map<(d0, d1) -> (0, 0, 0)>
module attributes {stable_mosaic.version = 14 : i64} {
  func.func @k(%arg0: i32, %arg1: i32, %arg2: memref<2560x128xi32, #tpu.memory_space<hbm>>, %arg3: memref<2560x128xi32, #tpu.memory_space<hbm>>, %arg4: memref<10240x16xf32, #tpu.memory_space<hbm>>, %arg5: memref<2x10240x16xf32, #tpu.memory_space<hbm>>, %arg6: memref<2x10240x16xf32, #tpu.memory_space<hbm>>, %arg7: memref<80x128xi32, #tpu.memory_space<vmem>>, %arg8: memref<80x128xi32, #tpu.memory_space<vmem>>, %arg9: memref<128x16xf32, #tpu.memory_space<vmem>>, %arg10: memref<10240x16xf32, #tpu.memory_space<vmem_shared>>, %arg11: memref<10240x16xf32, #tpu.memory_space<vmem_shared>>, %arg12: memref<!tpu.dma_semaphore, #tpu.memory_space<semaphore_mem>>) attributes {dimension_semantics = [#tpu.dimension_semantics<core_parallel>, #tpu.dimension_semantics<subcore_parallel>], iteration_bounds = array<i64: 2, 16>, scalar_prefetch = 0 : i64, scratch_operands = 6 : i64, tpu.core_type = #tpu.core_type<sc_vector_subcore>, window_params = [{transform_indices = #map}, {transform_indices = #map}, {transform_indices = #map}, {transform_indices = #map1}, {transform_indices = #map1}]} {
    %mul3A = arith.constant 2 : i32
    %mul3A_0 = arith.muli %arg1, %mul3A : i32
    %add3A = arith.addi %mul3A_0, %arg0 : i32
    %mul3A_1 = arith.constant 640 : i32
    %mul3A_2 = arith.muli %arg1, %mul3A_1 : i32
    %scan3A = arith.constant 0 : i32
    %scan3A_3 = arith.constant 128 : i32
    %scan3A_4 = arith.addi %scan3A, %scan3A_3 : i32
    %scan3A_5 = arith.constant 1 : i32
    scf.for %scan3A_17 = %scan3A to %scan3A_4 step %scan3A_5  : i32 {
      %mul3A_18 = arith.constant 1 : i32
      %mul3A_19 = arith.muli %scan3A_17, %mul3A_18 : i32
      %add3A_20 = arith.constant 0 : i32
      %add3A_21 = arith.addi %add3A_20, %mul3A_19 : i32
      %broadcast_in_dim3A = arith.constant 1.000000e+00 : f32
      %broadcast_in_dim3A_22 = vector.broadcast %broadcast_in_dim3A : f32 to vector<16xf32>
      %swap3A = arith.index_cast %add3A_21 : i32 to index
      %swap3A_23 = arith.constant 0 : index
      %swap3A_24 = tpu.vector_load %arg9[%swap3A, %swap3A_23] {strides = array<i32>} : memref<128x16xf32, #tpu.memory_space<vmem>>, vector<1x16xf32>,
      %swap3A_25 = vector.shape_cast %swap3A_24 : vector<1x16xf32> to vector<16xf32>
      %swap3A_26 = vector.shape_cast %broadcast_in_dim3A_22 : vector<16xf32> to vector<1x16xf32>
      tpu.vector_store %arg9[%swap3A, %swap3A_23], %swap3A_26 {strides = array<i32>} : memref<128x16xf32, #tpu.memory_space<vmem>>, vector<1x16xf32>,
    }
    %scan3A_6 = arith.constant 128 : i32
    "tpu.region"() ({
      %run_scoped3A = tpu.sem_alloc : memref<!tpu.dma_semaphore, #tpu.memory_space<semaphore_mem>>
      %dma_start3A = arith.constant 0 : i32
      %dma_start3A_17 = tpu.memref_slice %arg10[%mul3A_2, %dma_start3A] : memref<10240x16xf32, #tpu.memory_space<vmem_shared>> -> memref<640x16xf32, #tpu.memory_space<vmem_shared>>
      %dma_start3A_18 = arith.constant 0 : i32
      %dma_start3A_19 = tpu.memref_slice %arg4[%mul3A_2, %dma_start3A_18] : memref<10240x16xf32, #tpu.memory_space<hbm>> -> memref<640x16xf32, #tpu.memory_space<hbm>>
      tpu.enqueue_dma source(%dma_start3A_19 : memref<640x16xf32, #tpu.memory_space<hbm>>) target(%dma_start3A_17 : memref<640x16xf32, #tpu.memory_space<vmem_shared>>) target_semaphore(%run_scoped3A : memref<!tpu.dma_semaphore, #tpu.memory_space<semaphore_mem>>)
      %dma_wait3A = arith.constant 0 : i32
      %dma_wait3A_20 = tpu.memref_slice %arg10[%mul3A_2, %dma_wait3A] : memref<10240x16xf32, #tpu.memory_space<vmem_shared>> -> memref<640x16xf32, #tpu.memory_space<vmem_shared>>
      %dma_wait3A_21 = arith.constant 0 : i32
      %dma_wait3A_22 = tpu.memref_slice %arg4[%mul3A_2, %dma_wait3A_21] : memref<10240x16xf32, #tpu.memory_space<hbm>> -> memref<640x16xf32, #tpu.memory_space<hbm>>
      tpu.wait_dma2 semaphore(%run_scoped3A : memref<!tpu.dma_semaphore, #tpu.memory_space<semaphore_mem>>) src(%dma_wait3A_22 : memref<640x16xf32, #tpu.memory_space<hbm>>) dst(%dma_wait3A_20 : memref<640x16xf32, #tpu.memory_space<vmem_shared>>)
      tpu.yield
    }) : () -> ()
    "tpu.region"() ({
      %run_scoped3A = tpu.sem_alloc : memref<!tpu.dma_semaphore, #tpu.memory_space<semaphore_mem>>
      %dma_start3A = arith.constant 0 : i32
      %dma_start3A_17 = tpu.memref_slice %arg11[%mul3A_2, %dma_start3A] : memref<10240x16xf32, #tpu.memory_space<vmem_shared>> -> memref<640x16xf32, #tpu.memory_space<vmem_shared>>
      %dma_start3A_18 = arith.constant 0 : i32
      %dma_start3A_19 = tpu.memref_slice %arg4[%mul3A_2, %dma_start3A_18] : memref<10240x16xf32, #tpu.memory_space<hbm>> -> memref<640x16xf32, #tpu.memory_space<hbm>>
      tpu.enqueue_dma source(%dma_start3A_19 : memref<640x16xf32, #tpu.memory_space<hbm>>) target(%dma_start3A_17 : memref<640x16xf32, #tpu.memory_space<vmem_shared>>) target_semaphore(%run_scoped3A : memref<!tpu.dma_semaphore, #tpu.memory_space<semaphore_mem>>)
      %dma_wait3A = arith.constant 0 : i32
      %dma_wait3A_20 = tpu.memref_slice %arg11[%mul3A_2, %dma_wait3A] : memref<10240x16xf32, #tpu.memory_space<vmem_shared>> -> memref<640x16xf32, #tpu.memory_space<vmem_shared>>
      %dma_wait3A_21 = arith.constant 0 : i32
      %dma_wait3A_22 = tpu.memref_slice %arg4[%mul3A_2, %dma_wait3A_21] : memref<10240x16xf32, #tpu.memory_space<hbm>> -> memref<640x16xf32, #tpu.memory_space<hbm>>
      tpu.wait_dma2 semaphore(%run_scoped3A : memref<!tpu.dma_semaphore, #tpu.memory_space<semaphore_mem>>) src(%dma_wait3A_22 : memref<640x16xf32, #tpu.memory_space<hbm>>) dst(%dma_wait3A_20 : memref<640x16xf32, #tpu.memory_space<vmem_shared>>)
      tpu.yield
    }) : () -> ()
    %mul3A_7 = arith.constant 80 : i32
    %mul3A_8 = arith.muli %add3A, %mul3A_7 : i32
    "tpu.region"() ({
      %run_scoped3A = tpu.sem_alloc : memref<!tpu.dma_semaphore, #tpu.memory_space<semaphore_mem>>
      %dma_start3A = arith.constant 0 : i32
      %dma_start3A_17 = tpu.memref_slice %arg2[%mul3A_8, %dma_start3A] : memref<2560x128xi32, #tpu.memory_space<hbm>> -> memref<80x128xi32, #tpu.memory_space<hbm>>
      %dma_start3A_18 = arith.constant 0 : i32
      %dma_start3A_19 = tpu.memref_slice %arg2[%mul3A_8, %dma_start3A_18] : memref<2560x128xi32, #tpu.memory_space<hbm>> -> memref<80x128xi32, #tpu.memory_space<hbm>>
      tpu.enqueue_dma source(%dma_start3A_19 : memref<80x128xi32, #tpu.memory_space<hbm>>) target(%arg7 : memref<80x128xi32, #tpu.memory_space<vmem>>) target_semaphore(%run_scoped3A : memref<!tpu.dma_semaphore, #tpu.memory_space<semaphore_mem>>)
      %dma_wait3A = arith.constant 0 : i32
      %dma_wait3A_20 = tpu.memref_slice %arg2[%mul3A_8, %dma_wait3A] : memref<2560x128xi32, #tpu.memory_space<hbm>> -> memref<80x128xi32, #tpu.memory_space<hbm>>
      %dma_wait3A_21 = arith.constant 0 : i32
      %dma_wait3A_22 = tpu.memref_slice %arg2[%mul3A_8, %dma_wait3A_21] : memref<2560x128xi32, #tpu.memory_space<hbm>> -> memref<80x128xi32, #tpu.memory_space<hbm>>
      tpu.wait_dma2 semaphore(%run_scoped3A : memref<!tpu.dma_semaphore, #tpu.memory_space<semaphore_mem>>) src(%dma_wait3A_22 : memref<80x128xi32, #tpu.memory_space<hbm>>) dst(%arg7 : memref<80x128xi32, #tpu.memory_space<vmem>>)
      tpu.yield
    }) : () -> ()
    %mul3A_9 = arith.constant 80 : i32
    %mul3A_10 = arith.muli %add3A, %mul3A_9 : i32
    "tpu.region"() ({
      %run_scoped3A = tpu.sem_alloc : memref<!tpu.dma_semaphore, #tpu.memory_space<semaphore_mem>>
      %dma_start3A = arith.constant 0 : i32
      %dma_start3A_17 = tpu.memref_slice %arg3[%mul3A_10, %dma_start3A] : memref<2560x128xi32, #tpu.memory_space<hbm>> -> memref<80x128xi32, #tpu.memory_space<hbm>>
      %dma_start3A_18 = arith.constant 0 : i32
      %dma_start3A_19 = tpu.memref_slice %arg3[%mul3A_10, %dma_start3A_18] : memref<2560x128xi32, #tpu.memory_space<hbm>> -> memref<80x128xi32, #tpu.memory_space<hbm>>
      tpu.enqueue_dma source(%dma_start3A_19 : memref<80x128xi32, #tpu.memory_space<hbm>>) target(%arg8 : memref<80x128xi32, #tpu.memory_space<vmem>>) target_semaphore(%run_scoped3A : memref<!tpu.dma_semaphore, #tpu.memory_space<semaphore_mem>>)
      %dma_wait3A = arith.constant 0 : i32
      %dma_wait3A_20 = tpu.memref_slice %arg3[%mul3A_10, %dma_wait3A] : memref<2560x128xi32, #tpu.memory_space<hbm>> -> memref<80x128xi32, #tpu.memory_space<hbm>>
      %dma_wait3A_21 = arith.constant 0 : i32
      %dma_wait3A_22 = tpu.memref_slice %arg3[%mul3A_10, %dma_wait3A_21] : memref<2560x128xi32, #tpu.memory_space<hbm>> -> memref<80x128xi32, #tpu.memory_space<hbm>>
      tpu.wait_dma2 semaphore(%run_scoped3A : memref<!tpu.dma_semaphore, #tpu.memory_space<semaphore_mem>>) src(%dma_wait3A_22 : memref<80x128xi32, #tpu.memory_space<hbm>>) dst(%arg8 : memref<80x128xi32, #tpu.memory_space<vmem>>)
      tpu.yield
    }) : () -> ()
    %barrier3A = arith.constant 0 : index
    tpu.barrier barrier_id(%barrier3A)
    %scan3A_11 = arith.constant 0 : i32
    %scan3A_12 = arith.constant 10 : i32
    %scan3A_13 = arith.addi %scan3A_11, %scan3A_12 : i32
    %scan3A_14 = arith.constant 1 : i32
    scf.for %scan3A_17 = %scan3A_11 to %scan3A_13 step %scan3A_14  : i32 {
      %mul3A_18 = arith.constant 1 : i32
      %mul3A_19 = arith.muli %scan3A_17, %mul3A_18 : i32
      %add3A_20 = arith.constant 0 : i32
      %add3A_21 = arith.addi %add3A_20, %mul3A_19 : i32
      %mul3A_22 = arith.constant 8 : i32
      %mul3A_23 = arith.muli %add3A_21, %mul3A_22 : i32
      %add3A_24 = arith.constant 0 : i32
      %add3A_25 = arith.addi %mul3A_23, %add3A_24 : i32
      %dma_start3A = arith.constant 0 : i32
      %dma_start3A_26 = tpu.memref_slice %arg7[%add3A_25, %dma_start3A] : memref<80x128xi32, #tpu.memory_space<vmem>> -> memref<1x128xi32, #tpu.memory_space<vmem>>
      %dma_start3A_27 = tpu.memref_squeeze %dma_start3A_26 : memref<1x128xi32, #tpu.memory_space<vmem>> -> memref<128xi32, #tpu.memory_space<vmem>>
      %dma_start3A_28 = arith.constant 0 : i32
      %dma_start3A_29 = arith.constant 0 : i32
      %dma_start3A_30 = tpu.memref_slice %arg10[%dma_start3A_28, %dma_start3A_29] : memref<10240x16xf32, #tpu.memory_space<vmem_shared>> -> memref<10240x16xf32, #tpu.memory_space<vmem_shared>>
      tpu.enqueue_indirect_dma source(%arg9 : memref<128x16xf32, #tpu.memory_space<vmem>>) target(%dma_start3A_30 : memref<10240x16xf32, #tpu.memory_space<vmem_shared>>) offsets(%dma_start3A_27 : memref<128xi32, #tpu.memory_space<vmem>>) semaphore(%arg12 : memref<!tpu.dma_semaphore, #tpu.memory_space<semaphore_mem>>) {add = true}
      %add3A_31 = arith.constant 0 : i32
      %add3A_32 = arith.addi %mul3A_23, %add3A_31 : i32
      %dma_start3A_33 = arith.constant 0 : i32
      %dma_start3A_34 = tpu.memref_slice %arg8[%add3A_32, %dma_start3A_33] : memref<80x128xi32, #tpu.memory_space<vmem>> -> memref<1x128xi32, #tpu.memory_space<vmem>>
      %dma_start3A_35 = tpu.memref_squeeze %dma_start3A_34 : memref<1x128xi32, #tpu.memory_space<vmem>> -> memref<128xi32, #tpu.memory_space<vmem>>
      %dma_start3A_36 = arith.constant 0 : i32
      %dma_start3A_37 = arith.constant 0 : i32
      %dma_start3A_38 = tpu.memref_slice %arg11[%dma_start3A_36, %dma_start3A_37] : memref<10240x16xf32, #tpu.memory_space<vmem_shared>> -> memref<10240x16xf32, #tpu.memory_space<vmem_shared>>
      tpu.enqueue_indirect_dma source(%arg9 : memref<128x16xf32, #tpu.memory_space<vmem>>) target(%dma_start3A_38 : memref<10240x16xf32, #tpu.memory_space<vmem_shared>>) offsets(%dma_start3A_35 : memref<128xi32, #tpu.memory_space<vmem>>) semaphore(%arg12 : memref<!tpu.dma_semaphore, #tpu.memory_space<semaphore_mem>>) {add = true}
      %add3A_39 = arith.constant 1 : i32
      %add3A_40 = arith.addi %mul3A_23, %add3A_39 : i32
      %dma_start3A_41 = arith.constant 0 : i32
      %dma_start3A_42 = tpu.memref_slice %arg7[%add3A_40, %dma_start3A_41] : memref<80x128xi32, #tpu.memory_space<vmem>> -> memref<1x128xi32, #tpu.memory_space<vmem>>
      %dma_start3A_43 = tpu.memref_squeeze %dma_start3A_42 : memref<1x128xi32, #tpu.memory_space<vmem>> -> memref<128xi32, #tpu.memory_space<vmem>>
      %dma_start3A_44 = arith.constant 0 : i32
      %dma_start3A_45 = arith.constant 0 : i32
      %dma_start3A_46 = tpu.memref_slice %arg10[%dma_start3A_44, %dma_start3A_45] : memref<10240x16xf32, #tpu.memory_space<vmem_shared>> -> memref<10240x16xf32, #tpu.memory_space<vmem_shared>>
      tpu.enqueue_indirect_dma source(%arg9 : memref<128x16xf32, #tpu.memory_space<vmem>>) target(%dma_start3A_46 : memref<10240x16xf32, #tpu.memory_space<vmem_shared>>) offsets(%dma_start3A_43 : memref<128xi32, #tpu.memory_space<vmem>>) semaphore(%arg12 : memref<!tpu.dma_semaphore, #tpu.memory_space<semaphore_mem>>) {add = true}
      %add3A_47 = arith.constant 1 : i32
      %add3A_48 = arith.addi %mul3A_23, %add3A_47 : i32
      %dma_start3A_49 = arith.constant 0 : i32
      %dma_start3A_50 = tpu.memref_slice %arg8[%add3A_48, %dma_start3A_49] : memref<80x128xi32, #tpu.memory_space<vmem>> -> memref<1x128xi32, #tpu.memory_space<vmem>>
      %dma_start3A_51 = tpu.memref_squeeze %dma_start3A_50 : memref<1x128xi32, #tpu.memory_space<vmem>> -> memref<128xi32, #tpu.memory_space<vmem>>
      %dma_start3A_52 = arith.constant 0 : i32
      %dma_start3A_53 = arith.constant 0 : i32
      %dma_start3A_54 = tpu.memref_slice %arg11[%dma_start3A_52, %dma_start3A_53] : memref<10240x16xf32, #tpu.memory_space<vmem_shared>> -> memref<10240x16xf32, #tpu.memory_space<vmem_shared>>
      tpu.enqueue_indirect_dma source(%arg9 : memref<128x16xf32, #tpu.memory_space<vmem>>) target(%dma_start3A_54 : memref<10240x16xf32, #tpu.memory_space<vmem_shared>>) offsets(%dma_start3A_51 : memref<128xi32, #tpu.memory_space<vmem>>) semaphore(%arg12 : memref<!tpu.dma_semaphore, #tpu.memory_space<semaphore_mem>>) {add = true}
      %add3A_55 = arith.constant 2 : i32
      %add3A_56 = arith.addi %mul3A_23, %add3A_55 : i32
      %dma_start3A_57 = arith.constant 0 : i32
      %dma_start3A_58 = tpu.memref_slice %arg7[%add3A_56, %dma_start3A_57] : memref<80x128xi32, #tpu.memory_space<vmem>> -> memref<1x128xi32, #tpu.memory_space<vmem>>
      %dma_start3A_59 = tpu.memref_squeeze %dma_start3A_58 : memref<1x128xi32, #tpu.memory_space<vmem>> -> memref<128xi32, #tpu.memory_space<vmem>>
      %dma_start3A_60 = arith.constant 0 : i32
      %dma_start3A_61 = arith.constant 0 : i32
      %dma_start3A_62 = tpu.memref_slice %arg10[%dma_start3A_60, %dma_start3A_61] : memref<10240x16xf32, #tpu.memory_space<vmem_shared>> -> memref<10240x16xf32, #tpu.memory_space<vmem_shared>>
      tpu.enqueue_indirect_dma source(%arg9 : memref<128x16xf32, #tpu.memory_space<vmem>>) target(%dma_start3A_62 : memref<10240x16xf32, #tpu.memory_space<vmem_shared>>) offsets(%dma_start3A_59 : memref<128xi32, #tpu.memory_space<vmem>>) semaphore(%arg12 : memref<!tpu.dma_semaphore, #tpu.memory_space<semaphore_mem>>) {add = true}
      %add3A_63 = arith.constant 2 : i32
      %add3A_64 = arith.addi %mul3A_23, %add3A_63 : i32
      %dma_start3A_65 = arith.constant 0 : i32
      %dma_start3A_66 = tpu.memref_slice %arg8[%add3A_64, %dma_start3A_65] : memref<80x128xi32, #tpu.memory_space<vmem>> -> memref<1x128xi32, #tpu.memory_space<vmem>>
      %dma_start3A_67 = tpu.memref_squeeze %dma_start3A_66 : memref<1x128xi32, #tpu.memory_space<vmem>> -> memref<128xi32, #tpu.memory_space<vmem>>
      %dma_start3A_68 = arith.constant 0 : i32
      %dma_start3A_69 = arith.constant 0 : i32
      %dma_start3A_70 = tpu.memref_slice %arg11[%dma_start3A_68, %dma_start3A_69] : memref<10240x16xf32, #tpu.memory_space<vmem_shared>> -> memref<10240x16xf32, #tpu.memory_space<vmem_shared>>
      tpu.enqueue_indirect_dma source(%arg9 : memref<128x16xf32, #tpu.memory_space<vmem>>) target(%dma_start3A_70 : memref<10240x16xf32, #tpu.memory_space<vmem_shared>>) offsets(%dma_start3A_67 : memref<128xi32, #tpu.memory_space<vmem>>) semaphore(%arg12 : memref<!tpu.dma_semaphore, #tpu.memory_space<semaphore_mem>>) {add = true}
      %add3A_71 = arith.constant 3 : i32
      %add3A_72 = arith.addi %mul3A_23, %add3A_71 : i32
      %dma_start3A_73 = arith.constant 0 : i32
      %dma_start3A_74 = tpu.memref_slice %arg7[%add3A_72, %dma_start3A_73] : memref<80x128xi32, #tpu.memory_space<vmem>> -> memref<1x128xi32, #tpu.memory_space<vmem>>
      %dma_start3A_75 = tpu.memref_squeeze %dma_start3A_74 : memref<1x128xi32, #tpu.memory_space<vmem>> -> memref<128xi32, #tpu.memory_space<vmem>>
      %dma_start3A_76 = arith.constant 0 : i32
      %dma_start3A_77 = arith.constant 0 : i32
      %dma_start3A_78 = tpu.memref_slice %arg10[%dma_start3A_76, %dma_start3A_77] : memref<10240x16xf32, #tpu.memory_space<vmem_shared>> -> memref<10240x16xf32, #tpu.memory_space<vmem_shared>>
      tpu.enqueue_indirect_dma source(%arg9 : memref<128x16xf32, #tpu.memory_space<vmem>>) target(%dma_start3A_78 : memref<10240x16xf32, #tpu.memory_space<vmem_shared>>) offsets(%dma_start3A_75 : memref<128xi32, #tpu.memory_space<vmem>>) semaphore(%arg12 : memref<!tpu.dma_semaphore, #tpu.memory_space<semaphore_mem>>) {add = true}
      %add3A_79 = arith.constant 3 : i32
      %add3A_80 = arith.addi %mul3A_23, %add3A_79 : i32
      %dma_start3A_81 = arith.constant 0 : i32
      %dma_start3A_82 = tpu.memref_slice %arg8[%add3A_80, %dma_start3A_81] : memref<80x128xi32, #tpu.memory_space<vmem>> -> memref<1x128xi32, #tpu.memory_space<vmem>>
      %dma_start3A_83 = tpu.memref_squeeze %dma_start3A_82 : memref<1x128xi32, #tpu.memory_space<vmem>> -> memref<128xi32, #tpu.memory_space<vmem>>
      %dma_start3A_84 = arith.constant 0 : i32
      %dma_start3A_85 = arith.constant 0 : i32
      %dma_start3A_86 = tpu.memref_slice %arg11[%dma_start3A_84, %dma_start3A_85] : memref<10240x16xf32, #tpu.memory_space<vmem_shared>> -> memref<10240x16xf32, #tpu.memory_space<vmem_shared>>
      tpu.enqueue_indirect_dma source(%arg9 : memref<128x16xf32, #tpu.memory_space<vmem>>) target(%dma_start3A_86 : memref<10240x16xf32, #tpu.memory_space<vmem_shared>>) offsets(%dma_start3A_83 : memref<128xi32, #tpu.memory_space<vmem>>) semaphore(%arg12 : memref<!tpu.dma_semaphore, #tpu.memory_space<semaphore_mem>>) {add = true}
      %add3A_87 = arith.constant 4 : i32
      %add3A_88 = arith.addi %mul3A_23, %add3A_87 : i32
      %dma_start3A_89 = arith.constant 0 : i32
      %dma_start3A_90 = tpu.memref_slice %arg7[%add3A_88, %dma_start3A_89] : memref<80x128xi32, #tpu.memory_space<vmem>> -> memref<1x128xi32, #tpu.memory_space<vmem>>
      %dma_start3A_91 = tpu.memref_squeeze %dma_start3A_90 : memref<1x128xi32, #tpu.memory_space<vmem>> -> memref<128xi32, #tpu.memory_space<vmem>>
      %dma_start3A_92 = arith.constant 0 : i32
      %dma_start3A_93 = arith.constant 0 : i32
      %dma_start3A_94 = tpu.memref_slice %arg10[%dma_start3A_92, %dma_start3A_93] : memref<10240x16xf32, #tpu.memory_space<vmem_shared>> -> memref<10240x16xf32, #tpu.memory_space<vmem_shared>>
      tpu.enqueue_indirect_dma source(%arg9 : memref<128x16xf32, #tpu.memory_space<vmem>>) target(%dma_start3A_94 : memref<10240x16xf32, #tpu.memory_space<vmem_shared>>) offsets(%dma_start3A_91 : memref<128xi32, #tpu.memory_space<vmem>>) semaphore(%arg12 : memref<!tpu.dma_semaphore, #tpu.memory_space<semaphore_mem>>) {add = true}
      %add3A_95 = arith.constant 4 : i32
      %add3A_96 = arith.addi %mul3A_23, %add3A_95 : i32
      %dma_start3A_97 = arith.constant 0 : i32
      %dma_start3A_98 = tpu.memref_slice %arg8[%add3A_96, %dma_start3A_97] : memref<80x128xi32, #tpu.memory_space<vmem>> -> memref<1x128xi32, #tpu.memory_space<vmem>>
      %dma_start3A_99 = tpu.memref_squeeze %dma_start3A_98 : memref<1x128xi32, #tpu.memory_space<vmem>> -> memref<128xi32, #tpu.memory_space<vmem>>
      %dma_start3A_100 = arith.constant 0 : i32
      %dma_start3A_101 = arith.constant 0 : i32
      %dma_start3A_102 = tpu.memref_slice %arg11[%dma_start3A_100, %dma_start3A_101] : memref<10240x16xf32, #tpu.memory_space<vmem_shared>> -> memref<10240x16xf32, #tpu.memory_space<vmem_shared>>
      tpu.enqueue_indirect_dma source(%arg9 : memref<128x16xf32, #tpu.memory_space<vmem>>) target(%dma_start3A_102 : memref<10240x16xf32, #tpu.memory_space<vmem_shared>>) offsets(%dma_start3A_99 : memref<128xi32, #tpu.memory_space<vmem>>) semaphore(%arg12 : memref<!tpu.dma_semaphore, #tpu.memory_space<semaphore_mem>>) {add = true}
      %add3A_103 = arith.constant 5 : i32
      %add3A_104 = arith.addi %mul3A_23, %add3A_103 : i32
      %dma_start3A_105 = arith.constant 0 : i32
      %dma_start3A_106 = tpu.memref_slice %arg7[%add3A_104, %dma_start3A_105] : memref<80x128xi32, #tpu.memory_space<vmem>> -> memref<1x128xi32, #tpu.memory_space<vmem>>
      %dma_start3A_107 = tpu.memref_squeeze %dma_start3A_106 : memref<1x128xi32, #tpu.memory_space<vmem>> -> memref<128xi32, #tpu.memory_space<vmem>>
      %dma_start3A_108 = arith.constant 0 : i32
      %dma_start3A_109 = arith.constant 0 : i32
      %dma_start3A_110 = tpu.memref_slice %arg10[%dma_start3A_108, %dma_start3A_109] : memref<10240x16xf32, #tpu.memory_space<vmem_shared>> -> memref<10240x16xf32, #tpu.memory_space<vmem_shared>>
      tpu.enqueue_indirect_dma source(%arg9 : memref<128x16xf32, #tpu.memory_space<vmem>>) target(%dma_start3A_110 : memref<10240x16xf32, #tpu.memory_space<vmem_shared>>) offsets(%dma_start3A_107 : memref<128xi32, #tpu.memory_space<vmem>>) semaphore(%arg12 : memref<!tpu.dma_semaphore, #tpu.memory_space<semaphore_mem>>) {add = true}
      %add3A_111 = arith.constant 5 : i32
      %add3A_112 = arith.addi %mul3A_23, %add3A_111 : i32
      %dma_start3A_113 = arith.constant 0 : i32
      %dma_start3A_114 = tpu.memref_slice %arg8[%add3A_112, %dma_start3A_113] : memref<80x128xi32, #tpu.memory_space<vmem>> -> memref<1x128xi32, #tpu.memory_space<vmem>>
      %dma_start3A_115 = tpu.memref_squeeze %dma_start3A_114 : memref<1x128xi32, #tpu.memory_space<vmem>> -> memref<128xi32, #tpu.memory_space<vmem>>
      %dma_start3A_116 = arith.constant 0 : i32
      %dma_start3A_117 = arith.constant 0 : i32
      %dma_start3A_118 = tpu.memref_slice %arg11[%dma_start3A_116, %dma_start3A_117] : memref<10240x16xf32, #tpu.memory_space<vmem_shared>> -> memref<10240x16xf32, #tpu.memory_space<vmem_shared>>
      tpu.enqueue_indirect_dma source(%arg9 : memref<128x16xf32, #tpu.memory_space<vmem>>) target(%dma_start3A_118 : memref<10240x16xf32, #tpu.memory_space<vmem_shared>>) offsets(%dma_start3A_115 : memref<128xi32, #tpu.memory_space<vmem>>) semaphore(%arg12 : memref<!tpu.dma_semaphore, #tpu.memory_space<semaphore_mem>>) {add = true}
      %add3A_119 = arith.constant 6 : i32
      %add3A_120 = arith.addi %mul3A_23, %add3A_119 : i32
      %dma_start3A_121 = arith.constant 0 : i32
      %dma_start3A_122 = tpu.memref_slice %arg7[%add3A_120, %dma_start3A_121] : memref<80x128xi32, #tpu.memory_space<vmem>> -> memref<1x128xi32, #tpu.memory_space<vmem>>
      %dma_start3A_123 = tpu.memref_squeeze %dma_start3A_122 : memref<1x128xi32, #tpu.memory_space<vmem>> -> memref<128xi32, #tpu.memory_space<vmem>>
      %dma_start3A_124 = arith.constant 0 : i32
      %dma_start3A_125 = arith.constant 0 : i32
      %dma_start3A_126 = tpu.memref_slice %arg10[%dma_start3A_124, %dma_start3A_125] : memref<10240x16xf32, #tpu.memory_space<vmem_shared>> -> memref<10240x16xf32, #tpu.memory_space<vmem_shared>>
      tpu.enqueue_indirect_dma source(%arg9 : memref<128x16xf32, #tpu.memory_space<vmem>>) target(%dma_start3A_126 : memref<10240x16xf32, #tpu.memory_space<vmem_shared>>) offsets(%dma_start3A_123 : memref<128xi32, #tpu.memory_space<vmem>>) semaphore(%arg12 : memref<!tpu.dma_semaphore, #tpu.memory_space<semaphore_mem>>) {add = true}
      %add3A_127 = arith.constant 6 : i32
      %add3A_128 = arith.addi %mul3A_23, %add3A_127 : i32
      %dma_start3A_129 = arith.constant 0 : i32
      %dma_start3A_130 = tpu.memref_slice %arg8[%add3A_128, %dma_start3A_129] : memref<80x128xi32, #tpu.memory_space<vmem>> -> memref<1x128xi32, #tpu.memory_space<vmem>>
      %dma_start3A_131 = tpu.memref_squeeze %dma_start3A_130 : memref<1x128xi32, #tpu.memory_space<vmem>> -> memref<128xi32, #tpu.memory_space<vmem>>
      %dma_start3A_132 = arith.constant 0 : i32
      %dma_start3A_133 = arith.constant 0 : i32
      %dma_start3A_134 = tpu.memref_slice %arg11[%dma_start3A_132, %dma_start3A_133] : memref<10240x16xf32, #tpu.memory_space<vmem_shared>> -> memref<10240x16xf32, #tpu.memory_space<vmem_shared>>
      tpu.enqueue_indirect_dma source(%arg9 : memref<128x16xf32, #tpu.memory_space<vmem>>) target(%dma_start3A_134 : memref<10240x16xf32, #tpu.memory_space<vmem_shared>>) offsets(%dma_start3A_131 : memref<128xi32, #tpu.memory_space<vmem>>) semaphore(%arg12 : memref<!tpu.dma_semaphore, #tpu.memory_space<semaphore_mem>>) {add = true}
      %add3A_135 = arith.constant 7 : i32
      %add3A_136 = arith.addi %mul3A_23, %add3A_135 : i32
      %dma_start3A_137 = arith.constant 0 : i32
      %dma_start3A_138 = tpu.memref_slice %arg7[%add3A_136, %dma_start3A_137] : memref<80x128xi32, #tpu.memory_space<vmem>> -> memref<1x128xi32, #tpu.memory_space<vmem>>
      %dma_start3A_139 = tpu.memref_squeeze %dma_start3A_138 : memref<1x128xi32, #tpu.memory_space<vmem>> -> memref<128xi32, #tpu.memory_space<vmem>>
      %dma_start3A_140 = arith.constant 0 : i32
      %dma_start3A_141 = arith.constant 0 : i32
      %dma_start3A_142 = tpu.memref_slice %arg10[%dma_start3A_140, %dma_start3A_141] : memref<10240x16xf32, #tpu.memory_space<vmem_shared>> -> memref<10240x16xf32, #tpu.memory_space<vmem_shared>>
      tpu.enqueue_indirect_dma source(%arg9 : memref<128x16xf32, #tpu.memory_space<vmem>>) target(%dma_start3A_142 : memref<10240x16xf32, #tpu.memory_space<vmem_shared>>) offsets(%dma_start3A_139 : memref<128xi32, #tpu.memory_space<vmem>>) semaphore(%arg12 : memref<!tpu.dma_semaphore, #tpu.memory_space<semaphore_mem>>) {add = true}
      %add3A_143 = arith.constant 7 : i32
      %add3A_144 = arith.addi %mul3A_23, %add3A_143 : i32
      %dma_start3A_145 = arith.constant 0 : i32
      %dma_start3A_146 = tpu.memref_slice %arg8[%add3A_144, %dma_start3A_145] : memref<80x128xi32, #tpu.memory_space<vmem>> -> memref<1x128xi32, #tpu.memory_space<vmem>>
      %dma_start3A_147 = tpu.memref_squeeze %dma_start3A_146 : memref<1x128xi32, #tpu.memory_space<vmem>> -> memref<128xi32, #tpu.memory_space<vmem>>
      %dma_start3A_148 = arith.constant 0 : i32
      %dma_start3A_149 = arith.constant 0 : i32
      %dma_start3A_150 = tpu.memref_slice %arg11[%dma_start3A_148, %dma_start3A_149] : memref<10240x16xf32, #tpu.memory_space<vmem_shared>> -> memref<10240x16xf32, #tpu.memory_space<vmem_shared>>
      tpu.enqueue_indirect_dma source(%arg9 : memref<128x16xf32, #tpu.memory_space<vmem>>) target(%dma_start3A_150 : memref<10240x16xf32, #tpu.memory_space<vmem_shared>>) offsets(%dma_start3A_147 : memref<128xi32, #tpu.memory_space<vmem>>) semaphore(%arg12 : memref<!tpu.dma_semaphore, #tpu.memory_space<semaphore_mem>>) {add = true}
      %add3A_151 = arith.constant 0 : i32
      %add3A_152 = arith.addi %mul3A_23, %add3A_151 : i32
      %dma_wait3A = arith.constant 0 : i32
      %dma_wait3A_153 = tpu.memref_slice %arg7[%add3A_152, %dma_wait3A] : memref<80x128xi32, #tpu.memory_space<vmem>> -> memref<1x128xi32, #tpu.memory_space<vmem>>
      %dma_wait3A_154 = tpu.memref_squeeze %dma_wait3A_153 : memref<1x128xi32, #tpu.memory_space<vmem>> -> memref<128xi32, #tpu.memory_space<vmem>>
      %dma_wait3A_155 = arith.constant 0 : i32
      %dma_wait3A_156 = arith.constant 0 : i32
      %dma_wait3A_157 = tpu.memref_slice %arg10[%dma_wait3A_155, %dma_wait3A_156] : memref<10240x16xf32, #tpu.memory_space<vmem_shared>> -> memref<10240x16xf32, #tpu.memory_space<vmem_shared>>
      tpu.wait_indirect_dma semaphore(%arg12 : memref<!tpu.dma_semaphore, #tpu.memory_space<semaphore_mem>>) src(%arg9 : memref<128x16xf32, #tpu.memory_space<vmem>>) dst(%dma_wait3A_157 : memref<10240x16xf32, #tpu.memory_space<vmem_shared>>)
      %add3A_158 = arith.constant 0 : i32
      %add3A_159 = arith.addi %mul3A_23, %add3A_158 : i32
      %dma_wait3A_160 = arith.constant 0 : i32
      %dma_wait3A_161 = tpu.memref_slice %arg8[%add3A_159, %dma_wait3A_160] : memref<80x128xi32, #tpu.memory_space<vmem>> -> memref<1x128xi32, #tpu.memory_space<vmem>>
      %dma_wait3A_162 = tpu.memref_squeeze %dma_wait3A_161 : memref<1x128xi32, #tpu.memory_space<vmem>> -> memref<128xi32, #tpu.memory_space<vmem>>
      %dma_wait3A_163 = arith.constant 0 : i32
      %dma_wait3A_164 = arith.constant 0 : i32
      %dma_wait3A_165 = tpu.memref_slice %arg11[%dma_wait3A_163, %dma_wait3A_164] : memref<10240x16xf32, #tpu.memory_space<vmem_shared>> -> memref<10240x16xf32, #tpu.memory_space<vmem_shared>>
      tpu.wait_indirect_dma semaphore(%arg12 : memref<!tpu.dma_semaphore, #tpu.memory_space<semaphore_mem>>) src(%arg9 : memref<128x16xf32, #tpu.memory_space<vmem>>) dst(%dma_wait3A_165 : memref<10240x16xf32, #tpu.memory_space<vmem_shared>>)
      %add3A_166 = arith.constant 1 : i32
      %add3A_167 = arith.addi %mul3A_23, %add3A_166 : i32
      %dma_wait3A_168 = arith.constant 0 : i32
      %dma_wait3A_169 = tpu.memref_slice %arg7[%add3A_167, %dma_wait3A_168] : memref<80x128xi32, #tpu.memory_space<vmem>> -> memref<1x128xi32, #tpu.memory_space<vmem>>
      %dma_wait3A_170 = tpu.memref_squeeze %dma_wait3A_169 : memref<1x128xi32, #tpu.memory_space<vmem>> -> memref<128xi32, #tpu.memory_space<vmem>>
      %dma_wait3A_171 = arith.constant 0 : i32
      %dma_wait3A_172 = arith.constant 0 : i32
      %dma_wait3A_173 = tpu.memref_slice %arg10[%dma_wait3A_171, %dma_wait3A_172] : memref<10240x16xf32, #tpu.memory_space<vmem_shared>> -> memref<10240x16xf32, #tpu.memory_space<vmem_shared>>
      tpu.wait_indirect_dma semaphore(%arg12 : memref<!tpu.dma_semaphore, #tpu.memory_space<semaphore_mem>>) src(%arg9 : memref<128x16xf32, #tpu.memory_space<vmem>>) dst(%dma_wait3A_173 : memref<10240x16xf32, #tpu.memory_space<vmem_shared>>)
      %add3A_174 = arith.constant 1 : i32
      %add3A_175 = arith.addi %mul3A_23, %add3A_174 : i32
      %dma_wait3A_176 = arith.constant 0 : i32
      %dma_wait3A_177 = tpu.memref_slice %arg8[%add3A_175, %dma_wait3A_176] : memref<80x128xi32, #tpu.memory_space<vmem>> -> memref<1x128xi32, #tpu.memory_space<vmem>>
      %dma_wait3A_178 = tpu.memref_squeeze %dma_wait3A_177 : memref<1x128xi32, #tpu.memory_space<vmem>> -> memref<128xi32, #tpu.memory_space<vmem>>
      %dma_wait3A_179 = arith.constant 0 : i32
      %dma_wait3A_180 = arith.constant 0 : i32
      %dma_wait3A_181 = tpu.memref_slice %arg11[%dma_wait3A_179, %dma_wait3A_180] : memref<10240x16xf32, #tpu.memory_space<vmem_shared>> -> memref<10240x16xf32, #tpu.memory_space<vmem_shared>>
      tpu.wait_indirect_dma semaphore(%arg12 : memref<!tpu.dma_semaphore, #tpu.memory_space<semaphore_mem>>) src(%arg9 : memref<128x16xf32, #tpu.memory_space<vmem>>) dst(%dma_wait3A_181 : memref<10240x16xf32, #tpu.memory_space<vmem_shared>>)
      %add3A_182 = arith.constant 2 : i32
      %add3A_183 = arith.addi %mul3A_23, %add3A_182 : i32
      %dma_wait3A_184 = arith.constant 0 : i32
      %dma_wait3A_185 = tpu.memref_slice %arg7[%add3A_183, %dma_wait3A_184] : memref<80x128xi32, #tpu.memory_space<vmem>> -> memref<1x128xi32, #tpu.memory_space<vmem>>
      %dma_wait3A_186 = tpu.memref_squeeze %dma_wait3A_185 : memref<1x128xi32, #tpu.memory_space<vmem>> -> memref<128xi32, #tpu.memory_space<vmem>>
      %dma_wait3A_187 = arith.constant 0 : i32
      %dma_wait3A_188 = arith.constant 0 : i32
      %dma_wait3A_189 = tpu.memref_slice %arg10[%dma_wait3A_187, %dma_wait3A_188] : memref<10240x16xf32, #tpu.memory_space<vmem_shared>> -> memref<10240x16xf32, #tpu.memory_space<vmem_shared>>
      tpu.wait_indirect_dma semaphore(%arg12 : memref<!tpu.dma_semaphore, #tpu.memory_space<semaphore_mem>>) src(%arg9 : memref<128x16xf32, #tpu.memory_space<vmem>>) dst(%dma_wait3A_189 : memref<10240x16xf32, #tpu.memory_space<vmem_shared>>)
      %add3A_190 = arith.constant 2 : i32
      %add3A_191 = arith.addi %mul3A_23, %add3A_190 : i32
      %dma_wait3A_192 = arith.constant 0 : i32
      %dma_wait3A_193 = tpu.memref_slice %arg8[%add3A_191, %dma_wait3A_192] : memref<80x128xi32, #tpu.memory_space<vmem>> -> memref<1x128xi32, #tpu.memory_space<vmem>>
      %dma_wait3A_194 = tpu.memref_squeeze %dma_wait3A_193 : memref<1x128xi32, #tpu.memory_space<vmem>> -> memref<128xi32, #tpu.memory_space<vmem>>
      %dma_wait3A_195 = arith.constant 0 : i32
      %dma_wait3A_196 = arith.constant 0 : i32
      %dma_wait3A_197 = tpu.memref_slice %arg11[%dma_wait3A_195, %dma_wait3A_196] : memref<10240x16xf32, #tpu.memory_space<vmem_shared>> -> memref<10240x16xf32, #tpu.memory_space<vmem_shared>>
      tpu.wait_indirect_dma semaphore(%arg12 : memref<!tpu.dma_semaphore, #tpu.memory_space<semaphore_mem>>) src(%arg9 : memref<128x16xf32, #tpu.memory_space<vmem>>) dst(%dma_wait3A_197 : memref<10240x16xf32, #tpu.memory_space<vmem_shared>>)
      %add3A_198 = arith.constant 3 : i32
      %add3A_199 = arith.addi %mul3A_23, %add3A_198 : i32
      %dma_wait3A_200 = arith.constant 0 : i32
      %dma_wait3A_201 = tpu.memref_slice %arg7[%add3A_199, %dma_wait3A_200] : memref<80x128xi32, #tpu.memory_space<vmem>> -> memref<1x128xi32, #tpu.memory_space<vmem>>
      %dma_wait3A_202 = tpu.memref_squeeze %dma_wait3A_201 : memref<1x128xi32, #tpu.memory_space<vmem>> -> memref<128xi32, #tpu.memory_space<vmem>>
      %dma_wait3A_203 = arith.constant 0 : i32
      %dma_wait3A_204 = arith.constant 0 : i32
      %dma_wait3A_205 = tpu.memref_slice %arg10[%dma_wait3A_203, %dma_wait3A_204] : memref<10240x16xf32, #tpu.memory_space<vmem_shared>> -> memref<10240x16xf32, #tpu.memory_space<vmem_shared>>
      tpu.wait_indirect_dma semaphore(%arg12 : memref<!tpu.dma_semaphore, #tpu.memory_space<semaphore_mem>>) src(%arg9 : memref<128x16xf32, #tpu.memory_space<vmem>>) dst(%dma_wait3A_205 : memref<10240x16xf32, #tpu.memory_space<vmem_shared>>)
      %add3A_206 = arith.constant 3 : i32
      %add3A_207 = arith.addi %mul3A_23, %add3A_206 : i32
      %dma_wait3A_208 = arith.constant 0 : i32
      %dma_wait3A_209 = tpu.memref_slice %arg8[%add3A_207, %dma_wait3A_208] : memref<80x128xi32, #tpu.memory_space<vmem>> -> memref<1x128xi32, #tpu.memory_space<vmem>>
      %dma_wait3A_210 = tpu.memref_squeeze %dma_wait3A_209 : memref<1x128xi32, #tpu.memory_space<vmem>> -> memref<128xi32, #tpu.memory_space<vmem>>
      %dma_wait3A_211 = arith.constant 0 : i32
      %dma_wait3A_212 = arith.constant 0 : i32
      %dma_wait3A_213 = tpu.memref_slice %arg11[%dma_wait3A_211, %dma_wait3A_212] : memref<10240x16xf32, #tpu.memory_space<vmem_shared>> -> memref<10240x16xf32, #tpu.memory_space<vmem_shared>>
      tpu.wait_indirect_dma semaphore(%arg12 : memref<!tpu.dma_semaphore, #tpu.memory_space<semaphore_mem>>) src(%arg9 : memref<128x16xf32, #tpu.memory_space<vmem>>) dst(%dma_wait3A_213 : memref<10240x16xf32, #tpu.memory_space<vmem_shared>>)
      %add3A_214 = arith.constant 4 : i32
      %add3A_215 = arith.addi %mul3A_23, %add3A_214 : i32
      %dma_wait3A_216 = arith.constant 0 : i32
      %dma_wait3A_217 = tpu.memref_slice %arg7[%add3A_215, %dma_wait3A_216] : memref<80x128xi32, #tpu.memory_space<vmem>> -> memref<1x128xi32, #tpu.memory_space<vmem>>
      %dma_wait3A_218 = tpu.memref_squeeze %dma_wait3A_217 : memref<1x128xi32, #tpu.memory_space<vmem>> -> memref<128xi32, #tpu.memory_space<vmem>>
      %dma_wait3A_219 = arith.constant 0 : i32
      %dma_wait3A_220 = arith.constant 0 : i32
      %dma_wait3A_221 = tpu.memref_slice %arg10[%dma_wait3A_219, %dma_wait3A_220] : memref<10240x16xf32, #tpu.memory_space<vmem_shared>> -> memref<10240x16xf32, #tpu.memory_space<vmem_shared>>
      tpu.wait_indirect_dma semaphore(%arg12 : memref<!tpu.dma_semaphore, #tpu.memory_space<semaphore_mem>>) src(%arg9 : memref<128x16xf32, #tpu.memory_space<vmem>>) dst(%dma_wait3A_221 : memref<10240x16xf32, #tpu.memory_space<vmem_shared>>)
      %add3A_222 = arith.constant 4 : i32
      %add3A_223 = arith.addi %mul3A_23, %add3A_222 : i32
      %dma_wait3A_224 = arith.constant 0 : i32
      %dma_wait3A_225 = tpu.memref_slice %arg8[%add3A_223, %dma_wait3A_224] : memref<80x128xi32, #tpu.memory_space<vmem>> -> memref<1x128xi32, #tpu.memory_space<vmem>>
      %dma_wait3A_226 = tpu.memref_squeeze %dma_wait3A_225 : memref<1x128xi32, #tpu.memory_space<vmem>> -> memref<128xi32, #tpu.memory_space<vmem>>
      %dma_wait3A_227 = arith.constant 0 : i32
      %dma_wait3A_228 = arith.constant 0 : i32
      %dma_wait3A_229 = tpu.memref_slice %arg11[%dma_wait3A_227, %dma_wait3A_228] : memref<10240x16xf32, #tpu.memory_space<vmem_shared>> -> memref<10240x16xf32, #tpu.memory_space<vmem_shared>>
      tpu.wait_indirect_dma semaphore(%arg12 : memref<!tpu.dma_semaphore, #tpu.memory_space<semaphore_mem>>) src(%arg9 : memref<128x16xf32, #tpu.memory_space<vmem>>) dst(%dma_wait3A_229 : memref<10240x16xf32, #tpu.memory_space<vmem_shared>>)
      %add3A_230 = arith.constant 5 : i32
      %add3A_231 = arith.addi %mul3A_23, %add3A_230 : i32
      %dma_wait3A_232 = arith.constant 0 : i32
      %dma_wait3A_233 = tpu.memref_slice %arg7[%add3A_231, %dma_wait3A_232] : memref<80x128xi32, #tpu.memory_space<vmem>> -> memref<1x128xi32, #tpu.memory_space<vmem>>
      %dma_wait3A_234 = tpu.memref_squeeze %dma_wait3A_233 : memref<1x128xi32, #tpu.memory_space<vmem>> -> memref<128xi32, #tpu.memory_space<vmem>>
      %dma_wait3A_235 = arith.constant 0 : i32
      %dma_wait3A_236 = arith.constant 0 : i32
      %dma_wait3A_237 = tpu.memref_slice %arg10[%dma_wait3A_235, %dma_wait3A_236] : memref<10240x16xf32, #tpu.memory_space<vmem_shared>> -> memref<10240x16xf32, #tpu.memory_space<vmem_shared>>
      tpu.wait_indirect_dma semaphore(%arg12 : memref<!tpu.dma_semaphore, #tpu.memory_space<semaphore_mem>>) src(%arg9 : memref<128x16xf32, #tpu.memory_space<vmem>>) dst(%dma_wait3A_237 : memref<10240x16xf32, #tpu.memory_space<vmem_shared>>)
      %add3A_238 = arith.constant 5 : i32
      %add3A_239 = arith.addi %mul3A_23, %add3A_238 : i32
      %dma_wait3A_240 = arith.constant 0 : i32
      %dma_wait3A_241 = tpu.memref_slice %arg8[%add3A_239, %dma_wait3A_240] : memref<80x128xi32, #tpu.memory_space<vmem>> -> memref<1x128xi32, #tpu.memory_space<vmem>>
      %dma_wait3A_242 = tpu.memref_squeeze %dma_wait3A_241 : memref<1x128xi32, #tpu.memory_space<vmem>> -> memref<128xi32, #tpu.memory_space<vmem>>
      %dma_wait3A_243 = arith.constant 0 : i32
      %dma_wait3A_244 = arith.constant 0 : i32
      %dma_wait3A_245 = tpu.memref_slice %arg11[%dma_wait3A_243, %dma_wait3A_244] : memref<10240x16xf32, #tpu.memory_space<vmem_shared>> -> memref<10240x16xf32, #tpu.memory_space<vmem_shared>>
      tpu.wait_indirect_dma semaphore(%arg12 : memref<!tpu.dma_semaphore, #tpu.memory_space<semaphore_mem>>) src(%arg9 : memref<128x16xf32, #tpu.memory_space<vmem>>) dst(%dma_wait3A_245 : memref<10240x16xf32, #tpu.memory_space<vmem_shared>>)
      %add3A_246 = arith.constant 6 : i32
      %add3A_247 = arith.addi %mul3A_23, %add3A_246 : i32
      %dma_wait3A_248 = arith.constant 0 : i32
      %dma_wait3A_249 = tpu.memref_slice %arg7[%add3A_247, %dma_wait3A_248] : memref<80x128xi32, #tpu.memory_space<vmem>> -> memref<1x128xi32, #tpu.memory_space<vmem>>
      %dma_wait3A_250 = tpu.memref_squeeze %dma_wait3A_249 : memref<1x128xi32, #tpu.memory_space<vmem>> -> memref<128xi32, #tpu.memory_space<vmem>>
      %dma_wait3A_251 = arith.constant 0 : i32
      %dma_wait3A_252 = arith.constant 0 : i32
      %dma_wait3A_253 = tpu.memref_slice %arg10[%dma_wait3A_251, %dma_wait3A_252] : memref<10240x16xf32, #tpu.memory_space<vmem_shared>> -> memref<10240x16xf32, #tpu.memory_space<vmem_shared>>
      tpu.wait_indirect_dma semaphore(%arg12 : memref<!tpu.dma_semaphore, #tpu.memory_space<semaphore_mem>>) src(%arg9 : memref<128x16xf32, #tpu.memory_space<vmem>>) dst(%dma_wait3A_253 : memref<10240x16xf32, #tpu.memory_space<vmem_shared>>)
      %add3A_254 = arith.constant 6 : i32
      %add3A_255 = arith.addi %mul3A_23, %add3A_254 : i32
      %dma_wait3A_256 = arith.constant 0 : i32
      %dma_wait3A_257 = tpu.memref_slice %arg8[%add3A_255, %dma_wait3A_256] : memref<80x128xi32, #tpu.memory_space<vmem>> -> memref<1x128xi32, #tpu.memory_space<vmem>>
      %dma_wait3A_258 = tpu.memref_squeeze %dma_wait3A_257 : memref<1x128xi32, #tpu.memory_space<vmem>> -> memref<128xi32, #tpu.memory_space<vmem>>
      %dma_wait3A_259 = arith.constant 0 : i32
      %dma_wait3A_260 = arith.constant 0 : i32
      %dma_wait3A_261 = tpu.memref_slice %arg11[%dma_wait3A_259, %dma_wait3A_260] : memref<10240x16xf32, #tpu.memory_space<vmem_shared>> -> memref<10240x16xf32, #tpu.memory_space<vmem_shared>>
      tpu.wait_indirect_dma semaphore(%arg12 : memref<!tpu.dma_semaphore, #tpu.memory_space<semaphore_mem>>) src(%arg9 : memref<128x16xf32, #tpu.memory_space<vmem>>) dst(%dma_wait3A_261 : memref<10240x16xf32, #tpu.memory_space<vmem_shared>>)
      %add3A_262 = arith.constant 7 : i32
      %add3A_263 = arith.addi %mul3A_23, %add3A_262 : i32
      %dma_wait3A_264 = arith.constant 0 : i32
      %dma_wait3A_265 = tpu.memref_slice %arg7[%add3A_263, %dma_wait3A_264] : memref<80x128xi32, #tpu.memory_space<vmem>> -> memref<1x128xi32, #tpu.memory_space<vmem>>
      %dma_wait3A_266 = tpu.memref_squeeze %dma_wait3A_265 : memref<1x128xi32, #tpu.memory_space<vmem>> -> memref<128xi32, #tpu.memory_space<vmem>>
      %dma_wait3A_267 = arith.constant 0 : i32
      %dma_wait3A_268 = arith.constant 0 : i32
      %dma_wait3A_269 = tpu.memref_slice %arg10[%dma_wait3A_267, %dma_wait3A_268] : memref<10240x16xf32, #tpu.memory_space<vmem_shared>> -> memref<10240x16xf32, #tpu.memory_space<vmem_shared>>
      tpu.wait_indirect_dma semaphore(%arg12 : memref<!tpu.dma_semaphore, #tpu.memory_space<semaphore_mem>>) src(%arg9 : memref<128x16xf32, #tpu.memory_space<vmem>>) dst(%dma_wait3A_269 : memref<10240x16xf32, #tpu.memory_space<vmem_shared>>)
      %add3A_270 = arith.constant 7 : i32
      %add3A_271 = arith.addi %mul3A_23, %add3A_270 : i32
      %dma_wait3A_272 = arith.constant 0 : i32
      %dma_wait3A_273 = tpu.memref_slice %arg8[%add3A_271, %dma_wait3A_272] : memref<80x128xi32, #tpu.memory_space<vmem>> -> memref<1x128xi32, #tpu.memory_space<vmem>>
      %dma_wait3A_274 = tpu.memref_squeeze %dma_wait3A_273 : memref<1x128xi32, #tpu.memory_space<vmem>> -> memref<128xi32, #tpu.memory_space<vmem>>
      %dma_wait3A_275 = arith.constant 0 : i32
      %dma_wait3A_276 = arith.constant 0 : i32
      %dma_wait3A_277 = tpu.memref_slice %arg11[%dma_wait3A_275, %dma_wait3A_276] : memref<10240x16xf32, #tpu.memory_space<vmem_shared>> -> memref<10240x16xf32, #tpu.memory_space<vmem_shared>>
      tpu.wait_indirect_dma semaphore(%arg12 : memref<!tpu.dma_semaphore, #tpu.memory_space<semaphore_mem>>) src(%arg9 : memref<128x16xf32, #tpu.memory_space<vmem>>) dst(%dma_wait3A_277 : memref<10240x16xf32, #tpu.memory_space<vmem_shared>>)
    }
    %scan3A_15 = arith.constant 10 : i32
    %barrier3A_16 = arith.constant 0 : index
    tpu.barrier barrier_id(%barrier3A_16)
    "tpu.region"() ({
      %run_scoped3A = tpu.sem_alloc : memref<!tpu.dma_semaphore, #tpu.memory_space<semaphore_mem>>
      %dma_start3A = arith.constant 0 : i32
      %dma_start3A_17 = tpu.memref_slice %arg5[%arg0, %mul3A_2, %dma_start3A] : memref<2x10240x16xf32, #tpu.memory_space<hbm>> -> memref<1x640x16xf32, #tpu.memory_space<hbm>>
      %dma_start3A_18 = tpu.memref_squeeze %dma_start3A_17 : memref<1x640x16xf32, #tpu.memory_space<hbm>> -> memref<640x16xf32, #tpu.memory_space<hbm>>
      %dma_start3A_19 = arith.constant 0 : i32
      %dma_start3A_20 = tpu.memref_slice %arg10[%mul3A_2, %dma_start3A_19] : memref<10240x16xf32, #tpu.memory_space<vmem_shared>> -> memref<640x16xf32, #tpu.memory_space<vmem_shared>>
      tpu.enqueue_dma source(%dma_start3A_20 : memref<640x16xf32, #tpu.memory_space<vmem_shared>>) target(%dma_start3A_18 : memref<640x16xf32, #tpu.memory_space<hbm>>) target_semaphore(%run_scoped3A : memref<!tpu.dma_semaphore, #tpu.memory_space<semaphore_mem>>)
      %dma_wait3A = arith.constant 0 : i32
      %dma_wait3A_21 = tpu.memref_slice %arg5[%arg0, %mul3A_2, %dma_wait3A] : memref<2x10240x16xf32, #tpu.memory_space<hbm>> -> memref<1x640x16xf32, #tpu.memory_space<hbm>>
      %dma_wait3A_22 = tpu.memref_squeeze %dma_wait3A_21 : memref<1x640x16xf32, #tpu.memory_space<hbm>> -> memref<640x16xf32, #tpu.memory_space<hbm>>
      %dma_wait3A_23 = arith.constant 0 : i32
      %dma_wait3A_24 = tpu.memref_slice %arg10[%mul3A_2, %dma_wait3A_23] : memref<10240x16xf32, #tpu.memory_space<vmem_shared>> -> memref<640x16xf32, #tpu.memory_space<vmem_shared>>
      tpu.wait_dma2 semaphore(%run_scoped3A : memref<!tpu.dma_semaphore, #tpu.memory_space<semaphore_mem>>) src(%dma_wait3A_24 : memref<640x16xf32, #tpu.memory_space<vmem_shared>>) dst(%dma_wait3A_22 : memref<640x16xf32, #tpu.memory_space<hbm>>)
      tpu.yield
    }) : () -> ()
    "tpu.region"() ({
      %run_scoped3A = tpu.sem_alloc : memref<!tpu.dma_semaphore, #tpu.memory_space<semaphore_mem>>
      %dma_start3A = arith.constant 0 : i32
      %dma_start3A_17 = tpu.memref_slice %arg6[%arg0, %mul3A_2, %dma_start3A] : memref<2x10240x16xf32, #tpu.memory_space<hbm>> -> memref<1x640x16xf32, #tpu.memory_space<hbm>>
      %dma_start3A_18 = tpu.memref_squeeze %dma_start3A_17 : memref<1x640x16xf32, #tpu.memory_space<hbm>> -> memref<640x16xf32, #tpu.memory_space<hbm>>
      %dma_start3A_19 = arith.constant 0 : i32
      %dma_start3A_20 = tpu.memref_slice %arg11[%mul3A_2, %dma_start3A_19] : memref<10240x16xf32, #tpu.memory_space<vmem_shared>> -> memref<640x16xf32, #tpu.memory_space<vmem_shared>>
      tpu.enqueue_dma source(%dma_start3A_20 : memref<640x16xf32, #tpu.memory_space<vmem_shared>>) target(%dma_start3A_18 : memref<640x16xf32, #tpu.memory_space<hbm>>) target_semaphore(%run_scoped3A : memref<!tpu.dma_semaphore, #tpu.memory_space<semaphore_mem>>)
      %dma_wait3A = arith.constant 0 : i32
      %dma_wait3A_21 = tpu.memref_slice %arg6[%arg0, %mul3A_2, %dma_wait3A] : memref<2x10240x16xf32, #tpu.memory_space<hbm>> -> memref<1x640x16xf32, #tpu.memory_space<hbm>>
      %dma_wait3A_22 = tpu.memref_squeeze %dma_wait3A_21 : memref<1x640x16xf32, #tpu.memory_space<hbm>> -> memref<640x16xf32, #tpu.memory_space<hbm>>
      %dma_wait3A_23 = arith.constant 0 : i32
      %dma_wait3A_24 = tpu.memref_slice %arg11[%mul3A_2, %dma_wait3A_23] : memref<10240x16xf32, #tpu.memory_space<vmem_shared>> -> memref<640x16xf32, #tpu.memory_space<vmem_shared>>
      tpu.wait_dma2 semaphore(%run_scoped3A : memref<!tpu.dma_semaphore, #tpu.memory_space<semaphore_mem>>) src(%dma_wait3A_24 : memref<640x16xf32, #tpu.memory_space<vmem_shared>>) dst(%dma_wait3A_22 : memref<640x16xf32, #tpu.memory_space<hbm>>)
      tpu.yield
    }) : () -> ()
    return
  }
}

#map = affine_map<(d0, d1) -> (0, 0)>
#map1 = affine_map<(d0, d1) -> (0, 0, 0)>
module attributes {stable_mosaic.version = 14 : i64} {
  func.func @k(%arg0: i32, %arg1: i32, %arg2: memref<10240x64xf32, #tpu.memory_space<hbm>>, %arg3: memref<2560x128xi32, #tpu.memory_space<hbm>>, %arg4: memref<2560x128xi32, #tpu.memory_space<hbm>>, %arg5: memref<10240x64xf32, #tpu.memory_space<hbm>>, %arg6: memref<2x10240x64xf32, #tpu.memory_space<hbm>>, %arg7: memref<80x128xi32, #tpu.memory_space<vmem>>, %arg8: memref<80x128xi32, #tpu.memory_space<vmem>>, %arg9: memref<128x64xf32, #tpu.memory_space<vmem>>, %arg10: memref<128x64xf32, #tpu.memory_space<vmem>>, %arg11: memref<128x64xf32, #tpu.memory_space<vmem>>, %arg12: memref<10240x64xf32, #tpu.memory_space<vmem_shared>>, %arg13: memref<10240x64xf32, #tpu.memory_space<vmem_shared>>, %arg14: memref<!tpu.dma_semaphore, #tpu.memory_space<semaphore_mem>>, %arg15: memref<!tpu.dma_semaphore, #tpu.memory_space<semaphore_mem>>, %arg16: memref<!tpu.dma_semaphore, #tpu.memory_space<semaphore_mem>>, %arg17: memref<!tpu.dma_semaphore, #tpu.memory_space<semaphore_mem>>, %arg18: memref<!tpu.dma_semaphore, #tpu.memory_space<semaphore_mem>>, %arg19: memref<!tpu.dma_semaphore, #tpu.memory_space<semaphore_mem>>) attributes {dimension_semantics = [#tpu.dimension_semantics<core_parallel>, #tpu.dimension_semantics<subcore_parallel>], iteration_bounds = array<i64: 2, 16>, scalar_prefetch = 0 : i64, scratch_operands = 13 : i64, tpu.core_type = #tpu.core_type<sc_vector_subcore>, window_params = [{transform_indices = #map}, {transform_indices = #map}, {transform_indices = #map}, {transform_indices = #map}, {transform_indices = #map1}]} {
    %mul3A = arith.constant 2 : i32
    %mul3A_0 = arith.muli %arg1, %mul3A : i32
    %add3A = arith.addi %mul3A_0, %arg0 : i32
    %mul3A_1 = arith.constant 640 : i32
    %mul3A_2 = arith.muli %arg1, %mul3A_1 : i32
    %mul3A_3 = arith.constant 80 : i32
    %mul3A_4 = arith.muli %add3A, %mul3A_3 : i32
    %mul3A_5 = arith.constant 80 : i32
    %mul3A_6 = arith.muli %add3A, %mul3A_5 : i32
    %dma_start3A = arith.constant 0 : i32
    %dma_start3A_7 = tpu.memref_slice %arg13[%mul3A_2, %dma_start3A] : memref<10240x64xf32, #tpu.memory_space<vmem_shared>> -> memref<640x64xf32, #tpu.memory_space<vmem_shared>>
    %dma_start3A_8 = arith.constant 0 : i32
    %dma_start3A_9 = tpu.memref_slice %arg5[%mul3A_2, %dma_start3A_8] : memref<10240x64xf32, #tpu.memory_space<hbm>> -> memref<640x64xf32, #tpu.memory_space<hbm>>
    tpu.enqueue_dma source(%dma_start3A_9 : memref<640x64xf32, #tpu.memory_space<hbm>>) target(%dma_start3A_7 : memref<640x64xf32, #tpu.memory_space<vmem_shared>>) target_semaphore(%arg14 : memref<!tpu.dma_semaphore, #tpu.memory_space<semaphore_mem>>)
    %dma_start3A_10 = arith.constant 0 : i32
    %dma_start3A_11 = tpu.memref_slice %arg12[%mul3A_2, %dma_start3A_10] : memref<10240x64xf32, #tpu.memory_space<vmem_shared>> -> memref<640x64xf32, #tpu.memory_space<vmem_shared>>
    %dma_start3A_12 = arith.constant 0 : i32
    %dma_start3A_13 = tpu.memref_slice %arg2[%mul3A_2, %dma_start3A_12] : memref<10240x64xf32, #tpu.memory_space<hbm>> -> memref<640x64xf32, #tpu.memory_space<hbm>>
    tpu.enqueue_dma source(%dma_start3A_13 : memref<640x64xf32, #tpu.memory_space<hbm>>) target(%dma_start3A_11 : memref<640x64xf32, #tpu.memory_space<vmem_shared>>) target_semaphore(%arg14 : memref<!tpu.dma_semaphore, #tpu.memory_space<semaphore_mem>>)
    %dma_start3A_14 = arith.constant 0 : i32
    %dma_start3A_15 = tpu.memref_slice %arg3[%mul3A_4, %dma_start3A_14] : memref<2560x128xi32, #tpu.memory_space<hbm>> -> memref<80x128xi32, #tpu.memory_space<hbm>>
    %dma_start3A_16 = arith.constant 0 : i32
    %dma_start3A_17 = tpu.memref_slice %arg3[%mul3A_4, %dma_start3A_16] : memref<2560x128xi32, #tpu.memory_space<hbm>> -> memref<80x128xi32, #tpu.memory_space<hbm>>
    tpu.enqueue_dma source(%dma_start3A_17 : memref<80x128xi32, #tpu.memory_space<hbm>>) target(%arg7 : memref<80x128xi32, #tpu.memory_space<vmem>>) target_semaphore(%arg14 : memref<!tpu.dma_semaphore, #tpu.memory_space<semaphore_mem>>)
    %dma_start3A_18 = arith.constant 0 : i32
    %dma_start3A_19 = tpu.memref_slice %arg4[%mul3A_6, %dma_start3A_18] : memref<2560x128xi32, #tpu.memory_space<hbm>> -> memref<80x128xi32, #tpu.memory_space<hbm>>
    %dma_start3A_20 = arith.constant 0 : i32
    %dma_start3A_21 = tpu.memref_slice %arg4[%mul3A_6, %dma_start3A_20] : memref<2560x128xi32, #tpu.memory_space<hbm>> -> memref<80x128xi32, #tpu.memory_space<hbm>>
    tpu.enqueue_dma source(%dma_start3A_21 : memref<80x128xi32, #tpu.memory_space<hbm>>) target(%arg8 : memref<80x128xi32, #tpu.memory_space<vmem>>) target_semaphore(%arg14 : memref<!tpu.dma_semaphore, #tpu.memory_space<semaphore_mem>>)
    %dma_wait3A = arith.constant 0 : i32
    %dma_wait3A_22 = tpu.memref_slice %arg13[%mul3A_2, %dma_wait3A] : memref<10240x64xf32, #tpu.memory_space<vmem_shared>> -> memref<640x64xf32, #tpu.memory_space<vmem_shared>>
    %dma_wait3A_23 = arith.constant 0 : i32
    %dma_wait3A_24 = tpu.memref_slice %arg5[%mul3A_2, %dma_wait3A_23] : memref<10240x64xf32, #tpu.memory_space<hbm>> -> memref<640x64xf32, #tpu.memory_space<hbm>>
    tpu.wait_dma2 semaphore(%arg14 : memref<!tpu.dma_semaphore, #tpu.memory_space<semaphore_mem>>) src(%dma_wait3A_24 : memref<640x64xf32, #tpu.memory_space<hbm>>) dst(%dma_wait3A_22 : memref<640x64xf32, #tpu.memory_space<vmem_shared>>)
    %dma_wait3A_25 = arith.constant 0 : i32
    %dma_wait3A_26 = tpu.memref_slice %arg12[%mul3A_2, %dma_wait3A_25] : memref<10240x64xf32, #tpu.memory_space<vmem_shared>> -> memref<640x64xf32, #tpu.memory_space<vmem_shared>>
    %dma_wait3A_27 = arith.constant 0 : i32
    %dma_wait3A_28 = tpu.memref_slice %arg2[%mul3A_2, %dma_wait3A_27] : memref<10240x64xf32, #tpu.memory_space<hbm>> -> memref<640x64xf32, #tpu.memory_space<hbm>>
    tpu.wait_dma2 semaphore(%arg14 : memref<!tpu.dma_semaphore, #tpu.memory_space<semaphore_mem>>) src(%dma_wait3A_28 : memref<640x64xf32, #tpu.memory_space<hbm>>) dst(%dma_wait3A_26 : memref<640x64xf32, #tpu.memory_space<vmem_shared>>)
    %dma_wait3A_29 = arith.constant 0 : i32
    %dma_wait3A_30 = tpu.memref_slice %arg3[%mul3A_4, %dma_wait3A_29] : memref<2560x128xi32, #tpu.memory_space<hbm>> -> memref<80x128xi32, #tpu.memory_space<hbm>>
    %dma_wait3A_31 = arith.constant 0 : i32
    %dma_wait3A_32 = tpu.memref_slice %arg3[%mul3A_4, %dma_wait3A_31] : memref<2560x128xi32, #tpu.memory_space<hbm>> -> memref<80x128xi32, #tpu.memory_space<hbm>>
    tpu.wait_dma2 semaphore(%arg14 : memref<!tpu.dma_semaphore, #tpu.memory_space<semaphore_mem>>) src(%dma_wait3A_32 : memref<80x128xi32, #tpu.memory_space<hbm>>) dst(%arg7 : memref<80x128xi32, #tpu.memory_space<vmem>>)
    %dma_wait3A_33 = arith.constant 0 : i32
    %dma_wait3A_34 = tpu.memref_slice %arg4[%mul3A_6, %dma_wait3A_33] : memref<2560x128xi32, #tpu.memory_space<hbm>> -> memref<80x128xi32, #tpu.memory_space<hbm>>
    %dma_wait3A_35 = arith.constant 0 : i32
    %dma_wait3A_36 = tpu.memref_slice %arg4[%mul3A_6, %dma_wait3A_35] : memref<2560x128xi32, #tpu.memory_space<hbm>> -> memref<80x128xi32, #tpu.memory_space<hbm>>
    tpu.wait_dma2 semaphore(%arg14 : memref<!tpu.dma_semaphore, #tpu.memory_space<semaphore_mem>>) src(%dma_wait3A_36 : memref<80x128xi32, #tpu.memory_space<hbm>>) dst(%arg8 : memref<80x128xi32, #tpu.memory_space<vmem>>)
    %barrier3A = arith.constant 0 : index
    tpu.barrier barrier_id(%barrier3A)
    %dma_start3A_37 = arith.constant 0 : i32
    %dma_start3A_38 = arith.constant 0 : i32
    %dma_start3A_39 = tpu.memref_slice %arg7[%dma_start3A_37, %dma_start3A_38] : memref<80x128xi32, #tpu.memory_space<vmem>> -> memref<1x128xi32, #tpu.memory_space<vmem>>
    %dma_start3A_40 = tpu.memref_squeeze %dma_start3A_39 : memref<1x128xi32, #tpu.memory_space<vmem>> -> memref<128xi32, #tpu.memory_space<vmem>>
    %dma_start3A_41 = arith.constant 0 : i32
    %dma_start3A_42 = arith.constant 0 : i32
    %dma_start3A_43 = tpu.memref_slice %arg12[%dma_start3A_41, %dma_start3A_42] : memref<10240x64xf32, #tpu.memory_space<vmem_shared>> -> memref<10240x64xf32, #tpu.memory_space<vmem_shared>>
    tpu.enqueue_indirect_dma source(%dma_start3A_43 : memref<10240x64xf32, #tpu.memory_space<vmem_shared>>) target(%arg9 : memref<128x64xf32, #tpu.memory_space<vmem>>) offsets(%dma_start3A_40 : memref<128xi32, #tpu.memory_space<vmem>>) semaphore(%arg14 : memref<!tpu.dma_semaphore, #tpu.memory_space<semaphore_mem>>)
    %dma_start3A_44 = arith.constant 1 : i32
    %dma_start3A_45 = arith.constant 0 : i32
    %dma_start3A_46 = tpu.memref_slice %arg7[%dma_start3A_44, %dma_start3A_45] : memref<80x128xi32, #tpu.memory_space<vmem>> -> memref<1x128xi32, #tpu.memory_space<vmem>>
    %dma_start3A_47 = tpu.memref_squeeze %dma_start3A_46 : memref<1x128xi32, #tpu.memory_space<vmem>> -> memref<128xi32, #tpu.memory_space<vmem>>
    %dma_start3A_48 = arith.constant 0 : i32
    %dma_start3A_49 = arith.constant 0 : i32
    %dma_start3A_50 = tpu.memref_slice %arg12[%dma_start3A_48, %dma_start3A_49] : memref<10240x64xf32, #tpu.memory_space<vmem_shared>> -> memref<10240x64xf32, #tpu.memory_space<vmem_shared>>
    tpu.enqueue_indirect_dma source(%dma_start3A_50 : memref<10240x64xf32, #tpu.memory_space<vmem_shared>>) target(%arg10 : memref<128x64xf32, #tpu.memory_space<vmem>>) offsets(%dma_start3A_47 : memref<128xi32, #tpu.memory_space<vmem>>) semaphore(%arg15 : memref<!tpu.dma_semaphore, #tpu.memory_space<semaphore_mem>>)
    %scan3A = arith.constant 0 : i32
    %scan3A_51 = arith.constant 26 : i32
    %scan3A_52 = arith.addi %scan3A, %scan3A_51 : i32
    %scan3A_53 = arith.constant 1 : i32
    scf.for %scan3A_105 = %scan3A to %scan3A_52 step %scan3A_53  : i32 {
      %mul3A_106 = arith.constant 1 : i32
      %mul3A_107 = arith.muli %scan3A_105, %mul3A_106 : i32
      %add3A_108 = arith.constant 0 : i32
      %add3A_109 = arith.addi %add3A_108, %mul3A_107 : i32
      %mul3A_110 = arith.constant 3 : i32
      %mul3A_111 = arith.muli %add3A_109, %mul3A_110 : i32
      %add3A_112 = arith.constant 0 : i32
      %add3A_113 = arith.addi %mul3A_111, %add3A_112 : i32
      %dma_wait3A_114 = arith.constant 0 : i32
      %dma_wait3A_115 = tpu.memref_slice %arg7[%add3A_113, %dma_wait3A_114] : memref<80x128xi32, #tpu.memory_space<vmem>> -> memref<1x128xi32, #tpu.memory_space<vmem>>
      %dma_wait3A_116 = tpu.memref_squeeze %dma_wait3A_115 : memref<1x128xi32, #tpu.memory_space<vmem>> -> memref<128xi32, #tpu.memory_space<vmem>>
      %dma_wait3A_117 = arith.constant 0 : i32
      %dma_wait3A_118 = arith.constant 0 : i32
      %dma_wait3A_119 = tpu.memref_slice %arg12[%dma_wait3A_117, %dma_wait3A_118] : memref<10240x64xf32, #tpu.memory_space<vmem_shared>> -> memref<10240x64xf32, #tpu.memory_space<vmem_shared>>
      tpu.wait_indirect_dma semaphore(%arg14 : memref<!tpu.dma_semaphore, #tpu.memory_space<semaphore_mem>>) src(%dma_wait3A_119 : memref<10240x64xf32, #tpu.memory_space<vmem_shared>>) dst(%arg9 : memref<128x64xf32, #tpu.memory_space<vmem>>)
      %dma_start3A_120 = arith.constant 0 : i32
      %dma_start3A_121 = tpu.memref_slice %arg8[%add3A_113, %dma_start3A_120] : memref<80x128xi32, #tpu.memory_space<vmem>> -> memref<1x128xi32, #tpu.memory_space<vmem>>
      %dma_start3A_122 = tpu.memref_squeeze %dma_start3A_121 : memref<1x128xi32, #tpu.memory_space<vmem>> -> memref<128xi32, #tpu.memory_space<vmem>>
      %dma_start3A_123 = arith.constant 0 : i32
      %dma_start3A_124 = arith.constant 0 : i32
      %dma_start3A_125 = tpu.memref_slice %arg13[%dma_start3A_123, %dma_start3A_124] : memref<10240x64xf32, #tpu.memory_space<vmem_shared>> -> memref<10240x64xf32, #tpu.memory_space<vmem_shared>>
      tpu.enqueue_indirect_dma source(%arg9 : memref<128x64xf32, #tpu.memory_space<vmem>>) target(%dma_start3A_125 : memref<10240x64xf32, #tpu.memory_space<vmem_shared>>) offsets(%dma_start3A_122 : memref<128xi32, #tpu.memory_space<vmem>>) semaphore(%arg17 : memref<!tpu.dma_semaphore, #tpu.memory_space<semaphore_mem>>) {add = true}
      %gt3A = arith.constant 0 : i32
      %gt3A_126 = arith.cmpi sgt, %add3A_113, %gt3A : i32
      %convert_element_type3A = arith.extui %gt3A_126 : i1 to i32
      %cond3A = arith.constant 0 : i32
      %cond3A_127 = arith.cmpi ne, %convert_element_type3A, %cond3A : i32
      scf.if %cond3A_127 {
        %sub3A = arith.constant 1 : i32
        %sub3A_190 = arith.subi %add3A_113, %sub3A : i32
        %dma_wait3A_191 = arith.constant 0 : i32
        %dma_wait3A_192 = tpu.memref_slice %arg8[%sub3A_190, %dma_wait3A_191] : memref<80x128xi32, #tpu.memory_space<vmem>> -> memref<1x128xi32, #tpu.memory_space<vmem>>
        %dma_wait3A_193 = tpu.memref_squeeze %dma_wait3A_192 : memref<1x128xi32, #tpu.memory_space<vmem>> -> memref<128xi32, #tpu.memory_space<vmem>>
        %dma_wait3A_194 = arith.constant 0 : i32
        %dma_wait3A_195 = arith.constant 0 : i32
        %dma_wait3A_196 = tpu.memref_slice %arg13[%dma_wait3A_194, %dma_wait3A_195] : memref<10240x64xf32, #tpu.memory_space<vmem_shared>> -> memref<10240x64xf32, #tpu.memory_space<vmem_shared>>
        tpu.wait_indirect_dma semaphore(%arg19 : memref<!tpu.dma_semaphore, #tpu.memory_space<semaphore_mem>>) src(%arg11 : memref<128x64xf32, #tpu.memory_space<vmem>>) dst(%dma_wait3A_196 : memref<10240x64xf32, #tpu.memory_space<vmem_shared>>)
      } else {
      }
      %add3A_128 = arith.constant 2 : i32
      %add3A_129 = arith.addi %add3A_113, %add3A_128 : i32
      %dma_start3A_130 = arith.constant 0 : i32
      %dma_start3A_131 = tpu.memref_slice %arg7[%add3A_129, %dma_start3A_130] : memref<80x128xi32, #tpu.memory_space<vmem>> -> memref<1x128xi32, #tpu.memory_space<vmem>>
      %dma_start3A_132 = tpu.memref_squeeze %dma_start3A_131 : memref<1x128xi32, #tpu.memory_space<vmem>> -> memref<128xi32, #tpu.memory_space<vmem>>
      %dma_start3A_133 = arith.constant 0 : i32
      %dma_start3A_134 = arith.constant 0 : i32
      %dma_start3A_135 = tpu.memref_slice %arg12[%dma_start3A_133, %dma_start3A_134] : memref<10240x64xf32, #tpu.memory_space<vmem_shared>> -> memref<10240x64xf32, #tpu.memory_space<vmem_shared>>
      tpu.enqueue_indirect_dma source(%dma_start3A_135 : memref<10240x64xf32, #tpu.memory_space<vmem_shared>>) target(%arg11 : memref<128x64xf32, #tpu.memory_space<vmem>>) offsets(%dma_start3A_132 : memref<128xi32, #tpu.memory_space<vmem>>) semaphore(%arg16 : memref<!tpu.dma_semaphore, #tpu.memory_space<semaphore_mem>>)
      %add3A_136 = arith.constant 1 : i32
      %add3A_137 = arith.addi %mul3A_111, %add3A_136 : i32
      %dma_wait3A_138 = arith.constant 0 : i32
      %dma_wait3A_139 = tpu.memref_slice %arg7[%add3A_137, %dma_wait3A_138] : memref<80x128xi32, #tpu.memory_space<vmem>> -> memref<1x128xi32, #tpu.memory_space<vmem>>
      %dma_wait3A_140 = tpu.memref_squeeze %dma_wait3A_139 : memref<1x128xi32, #tpu.memory_space<vmem>> -> memref<128xi32, #tpu.memory_space<vmem>>
      %dma_wait3A_141 = arith.constant 0 : i32
      %dma_wait3A_142 = arith.constant 0 : i32
      %dma_wait3A_143 = tpu.memref_slice %arg12[%dma_wait3A_141, %dma_wait3A_142] : memref<10240x64xf32, #tpu.memory_space<vmem_shared>> -> memref<10240x64xf32, #tpu.memory_space<vmem_shared>>
      tpu.wait_indirect_dma semaphore(%arg15 : memref<!tpu.dma_semaphore, #tpu.memory_space<semaphore_mem>>) src(%dma_wait3A_143 : memref<10240x64xf32, #tpu.memory_space<vmem_shared>>) dst(%arg10 : memref<128x64xf32, #tpu.memory_space<vmem>>)
      %dma_start3A_144 = arith.constant 0 : i32
      %dma_start3A_145 = tpu.memref_slice %arg8[%add3A_137, %dma_start3A_144] : memref<80x128xi32, #tpu.memory_space<vmem>> -> memref<1x128xi32, #tpu.memory_space<vmem>>
      %dma_start3A_146 = tpu.memref_squeeze %dma_start3A_145 : memref<1x128xi32, #tpu.memory_space<vmem>> -> memref<128xi32, #tpu.memory_space<vmem>>
      %dma_start3A_147 = arith.constant 0 : i32
      %dma_start3A_148 = arith.constant 0 : i32
      %dma_start3A_149 = tpu.memref_slice %arg13[%dma_start3A_147, %dma_start3A_148] : memref<10240x64xf32, #tpu.memory_space<vmem_shared>> -> memref<10240x64xf32, #tpu.memory_space<vmem_shared>>
      tpu.enqueue_indirect_dma source(%arg10 : memref<128x64xf32, #tpu.memory_space<vmem>>) target(%dma_start3A_149 : memref<10240x64xf32, #tpu.memory_space<vmem_shared>>) offsets(%dma_start3A_146 : memref<128xi32, #tpu.memory_space<vmem>>) semaphore(%arg18 : memref<!tpu.dma_semaphore, #tpu.memory_space<semaphore_mem>>) {add = true}
      %gt3A_150 = arith.constant 0 : i32
      %gt3A_151 = arith.cmpi sgt, %add3A_137, %gt3A_150 : i32
      %convert_element_type3A_152 = arith.extui %gt3A_151 : i1 to i32
      %cond3A_153 = arith.constant 0 : i32
      %cond3A_154 = arith.cmpi ne, %convert_element_type3A_152, %cond3A_153 : i32
      scf.if %cond3A_154 {
        %sub3A = arith.constant 1 : i32
        %sub3A_190 = arith.subi %add3A_137, %sub3A : i32
        %dma_wait3A_191 = arith.constant 0 : i32
        %dma_wait3A_192 = tpu.memref_slice %arg8[%sub3A_190, %dma_wait3A_191] : memref<80x128xi32, #tpu.memory_space<vmem>> -> memref<1x128xi32, #tpu.memory_space<vmem>>
        %dma_wait3A_193 = tpu.memref_squeeze %dma_wait3A_192 : memref<1x128xi32, #tpu.memory_space<vmem>> -> memref<128xi32, #tpu.memory_space<vmem>>
        %dma_wait3A_194 = arith.constant 0 : i32
        %dma_wait3A_195 = arith.constant 0 : i32
        %dma_wait3A_196 = tpu.memref_slice %arg13[%dma_wait3A_194, %dma_wait3A_195] : memref<10240x64xf32, #tpu.memory_space<vmem_shared>> -> memref<10240x64xf32, #tpu.memory_space<vmem_shared>>
        tpu.wait_indirect_dma semaphore(%arg17 : memref<!tpu.dma_semaphore, #tpu.memory_space<semaphore_mem>>) src(%arg9 : memref<128x64xf32, #tpu.memory_space<vmem>>) dst(%dma_wait3A_196 : memref<10240x64xf32, #tpu.memory_space<vmem_shared>>)
      } else {
      }
      %add3A_155 = arith.constant 2 : i32
      %add3A_156 = arith.addi %add3A_137, %add3A_155 : i32
      %dma_start3A_157 = arith.constant 0 : i32
      %dma_start3A_158 = tpu.memref_slice %arg7[%add3A_156, %dma_start3A_157] : memref<80x128xi32, #tpu.memory_space<vmem>> -> memref<1x128xi32, #tpu.memory_space<vmem>>
      %dma_start3A_159 = tpu.memref_squeeze %dma_start3A_158 : memref<1x128xi32, #tpu.memory_space<vmem>> -> memref<128xi32, #tpu.memory_space<vmem>>
      %dma_start3A_160 = arith.constant 0 : i32
      %dma_start3A_161 = arith.constant 0 : i32
      %dma_start3A_162 = tpu.memref_slice %arg12[%dma_start3A_160, %dma_start3A_161] : memref<10240x64xf32, #tpu.memory_space<vmem_shared>> -> memref<10240x64xf32, #tpu.memory_space<vmem_shared>>
      tpu.enqueue_indirect_dma source(%dma_start3A_162 : memref<10240x64xf32, #tpu.memory_space<vmem_shared>>) target(%arg9 : memref<128x64xf32, #tpu.memory_space<vmem>>) offsets(%dma_start3A_159 : memref<128xi32, #tpu.memory_space<vmem>>) semaphore(%arg14 : memref<!tpu.dma_semaphore, #tpu.memory_space<semaphore_mem>>)
      %add3A_163 = arith.constant 2 : i32
      %add3A_164 = arith.addi %mul3A_111, %add3A_163 : i32
      %dma_wait3A_165 = arith.constant 0 : i32
      %dma_wait3A_166 = tpu.memref_slice %arg7[%add3A_164, %dma_wait3A_165] : memref<80x128xi32, #tpu.memory_space<vmem>> -> memref<1x128xi32, #tpu.memory_space<vmem>>
      %dma_wait3A_167 = tpu.memref_squeeze %dma_wait3A_166 : memref<1x128xi32, #tpu.memory_space<vmem>> -> memref<128xi32, #tpu.memory_space<vmem>>
      %dma_wait3A_168 = arith.constant 0 : i32
      %dma_wait3A_169 = arith.constant 0 : i32
      %dma_wait3A_170 = tpu.memref_slice %arg12[%dma_wait3A_168, %dma_wait3A_169] : memref<10240x64xf32, #tpu.memory_space<vmem_shared>> -> memref<10240x64xf32, #tpu.memory_space<vmem_shared>>
      tpu.wait_indirect_dma semaphore(%arg16 : memref<!tpu.dma_semaphore, #tpu.memory_space<semaphore_mem>>) src(%dma_wait3A_170 : memref<10240x64xf32, #tpu.memory_space<vmem_shared>>) dst(%arg11 : memref<128x64xf32, #tpu.memory_space<vmem>>)
      %dma_start3A_171 = arith.constant 0 : i32
      %dma_start3A_172 = tpu.memref_slice %arg8[%add3A_164, %dma_start3A_171] : memref<80x128xi32, #tpu.memory_space<vmem>> -> memref<1x128xi32, #tpu.memory_space<vmem>>
      %dma_start3A_173 = tpu.memref_squeeze %dma_start3A_172 : memref<1x128xi32, #tpu.memory_space<vmem>> -> memref<128xi32, #tpu.memory_space<vmem>>
      %dma_start3A_174 = arith.constant 0 : i32
      %dma_start3A_175 = arith.constant 0 : i32
      %dma_start3A_176 = tpu.memref_slice %arg13[%dma_start3A_174, %dma_start3A_175] : memref<10240x64xf32, #tpu.memory_space<vmem_shared>> -> memref<10240x64xf32, #tpu.memory_space<vmem_shared>>
      tpu.enqueue_indirect_dma source(%arg11 : memref<128x64xf32, #tpu.memory_space<vmem>>) target(%dma_start3A_176 : memref<10240x64xf32, #tpu.memory_space<vmem_shared>>) offsets(%dma_start3A_173 : memref<128xi32, #tpu.memory_space<vmem>>) semaphore(%arg19 : memref<!tpu.dma_semaphore, #tpu.memory_space<semaphore_mem>>) {add = true}
      %gt3A_177 = arith.constant 0 : i32
      %gt3A_178 = arith.cmpi sgt, %add3A_164, %gt3A_177 : i32
      %convert_element_type3A_179 = arith.extui %gt3A_178 : i1 to i32
      %cond3A_180 = arith.constant 0 : i32
      %cond3A_181 = arith.cmpi ne, %convert_element_type3A_179, %cond3A_180 : i32
      scf.if %cond3A_181 {
        %sub3A = arith.constant 1 : i32
        %sub3A_190 = arith.subi %add3A_164, %sub3A : i32
        %dma_wait3A_191 = arith.constant 0 : i32
        %dma_wait3A_192 = tpu.memref_slice %arg8[%sub3A_190, %dma_wait3A_191] : memref<80x128xi32, #tpu.memory_space<vmem>> -> memref<1x128xi32, #tpu.memory_space<vmem>>
        %dma_wait3A_193 = tpu.memref_squeeze %dma_wait3A_192 : memref<1x128xi32, #tpu.memory_space<vmem>> -> memref<128xi32, #tpu.memory_space<vmem>>
        %dma_wait3A_194 = arith.constant 0 : i32
        %dma_wait3A_195 = arith.constant 0 : i32
        %dma_wait3A_196 = tpu.memref_slice %arg13[%dma_wait3A_194, %dma_wait3A_195] : memref<10240x64xf32, #tpu.memory_space<vmem_shared>> -> memref<10240x64xf32, #tpu.memory_space<vmem_shared>>
        tpu.wait_indirect_dma semaphore(%arg18 : memref<!tpu.dma_semaphore, #tpu.memory_space<semaphore_mem>>) src(%arg10 : memref<128x64xf32, #tpu.memory_space<vmem>>) dst(%dma_wait3A_196 : memref<10240x64xf32, #tpu.memory_space<vmem_shared>>)
      } else {
      }
      %add3A_182 = arith.constant 2 : i32
      %add3A_183 = arith.addi %add3A_164, %add3A_182 : i32
      %dma_start3A_184 = arith.constant 0 : i32
      %dma_start3A_185 = tpu.memref_slice %arg7[%add3A_183, %dma_start3A_184] : memref<80x128xi32, #tpu.memory_space<vmem>> -> memref<1x128xi32, #tpu.memory_space<vmem>>
      %dma_start3A_186 = tpu.memref_squeeze %dma_start3A_185 : memref<1x128xi32, #tpu.memory_space<vmem>> -> memref<128xi32, #tpu.memory_space<vmem>>
      %dma_start3A_187 = arith.constant 0 : i32
      %dma_start3A_188 = arith.constant 0 : i32
      %dma_start3A_189 = tpu.memref_slice %arg12[%dma_start3A_187, %dma_start3A_188] : memref<10240x64xf32, #tpu.memory_space<vmem_shared>> -> memref<10240x64xf32, #tpu.memory_space<vmem_shared>>
      tpu.enqueue_indirect_dma source(%dma_start3A_189 : memref<10240x64xf32, #tpu.memory_space<vmem_shared>>) target(%arg10 : memref<128x64xf32, #tpu.memory_space<vmem>>) offsets(%dma_start3A_186 : memref<128xi32, #tpu.memory_space<vmem>>) semaphore(%arg15 : memref<!tpu.dma_semaphore, #tpu.memory_space<semaphore_mem>>)
    }
    %scan3A_54 = arith.constant 26 : i32
    %dma_wait3A_55 = arith.constant 78 : i32
    %dma_wait3A_56 = arith.constant 0 : i32
    %dma_wait3A_57 = tpu.memref_slice %arg7[%dma_wait3A_55, %dma_wait3A_56] : memref<80x128xi32, #tpu.memory_space<vmem>> -> memref<1x128xi32, #tpu.memory_space<vmem>>
    %dma_wait3A_58 = tpu.memref_squeeze %dma_wait3A_57 : memref<1x128xi32, #tpu.memory_space<vmem>> -> memref<128xi32, #tpu.memory_space<vmem>>
    %dma_wait3A_59 = arith.constant 0 : i32
    %dma_wait3A_60 = arith.constant 0 : i32
    %dma_wait3A_61 = tpu.memref_slice %arg12[%dma_wait3A_59, %dma_wait3A_60] : memref<10240x64xf32, #tpu.memory_space<vmem_shared>> -> memref<10240x64xf32, #tpu.memory_space<vmem_shared>>
    tpu.wait_indirect_dma semaphore(%arg14 : memref<!tpu.dma_semaphore, #tpu.memory_space<semaphore_mem>>) src(%dma_wait3A_61 : memref<10240x64xf32, #tpu.memory_space<vmem_shared>>) dst(%arg9 : memref<128x64xf32, #tpu.memory_space<vmem>>)
    %dma_start3A_62 = arith.constant 78 : i32
    %dma_start3A_63 = arith.constant 0 : i32
    %dma_start3A_64 = tpu.memref_slice %arg8[%dma_start3A_62, %dma_start3A_63] : memref<80x128xi32, #tpu.memory_space<vmem>> -> memref<1x128xi32, #tpu.memory_space<vmem>>
    %dma_start3A_65 = tpu.memref_squeeze %dma_start3A_64 : memref<1x128xi32, #tpu.memory_space<vmem>> -> memref<128xi32, #tpu.memory_space<vmem>>
    %dma_start3A_66 = arith.constant 0 : i32
    %dma_start3A_67 = arith.constant 0 : i32
    %dma_start3A_68 = tpu.memref_slice %arg13[%dma_start3A_66, %dma_start3A_67] : memref<10240x64xf32, #tpu.memory_space<vmem_shared>> -> memref<10240x64xf32, #tpu.memory_space<vmem_shared>>
    tpu.enqueue_indirect_dma source(%arg9 : memref<128x64xf32, #tpu.memory_space<vmem>>) target(%dma_start3A_68 : memref<10240x64xf32, #tpu.memory_space<vmem_shared>>) offsets(%dma_start3A_65 : memref<128xi32, #tpu.memory_space<vmem>>) semaphore(%arg17 : memref<!tpu.dma_semaphore, #tpu.memory_space<semaphore_mem>>) {add = true}
    %dma_wait3A_69 = arith.constant 79 : i32
    %dma_wait3A_70 = arith.constant 0 : i32
    %dma_wait3A_71 = tpu.memref_slice %arg7[%dma_wait3A_69, %dma_wait3A_70] : memref<80x128xi32, #tpu.memory_space<vmem>> -> memref<1x128xi32, #tpu.memory_space<vmem>>
    %dma_wait3A_72 = tpu.memref_squeeze %dma_wait3A_71 : memref<1x128xi32, #tpu.memory_space<vmem>> -> memref<128xi32, #tpu.memory_space<vmem>>
    %dma_wait3A_73 = arith.constant 0 : i32
    %dma_wait3A_74 = arith.constant 0 : i32
    %dma_wait3A_75 = tpu.memref_slice %arg12[%dma_wait3A_73, %dma_wait3A_74] : memref<10240x64xf32, #tpu.memory_space<vmem_shared>> -> memref<10240x64xf32, #tpu.memory_space<vmem_shared>>
    tpu.wait_indirect_dma semaphore(%arg15 : memref<!tpu.dma_semaphore, #tpu.memory_space<semaphore_mem>>) src(%dma_wait3A_75 : memref<10240x64xf32, #tpu.memory_space<vmem_shared>>) dst(%arg10 : memref<128x64xf32, #tpu.memory_space<vmem>>)
    %dma_start3A_76 = arith.constant 79 : i32
    %dma_start3A_77 = arith.constant 0 : i32
    %dma_start3A_78 = tpu.memref_slice %arg8[%dma_start3A_76, %dma_start3A_77] : memref<80x128xi32, #tpu.memory_space<vmem>> -> memref<1x128xi32, #tpu.memory_space<vmem>>
    %dma_start3A_79 = tpu.memref_squeeze %dma_start3A_78 : memref<1x128xi32, #tpu.memory_space<vmem>> -> memref<128xi32, #tpu.memory_space<vmem>>
    %dma_start3A_80 = arith.constant 0 : i32
    %dma_start3A_81 = arith.constant 0 : i32
    %dma_start3A_82 = tpu.memref_slice %arg13[%dma_start3A_80, %dma_start3A_81] : memref<10240x64xf32, #tpu.memory_space<vmem_shared>> -> memref<10240x64xf32, #tpu.memory_space<vmem_shared>>
    tpu.enqueue_indirect_dma source(%arg10 : memref<128x64xf32, #tpu.memory_space<vmem>>) target(%dma_start3A_82 : memref<10240x64xf32, #tpu.memory_space<vmem_shared>>) offsets(%dma_start3A_79 : memref<128xi32, #tpu.memory_space<vmem>>) semaphore(%arg18 : memref<!tpu.dma_semaphore, #tpu.memory_space<semaphore_mem>>) {add = true}
    %dma_wait3A_83 = arith.constant 77 : i32
    %dma_wait3A_84 = arith.constant 0 : i32
    %dma_wait3A_85 = tpu.memref_slice %arg8[%dma_wait3A_83, %dma_wait3A_84] : memref<80x128xi32, #tpu.memory_space<vmem>> -> memref<1x128xi32, #tpu.memory_space<vmem>>
    %dma_wait3A_86 = tpu.memref_squeeze %dma_wait3A_85 : memref<1x128xi32, #tpu.memory_space<vmem>> -> memref<128xi32, #tpu.memory_space<vmem>>
    %dma_wait3A_87 = arith.constant 0 : i32
    %dma_wait3A_88 = arith.constant 0 : i32
    %dma_wait3A_89 = tpu.memref_slice %arg13[%dma_wait3A_87, %dma_wait3A_88] : memref<10240x64xf32, #tpu.memory_space<vmem_shared>> -> memref<10240x64xf32, #tpu.memory_space<vmem_shared>>
    tpu.wait_indirect_dma semaphore(%arg19 : memref<!tpu.dma_semaphore, #tpu.memory_space<semaphore_mem>>) src(%arg11 : memref<128x64xf32, #tpu.memory_space<vmem>>) dst(%dma_wait3A_89 : memref<10240x64xf32, #tpu.memory_space<vmem_shared>>)
    %dma_wait3A_90 = arith.constant 78 : i32
    %dma_wait3A_91 = arith.constant 0 : i32
    %dma_wait3A_92 = tpu.memref_slice %arg8[%dma_wait3A_90, %dma_wait3A_91] : memref<80x128xi32, #tpu.memory_space<vmem>> -> memref<1x128xi32, #tpu.memory_space<vmem>>
    %dma_wait3A_93 = tpu.memref_squeeze %dma_wait3A_92 : memref<1x128xi32, #tpu.memory_space<vmem>> -> memref<128xi32, #tpu.memory_space<vmem>>
    %dma_wait3A_94 = arith.constant 0 : i32
    %dma_wait3A_95 = arith.constant 0 : i32
    %dma_wait3A_96 = tpu.memref_slice %arg13[%dma_wait3A_94, %dma_wait3A_95] : memref<10240x64xf32, #tpu.memory_space<vmem_shared>> -> memref<10240x64xf32, #tpu.memory_space<vmem_shared>>
    tpu.wait_indirect_dma semaphore(%arg17 : memref<!tpu.dma_semaphore, #tpu.memory_space<semaphore_mem>>) src(%arg9 : memref<128x64xf32, #tpu.memory_space<vmem>>) dst(%dma_wait3A_96 : memref<10240x64xf32, #tpu.memory_space<vmem_shared>>)
    %dma_wait3A_97 = arith.constant 79 : i32
    %dma_wait3A_98 = arith.constant 0 : i32
    %dma_wait3A_99 = tpu.memref_slice %arg8[%dma_wait3A_97, %dma_wait3A_98] : memref<80x128xi32, #tpu.memory_space<vmem>> -> memref<1x128xi32, #tpu.memory_space<vmem>>
    %dma_wait3A_100 = tpu.memref_squeeze %dma_wait3A_99 : memref<1x128xi32, #tpu.memory_space<vmem>> -> memref<128xi32, #tpu.memory_space<vmem>>
    %dma_wait3A_101 = arith.constant 0 : i32
    %dma_wait3A_102 = arith.constant 0 : i32
    %dma_wait3A_103 = tpu.memref_slice %arg13[%dma_wait3A_101, %dma_wait3A_102] : memref<10240x64xf32, #tpu.memory_space<vmem_shared>> -> memref<10240x64xf32, #tpu.memory_space<vmem_shared>>
    tpu.wait_indirect_dma semaphore(%arg18 : memref<!tpu.dma_semaphore, #tpu.memory_space<semaphore_mem>>) src(%arg10 : memref<128x64xf32, #tpu.memory_space<vmem>>) dst(%dma_wait3A_103 : memref<10240x64xf32, #tpu.memory_space<vmem_shared>>)
    %barrier3A_104 = arith.constant 0 : index
    tpu.barrier barrier_id(%barrier3A_104)
    "tpu.region"() ({
      %run_scoped3A = tpu.sem_alloc : memref<!tpu.dma_semaphore, #tpu.memory_space<semaphore_mem>>
      %dma_start3A_105 = arith.constant 0 : i32
      %dma_start3A_106 = tpu.memref_slice %arg6[%arg0, %mul3A_2, %dma_start3A_105] : memref<2x10240x64xf32, #tpu.memory_space<hbm>> -> memref<1x640x64xf32, #tpu.memory_space<hbm>>
      %dma_start3A_107 = tpu.memref_squeeze %dma_start3A_106 : memref<1x640x64xf32, #tpu.memory_space<hbm>> -> memref<640x64xf32, #tpu.memory_space<hbm>>
      %dma_start3A_108 = arith.constant 0 : i32
      %dma_start3A_109 = tpu.memref_slice %arg13[%mul3A_2, %dma_start3A_108] : memref<10240x64xf32, #tpu.memory_space<vmem_shared>> -> memref<640x64xf32, #tpu.memory_space<vmem_shared>>
      tpu.enqueue_dma source(%dma_start3A_109 : memref<640x64xf32, #tpu.memory_space<vmem_shared>>) target(%dma_start3A_107 : memref<640x64xf32, #tpu.memory_space<hbm>>) target_semaphore(%run_scoped3A : memref<!tpu.dma_semaphore, #tpu.memory_space<semaphore_mem>>)
      %dma_wait3A_110 = arith.constant 0 : i32
      %dma_wait3A_111 = tpu.memref_slice %arg6[%arg0, %mul3A_2, %dma_wait3A_110] : memref<2x10240x64xf32, #tpu.memory_space<hbm>> -> memref<1x640x64xf32, #tpu.memory_space<hbm>>
      %dma_wait3A_112 = tpu.memref_squeeze %dma_wait3A_111 : memref<1x640x64xf32, #tpu.memory_space<hbm>> -> memref<640x64xf32, #tpu.memory_space<hbm>>
      %dma_wait3A_113 = arith.constant 0 : i32
      %dma_wait3A_114 = tpu.memref_slice %arg13[%mul3A_2, %dma_wait3A_113] : memref<10240x64xf32, #tpu.memory_space<vmem_shared>> -> memref<640x64xf32, #tpu.memory_space<vmem_shared>>
      tpu.wait_dma2 semaphore(%run_scoped3A : memref<!tpu.dma_semaphore, #tpu.memory_space<semaphore_mem>>) src(%dma_wait3A_114 : memref<640x64xf32, #tpu.memory_space<vmem_shared>>) dst(%dma_wait3A_112 : memref<640x64xf32, #tpu.memory_space<hbm>>)
      tpu.yield
    }) : () -> ()
    return
  }
}

#map = affine_map<(d0, d1) -> (0, 0)>
#map1 = affine_map<(d0, d1) -> (0, 0, 0)>
module attributes {stable_mosaic.version = 14 : i64} {
  func.func @k(%arg0: i32, %arg1: i32, %arg2: memref<10240x64xf32, #tpu.memory_space<hbm>>, %arg3: memref<2560x128xi32, #tpu.memory_space<hbm>>, %arg4: memref<2560x128xi32, #tpu.memory_space<hbm>>, %arg5: memref<10240x64xf32, #tpu.memory_space<hbm>>, %arg6: memref<2x10240x64xf32, #tpu.memory_space<hbm>>, %arg7: memref<80x128xi32, #tpu.memory_space<vmem>>, %arg8: memref<80x128xi32, #tpu.memory_space<vmem>>, %arg9: memref<128x64xf32, #tpu.memory_space<vmem>>, %arg10: memref<128x64xf32, #tpu.memory_space<vmem>>, %arg11: memref<128x64xf32, #tpu.memory_space<vmem>>, %arg12: memref<10240x64xf32, #tpu.memory_space<vmem_shared>>, %arg13: memref<10240x64xf32, #tpu.memory_space<vmem_shared>>, %arg14: memref<!tpu.dma_semaphore, #tpu.memory_space<semaphore_mem>>, %arg15: memref<!tpu.dma_semaphore, #tpu.memory_space<semaphore_mem>>, %arg16: memref<!tpu.dma_semaphore, #tpu.memory_space<semaphore_mem>>, %arg17: memref<!tpu.dma_semaphore, #tpu.memory_space<semaphore_mem>>, %arg18: memref<!tpu.dma_semaphore, #tpu.memory_space<semaphore_mem>>, %arg19: memref<!tpu.dma_semaphore, #tpu.memory_space<semaphore_mem>>) attributes {dimension_semantics = [#tpu.dimension_semantics<core_parallel>, #tpu.dimension_semantics<subcore_parallel>], iteration_bounds = array<i64: 2, 16>, scalar_prefetch = 0 : i64, scratch_operands = 13 : i64, tpu.core_type = #tpu.core_type<sc_vector_subcore>, window_params = [{transform_indices = #map}, {transform_indices = #map}, {transform_indices = #map}, {transform_indices = #map}, {transform_indices = #map1}]} {
    %mul3A = arith.constant 2 : i32
    %mul3A_0 = arith.muli %arg1, %mul3A : i32
    %add3A = arith.addi %mul3A_0, %arg0 : i32
    %mul3A_1 = arith.constant 640 : i32
    %mul3A_2 = arith.muli %arg1, %mul3A_1 : i32
    %mul3A_3 = arith.constant 80 : i32
    %mul3A_4 = arith.muli %add3A, %mul3A_3 : i32
    %mul3A_5 = arith.constant 80 : i32
    %mul3A_6 = arith.muli %add3A, %mul3A_5 : i32
    %dma_start3A = arith.constant 0 : i32
    %dma_start3A_7 = tpu.memref_slice %arg13[%mul3A_2, %dma_start3A] : memref<10240x64xf32, #tpu.memory_space<vmem_shared>> -> memref<640x64xf32, #tpu.memory_space<vmem_shared>>
    %dma_start3A_8 = arith.constant 0 : i32
    %dma_start3A_9 = tpu.memref_slice %arg5[%mul3A_2, %dma_start3A_8] : memref<10240x64xf32, #tpu.memory_space<hbm>> -> memref<640x64xf32, #tpu.memory_space<hbm>>
    tpu.enqueue_dma source(%dma_start3A_9 : memref<640x64xf32, #tpu.memory_space<hbm>>) target(%dma_start3A_7 : memref<640x64xf32, #tpu.memory_space<vmem_shared>>) target_semaphore(%arg14 : memref<!tpu.dma_semaphore, #tpu.memory_space<semaphore_mem>>)
    %dma_start3A_10 = arith.constant 0 : i32
    %dma_start3A_11 = tpu.memref_slice %arg12[%mul3A_2, %dma_start3A_10] : memref<10240x64xf32, #tpu.memory_space<vmem_shared>> -> memref<640x64xf32, #tpu.memory_space<vmem_shared>>
    %dma_start3A_12 = arith.constant 0 : i32
    %dma_start3A_13 = tpu.memref_slice %arg2[%mul3A_2, %dma_start3A_12] : memref<10240x64xf32, #tpu.memory_space<hbm>> -> memref<640x64xf32, #tpu.memory_space<hbm>>
    tpu.enqueue_dma source(%dma_start3A_13 : memref<640x64xf32, #tpu.memory_space<hbm>>) target(%dma_start3A_11 : memref<640x64xf32, #tpu.memory_space<vmem_shared>>) target_semaphore(%arg14 : memref<!tpu.dma_semaphore, #tpu.memory_space<semaphore_mem>>)
    %dma_start3A_14 = arith.constant 0 : i32
    %dma_start3A_15 = tpu.memref_slice %arg3[%mul3A_4, %dma_start3A_14] : memref<2560x128xi32, #tpu.memory_space<hbm>> -> memref<80x128xi32, #tpu.memory_space<hbm>>
    %dma_start3A_16 = arith.constant 0 : i32
    %dma_start3A_17 = tpu.memref_slice %arg3[%mul3A_4, %dma_start3A_16] : memref<2560x128xi32, #tpu.memory_space<hbm>> -> memref<80x128xi32, #tpu.memory_space<hbm>>
    tpu.enqueue_dma source(%dma_start3A_17 : memref<80x128xi32, #tpu.memory_space<hbm>>) target(%arg7 : memref<80x128xi32, #tpu.memory_space<vmem>>) target_semaphore(%arg14 : memref<!tpu.dma_semaphore, #tpu.memory_space<semaphore_mem>>)
    %dma_start3A_18 = arith.constant 0 : i32
    %dma_start3A_19 = tpu.memref_slice %arg4[%mul3A_6, %dma_start3A_18] : memref<2560x128xi32, #tpu.memory_space<hbm>> -> memref<80x128xi32, #tpu.memory_space<hbm>>
    %dma_start3A_20 = arith.constant 0 : i32
    %dma_start3A_21 = tpu.memref_slice %arg4[%mul3A_6, %dma_start3A_20] : memref<2560x128xi32, #tpu.memory_space<hbm>> -> memref<80x128xi32, #tpu.memory_space<hbm>>
    tpu.enqueue_dma source(%dma_start3A_21 : memref<80x128xi32, #tpu.memory_space<hbm>>) target(%arg8 : memref<80x128xi32, #tpu.memory_space<vmem>>) target_semaphore(%arg14 : memref<!tpu.dma_semaphore, #tpu.memory_space<semaphore_mem>>)
    %dma_wait3A = arith.constant 0 : i32
    %dma_wait3A_22 = tpu.memref_slice %arg13[%mul3A_2, %dma_wait3A] : memref<10240x64xf32, #tpu.memory_space<vmem_shared>> -> memref<640x64xf32, #tpu.memory_space<vmem_shared>>
    %dma_wait3A_23 = arith.constant 0 : i32
    %dma_wait3A_24 = tpu.memref_slice %arg5[%mul3A_2, %dma_wait3A_23] : memref<10240x64xf32, #tpu.memory_space<hbm>> -> memref<640x64xf32, #tpu.memory_space<hbm>>
    tpu.wait_dma2 semaphore(%arg14 : memref<!tpu.dma_semaphore, #tpu.memory_space<semaphore_mem>>) src(%dma_wait3A_24 : memref<640x64xf32, #tpu.memory_space<hbm>>) dst(%dma_wait3A_22 : memref<640x64xf32, #tpu.memory_space<vmem_shared>>)
    %dma_wait3A_25 = arith.constant 0 : i32
    %dma_wait3A_26 = tpu.memref_slice %arg12[%mul3A_2, %dma_wait3A_25] : memref<10240x64xf32, #tpu.memory_space<vmem_shared>> -> memref<640x64xf32, #tpu.memory_space<vmem_shared>>
    %dma_wait3A_27 = arith.constant 0 : i32
    %dma_wait3A_28 = tpu.memref_slice %arg2[%mul3A_2, %dma_wait3A_27] : memref<10240x64xf32, #tpu.memory_space<hbm>> -> memref<640x64xf32, #tpu.memory_space<hbm>>
    tpu.wait_dma2 semaphore(%arg14 : memref<!tpu.dma_semaphore, #tpu.memory_space<semaphore_mem>>) src(%dma_wait3A_28 : memref<640x64xf32, #tpu.memory_space<hbm>>) dst(%dma_wait3A_26 : memref<640x64xf32, #tpu.memory_space<vmem_shared>>)
    %dma_wait3A_29 = arith.constant 0 : i32
    %dma_wait3A_30 = tpu.memref_slice %arg3[%mul3A_4, %dma_wait3A_29] : memref<2560x128xi32, #tpu.memory_space<hbm>> -> memref<80x128xi32, #tpu.memory_space<hbm>>
    %dma_wait3A_31 = arith.constant 0 : i32
    %dma_wait3A_32 = tpu.memref_slice %arg3[%mul3A_4, %dma_wait3A_31] : memref<2560x128xi32, #tpu.memory_space<hbm>> -> memref<80x128xi32, #tpu.memory_space<hbm>>
    tpu.wait_dma2 semaphore(%arg14 : memref<!tpu.dma_semaphore, #tpu.memory_space<semaphore_mem>>) src(%dma_wait3A_32 : memref<80x128xi32, #tpu.memory_space<hbm>>) dst(%arg7 : memref<80x128xi32, #tpu.memory_space<vmem>>)
    %dma_wait3A_33 = arith.constant 0 : i32
    %dma_wait3A_34 = tpu.memref_slice %arg4[%mul3A_6, %dma_wait3A_33] : memref<2560x128xi32, #tpu.memory_space<hbm>> -> memref<80x128xi32, #tpu.memory_space<hbm>>
    %dma_wait3A_35 = arith.constant 0 : i32
    %dma_wait3A_36 = tpu.memref_slice %arg4[%mul3A_6, %dma_wait3A_35] : memref<2560x128xi32, #tpu.memory_space<hbm>> -> memref<80x128xi32, #tpu.memory_space<hbm>>
    tpu.wait_dma2 semaphore(%arg14 : memref<!tpu.dma_semaphore, #tpu.memory_space<semaphore_mem>>) src(%dma_wait3A_36 : memref<80x128xi32, #tpu.memory_space<hbm>>) dst(%arg8 : memref<80x128xi32, #tpu.memory_space<vmem>>)
    %barrier3A = arith.constant 0 : index
    tpu.barrier barrier_id(%barrier3A)
    %dma_start3A_37 = arith.constant 0 : i32
    %dma_start3A_38 = arith.constant 0 : i32
    %dma_start3A_39 = tpu.memref_slice %arg7[%dma_start3A_37, %dma_start3A_38] : memref<80x128xi32, #tpu.memory_space<vmem>> -> memref<1x128xi32, #tpu.memory_space<vmem>>
    %dma_start3A_40 = tpu.memref_squeeze %dma_start3A_39 : memref<1x128xi32, #tpu.memory_space<vmem>> -> memref<128xi32, #tpu.memory_space<vmem>>
    %dma_start3A_41 = arith.constant 0 : i32
    %dma_start3A_42 = arith.constant 0 : i32
    %dma_start3A_43 = tpu.memref_slice %arg12[%dma_start3A_41, %dma_start3A_42] : memref<10240x64xf32, #tpu.memory_space<vmem_shared>> -> memref<10240x64xf32, #tpu.memory_space<vmem_shared>>
    tpu.enqueue_indirect_dma source(%dma_start3A_43 : memref<10240x64xf32, #tpu.memory_space<vmem_shared>>) target(%arg9 : memref<128x64xf32, #tpu.memory_space<vmem>>) offsets(%dma_start3A_40 : memref<128xi32, #tpu.memory_space<vmem>>) semaphore(%arg14 : memref<!tpu.dma_semaphore, #tpu.memory_space<semaphore_mem>>)
    %dma_start3A_44 = arith.constant 1 : i32
    %dma_start3A_45 = arith.constant 0 : i32
    %dma_start3A_46 = tpu.memref_slice %arg7[%dma_start3A_44, %dma_start3A_45] : memref<80x128xi32, #tpu.memory_space<vmem>> -> memref<1x128xi32, #tpu.memory_space<vmem>>
    %dma_start3A_47 = tpu.memref_squeeze %dma_start3A_46 : memref<1x128xi32, #tpu.memory_space<vmem>> -> memref<128xi32, #tpu.memory_space<vmem>>
    %dma_start3A_48 = arith.constant 0 : i32
    %dma_start3A_49 = arith.constant 0 : i32
    %dma_start3A_50 = tpu.memref_slice %arg12[%dma_start3A_48, %dma_start3A_49] : memref<10240x64xf32, #tpu.memory_space<vmem_shared>> -> memref<10240x64xf32, #tpu.memory_space<vmem_shared>>
    tpu.enqueue_indirect_dma source(%dma_start3A_50 : memref<10240x64xf32, #tpu.memory_space<vmem_shared>>) target(%arg10 : memref<128x64xf32, #tpu.memory_space<vmem>>) offsets(%dma_start3A_47 : memref<128xi32, #tpu.memory_space<vmem>>) semaphore(%arg15 : memref<!tpu.dma_semaphore, #tpu.memory_space<semaphore_mem>>)
    %scan3A = arith.constant 0 : i32
    %scan3A_51 = arith.constant 26 : i32
    %scan3A_52 = arith.addi %scan3A, %scan3A_51 : i32
    %scan3A_53 = arith.constant 1 : i32
    scf.for %scan3A_105 = %scan3A to %scan3A_52 step %scan3A_53  : i32 {
      %mul3A_106 = arith.constant 1 : i32
      %mul3A_107 = arith.muli %scan3A_105, %mul3A_106 : i32
      %add3A_108 = arith.constant 0 : i32
      %add3A_109 = arith.addi %add3A_108, %mul3A_107 : i32
      %mul3A_110 = arith.constant 3 : i32
      %mul3A_111 = arith.muli %add3A_109, %mul3A_110 : i32
      %add3A_112 = arith.constant 0 : i32
      %add3A_113 = arith.addi %mul3A_111, %add3A_112 : i32
      %dma_wait3A_114 = arith.constant 0 : i32
      %dma_wait3A_115 = tpu.memref_slice %arg7[%add3A_113, %dma_wait3A_114] : memref<80x128xi32, #tpu.memory_space<vmem>> -> memref<1x128xi32, #tpu.memory_space<vmem>>
      %dma_wait3A_116 = tpu.memref_squeeze %dma_wait3A_115 : memref<1x128xi32, #tpu.memory_space<vmem>> -> memref<128xi32, #tpu.memory_space<vmem>>
      %dma_wait3A_117 = arith.constant 0 : i32
      %dma_wait3A_118 = arith.constant 0 : i32
      %dma_wait3A_119 = tpu.memref_slice %arg12[%dma_wait3A_117, %dma_wait3A_118] : memref<10240x64xf32, #tpu.memory_space<vmem_shared>> -> memref<10240x64xf32, #tpu.memory_space<vmem_shared>>
      tpu.wait_indirect_dma semaphore(%arg14 : memref<!tpu.dma_semaphore, #tpu.memory_space<semaphore_mem>>) src(%dma_wait3A_119 : memref<10240x64xf32, #tpu.memory_space<vmem_shared>>) dst(%arg9 : memref<128x64xf32, #tpu.memory_space<vmem>>)
      %dma_start3A_120 = arith.constant 0 : i32
      %dma_start3A_121 = tpu.memref_slice %arg8[%add3A_113, %dma_start3A_120] : memref<80x128xi32, #tpu.memory_space<vmem>> -> memref<1x128xi32, #tpu.memory_space<vmem>>
      %dma_start3A_122 = tpu.memref_squeeze %dma_start3A_121 : memref<1x128xi32, #tpu.memory_space<vmem>> -> memref<128xi32, #tpu.memory_space<vmem>>
      %dma_start3A_123 = arith.constant 0 : i32
      %dma_start3A_124 = arith.constant 0 : i32
      %dma_start3A_125 = tpu.memref_slice %arg13[%dma_start3A_123, %dma_start3A_124] : memref<10240x64xf32, #tpu.memory_space<vmem_shared>> -> memref<10240x64xf32, #tpu.memory_space<vmem_shared>>
      tpu.enqueue_indirect_dma source(%arg9 : memref<128x64xf32, #tpu.memory_space<vmem>>) target(%dma_start3A_125 : memref<10240x64xf32, #tpu.memory_space<vmem_shared>>) offsets(%dma_start3A_122 : memref<128xi32, #tpu.memory_space<vmem>>) semaphore(%arg17 : memref<!tpu.dma_semaphore, #tpu.memory_space<semaphore_mem>>) {add = true}
      %gt3A = arith.constant 0 : i32
      %gt3A_126 = arith.cmpi sgt, %add3A_113, %gt3A : i32
      %convert_element_type3A = arith.extui %gt3A_126 : i1 to i32
      %cond3A = arith.constant 0 : i32
      %cond3A_127 = arith.cmpi ne, %convert_element_type3A, %cond3A : i32
      scf.if %cond3A_127 {
        %sub3A = arith.constant 1 : i32
        %sub3A_190 = arith.subi %add3A_113, %sub3A : i32
        %dma_wait3A_191 = arith.constant 0 : i32
        %dma_wait3A_192 = tpu.memref_slice %arg8[%sub3A_190, %dma_wait3A_191] : memref<80x128xi32, #tpu.memory_space<vmem>> -> memref<1x128xi32, #tpu.memory_space<vmem>>
        %dma_wait3A_193 = tpu.memref_squeeze %dma_wait3A_192 : memref<1x128xi32, #tpu.memory_space<vmem>> -> memref<128xi32, #tpu.memory_space<vmem>>
        %dma_wait3A_194 = arith.constant 0 : i32
        %dma_wait3A_195 = arith.constant 0 : i32
        %dma_wait3A_196 = tpu.memref_slice %arg13[%dma_wait3A_194, %dma_wait3A_195] : memref<10240x64xf32, #tpu.memory_space<vmem_shared>> -> memref<10240x64xf32, #tpu.memory_space<vmem_shared>>
        tpu.wait_indirect_dma semaphore(%arg19 : memref<!tpu.dma_semaphore, #tpu.memory_space<semaphore_mem>>) src(%arg11 : memref<128x64xf32, #tpu.memory_space<vmem>>) dst(%dma_wait3A_196 : memref<10240x64xf32, #tpu.memory_space<vmem_shared>>)
      } else {
      }
      %add3A_128 = arith.constant 2 : i32
      %add3A_129 = arith.addi %add3A_113, %add3A_128 : i32
      %dma_start3A_130 = arith.constant 0 : i32
      %dma_start3A_131 = tpu.memref_slice %arg7[%add3A_129, %dma_start3A_130] : memref<80x128xi32, #tpu.memory_space<vmem>> -> memref<1x128xi32, #tpu.memory_space<vmem>>
      %dma_start3A_132 = tpu.memref_squeeze %dma_start3A_131 : memref<1x128xi32, #tpu.memory_space<vmem>> -> memref<128xi32, #tpu.memory_space<vmem>>
      %dma_start3A_133 = arith.constant 0 : i32
      %dma_start3A_134 = arith.constant 0 : i32
      %dma_start3A_135 = tpu.memref_slice %arg12[%dma_start3A_133, %dma_start3A_134] : memref<10240x64xf32, #tpu.memory_space<vmem_shared>> -> memref<10240x64xf32, #tpu.memory_space<vmem_shared>>
      tpu.enqueue_indirect_dma source(%dma_start3A_135 : memref<10240x64xf32, #tpu.memory_space<vmem_shared>>) target(%arg11 : memref<128x64xf32, #tpu.memory_space<vmem>>) offsets(%dma_start3A_132 : memref<128xi32, #tpu.memory_space<vmem>>) semaphore(%arg16 : memref<!tpu.dma_semaphore, #tpu.memory_space<semaphore_mem>>)
      %add3A_136 = arith.constant 1 : i32
      %add3A_137 = arith.addi %mul3A_111, %add3A_136 : i32
      %dma_wait3A_138 = arith.constant 0 : i32
      %dma_wait3A_139 = tpu.memref_slice %arg7[%add3A_137, %dma_wait3A_138] : memref<80x128xi32, #tpu.memory_space<vmem>> -> memref<1x128xi32, #tpu.memory_space<vmem>>
      %dma_wait3A_140 = tpu.memref_squeeze %dma_wait3A_139 : memref<1x128xi32, #tpu.memory_space<vmem>> -> memref<128xi32, #tpu.memory_space<vmem>>
      %dma_wait3A_141 = arith.constant 0 : i32
      %dma_wait3A_142 = arith.constant 0 : i32
      %dma_wait3A_143 = tpu.memref_slice %arg12[%dma_wait3A_141, %dma_wait3A_142] : memref<10240x64xf32, #tpu.memory_space<vmem_shared>> -> memref<10240x64xf32, #tpu.memory_space<vmem_shared>>
      tpu.wait_indirect_dma semaphore(%arg15 : memref<!tpu.dma_semaphore, #tpu.memory_space<semaphore_mem>>) src(%dma_wait3A_143 : memref<10240x64xf32, #tpu.memory_space<vmem_shared>>) dst(%arg10 : memref<128x64xf32, #tpu.memory_space<vmem>>)
      %dma_start3A_144 = arith.constant 0 : i32
      %dma_start3A_145 = tpu.memref_slice %arg8[%add3A_137, %dma_start3A_144] : memref<80x128xi32, #tpu.memory_space<vmem>> -> memref<1x128xi32, #tpu.memory_space<vmem>>
      %dma_start3A_146 = tpu.memref_squeeze %dma_start3A_145 : memref<1x128xi32, #tpu.memory_space<vmem>> -> memref<128xi32, #tpu.memory_space<vmem>>
      %dma_start3A_147 = arith.constant 0 : i32
      %dma_start3A_148 = arith.constant 0 : i32
      %dma_start3A_149 = tpu.memref_slice %arg13[%dma_start3A_147, %dma_start3A_148] : memref<10240x64xf32, #tpu.memory_space<vmem_shared>> -> memref<10240x64xf32, #tpu.memory_space<vmem_shared>>
      tpu.enqueue_indirect_dma source(%arg10 : memref<128x64xf32, #tpu.memory_space<vmem>>) target(%dma_start3A_149 : memref<10240x64xf32, #tpu.memory_space<vmem_shared>>) offsets(%dma_start3A_146 : memref<128xi32, #tpu.memory_space<vmem>>) semaphore(%arg18 : memref<!tpu.dma_semaphore, #tpu.memory_space<semaphore_mem>>) {add = true}
      %gt3A_150 = arith.constant 0 : i32
      %gt3A_151 = arith.cmpi sgt, %add3A_137, %gt3A_150 : i32
      %convert_element_type3A_152 = arith.extui %gt3A_151 : i1 to i32
      %cond3A_153 = arith.constant 0 : i32
      %cond3A_154 = arith.cmpi ne, %convert_element_type3A_152, %cond3A_153 : i32
      scf.if %cond3A_154 {
        %sub3A = arith.constant 1 : i32
        %sub3A_190 = arith.subi %add3A_137, %sub3A : i32
        %dma_wait3A_191 = arith.constant 0 : i32
        %dma_wait3A_192 = tpu.memref_slice %arg8[%sub3A_190, %dma_wait3A_191] : memref<80x128xi32, #tpu.memory_space<vmem>> -> memref<1x128xi32, #tpu.memory_space<vmem>>
        %dma_wait3A_193 = tpu.memref_squeeze %dma_wait3A_192 : memref<1x128xi32, #tpu.memory_space<vmem>> -> memref<128xi32, #tpu.memory_space<vmem>>
        %dma_wait3A_194 = arith.constant 0 : i32
        %dma_wait3A_195 = arith.constant 0 : i32
        %dma_wait3A_196 = tpu.memref_slice %arg13[%dma_wait3A_194, %dma_wait3A_195] : memref<10240x64xf32, #tpu.memory_space<vmem_shared>> -> memref<10240x64xf32, #tpu.memory_space<vmem_shared>>
        tpu.wait_indirect_dma semaphore(%arg17 : memref<!tpu.dma_semaphore, #tpu.memory_space<semaphore_mem>>) src(%arg9 : memref<128x64xf32, #tpu.memory_space<vmem>>) dst(%dma_wait3A_196 : memref<10240x64xf32, #tpu.memory_space<vmem_shared>>)
      } else {
      }
      %add3A_155 = arith.constant 2 : i32
      %add3A_156 = arith.addi %add3A_137, %add3A_155 : i32
      %dma_start3A_157 = arith.constant 0 : i32
      %dma_start3A_158 = tpu.memref_slice %arg7[%add3A_156, %dma_start3A_157] : memref<80x128xi32, #tpu.memory_space<vmem>> -> memref<1x128xi32, #tpu.memory_space<vmem>>
      %dma_start3A_159 = tpu.memref_squeeze %dma_start3A_158 : memref<1x128xi32, #tpu.memory_space<vmem>> -> memref<128xi32, #tpu.memory_space<vmem>>
      %dma_start3A_160 = arith.constant 0 : i32
      %dma_start3A_161 = arith.constant 0 : i32
      %dma_start3A_162 = tpu.memref_slice %arg12[%dma_start3A_160, %dma_start3A_161] : memref<10240x64xf32, #tpu.memory_space<vmem_shared>> -> memref<10240x64xf32, #tpu.memory_space<vmem_shared>>
      tpu.enqueue_indirect_dma source(%dma_start3A_162 : memref<10240x64xf32, #tpu.memory_space<vmem_shared>>) target(%arg9 : memref<128x64xf32, #tpu.memory_space<vmem>>) offsets(%dma_start3A_159 : memref<128xi32, #tpu.memory_space<vmem>>) semaphore(%arg14 : memref<!tpu.dma_semaphore, #tpu.memory_space<semaphore_mem>>)
      %add3A_163 = arith.constant 2 : i32
      %add3A_164 = arith.addi %mul3A_111, %add3A_163 : i32
      %dma_wait3A_165 = arith.constant 0 : i32
      %dma_wait3A_166 = tpu.memref_slice %arg7[%add3A_164, %dma_wait3A_165] : memref<80x128xi32, #tpu.memory_space<vmem>> -> memref<1x128xi32, #tpu.memory_space<vmem>>
      %dma_wait3A_167 = tpu.memref_squeeze %dma_wait3A_166 : memref<1x128xi32, #tpu.memory_space<vmem>> -> memref<128xi32, #tpu.memory_space<vmem>>
      %dma_wait3A_168 = arith.constant 0 : i32
      %dma_wait3A_169 = arith.constant 0 : i32
      %dma_wait3A_170 = tpu.memref_slice %arg12[%dma_wait3A_168, %dma_wait3A_169] : memref<10240x64xf32, #tpu.memory_space<vmem_shared>> -> memref<10240x64xf32, #tpu.memory_space<vmem_shared>>
      tpu.wait_indirect_dma semaphore(%arg16 : memref<!tpu.dma_semaphore, #tpu.memory_space<semaphore_mem>>) src(%dma_wait3A_170 : memref<10240x64xf32, #tpu.memory_space<vmem_shared>>) dst(%arg11 : memref<128x64xf32, #tpu.memory_space<vmem>>)
      %dma_start3A_171 = arith.constant 0 : i32
      %dma_start3A_172 = tpu.memref_slice %arg8[%add3A_164, %dma_start3A_171] : memref<80x128xi32, #tpu.memory_space<vmem>> -> memref<1x128xi32, #tpu.memory_space<vmem>>
      %dma_start3A_173 = tpu.memref_squeeze %dma_start3A_172 : memref<1x128xi32, #tpu.memory_space<vmem>> -> memref<128xi32, #tpu.memory_space<vmem>>
      %dma_start3A_174 = arith.constant 0 : i32
      %dma_start3A_175 = arith.constant 0 : i32
      %dma_start3A_176 = tpu.memref_slice %arg13[%dma_start3A_174, %dma_start3A_175] : memref<10240x64xf32, #tpu.memory_space<vmem_shared>> -> memref<10240x64xf32, #tpu.memory_space<vmem_shared>>
      tpu.enqueue_indirect_dma source(%arg11 : memref<128x64xf32, #tpu.memory_space<vmem>>) target(%dma_start3A_176 : memref<10240x64xf32, #tpu.memory_space<vmem_shared>>) offsets(%dma_start3A_173 : memref<128xi32, #tpu.memory_space<vmem>>) semaphore(%arg19 : memref<!tpu.dma_semaphore, #tpu.memory_space<semaphore_mem>>) {add = true}
      %gt3A_177 = arith.constant 0 : i32
      %gt3A_178 = arith.cmpi sgt, %add3A_164, %gt3A_177 : i32
      %convert_element_type3A_179 = arith.extui %gt3A_178 : i1 to i32
      %cond3A_180 = arith.constant 0 : i32
      %cond3A_181 = arith.cmpi ne, %convert_element_type3A_179, %cond3A_180 : i32
      scf.if %cond3A_181 {
        %sub3A = arith.constant 1 : i32
        %sub3A_190 = arith.subi %add3A_164, %sub3A : i32
        %dma_wait3A_191 = arith.constant 0 : i32
        %dma_wait3A_192 = tpu.memref_slice %arg8[%sub3A_190, %dma_wait3A_191] : memref<80x128xi32, #tpu.memory_space<vmem>> -> memref<1x128xi32, #tpu.memory_space<vmem>>
        %dma_wait3A_193 = tpu.memref_squeeze %dma_wait3A_192 : memref<1x128xi32, #tpu.memory_space<vmem>> -> memref<128xi32, #tpu.memory_space<vmem>>
        %dma_wait3A_194 = arith.constant 0 : i32
        %dma_wait3A_195 = arith.constant 0 : i32
        %dma_wait3A_196 = tpu.memref_slice %arg13[%dma_wait3A_194, %dma_wait3A_195] : memref<10240x64xf32, #tpu.memory_space<vmem_shared>> -> memref<10240x64xf32, #tpu.memory_space<vmem_shared>>
        tpu.wait_indirect_dma semaphore(%arg18 : memref<!tpu.dma_semaphore, #tpu.memory_space<semaphore_mem>>) src(%arg10 : memref<128x64xf32, #tpu.memory_space<vmem>>) dst(%dma_wait3A_196 : memref<10240x64xf32, #tpu.memory_space<vmem_shared>>)
      } else {
      }
      %add3A_182 = arith.constant 2 : i32
      %add3A_183 = arith.addi %add3A_164, %add3A_182 : i32
      %dma_start3A_184 = arith.constant 0 : i32
      %dma_start3A_185 = tpu.memref_slice %arg7[%add3A_183, %dma_start3A_184] : memref<80x128xi32, #tpu.memory_space<vmem>> -> memref<1x128xi32, #tpu.memory_space<vmem>>
      %dma_start3A_186 = tpu.memref_squeeze %dma_start3A_185 : memref<1x128xi32, #tpu.memory_space<vmem>> -> memref<128xi32, #tpu.memory_space<vmem>>
      %dma_start3A_187 = arith.constant 0 : i32
      %dma_start3A_188 = arith.constant 0 : i32
      %dma_start3A_189 = tpu.memref_slice %arg12[%dma_start3A_187, %dma_start3A_188] : memref<10240x64xf32, #tpu.memory_space<vmem_shared>> -> memref<10240x64xf32, #tpu.memory_space<vmem_shared>>
      tpu.enqueue_indirect_dma source(%dma_start3A_189 : memref<10240x64xf32, #tpu.memory_space<vmem_shared>>) target(%arg10 : memref<128x64xf32, #tpu.memory_space<vmem>>) offsets(%dma_start3A_186 : memref<128xi32, #tpu.memory_space<vmem>>) semaphore(%arg15 : memref<!tpu.dma_semaphore, #tpu.memory_space<semaphore_mem>>)
    }
    %scan3A_54 = arith.constant 26 : i32
    %dma_wait3A_55 = arith.constant 78 : i32
    %dma_wait3A_56 = arith.constant 0 : i32
    %dma_wait3A_57 = tpu.memref_slice %arg7[%dma_wait3A_55, %dma_wait3A_56] : memref<80x128xi32, #tpu.memory_space<vmem>> -> memref<1x128xi32, #tpu.memory_space<vmem>>
    %dma_wait3A_58 = tpu.memref_squeeze %dma_wait3A_57 : memref<1x128xi32, #tpu.memory_space<vmem>> -> memref<128xi32, #tpu.memory_space<vmem>>
    %dma_wait3A_59 = arith.constant 0 : i32
    %dma_wait3A_60 = arith.constant 0 : i32
    %dma_wait3A_61 = tpu.memref_slice %arg12[%dma_wait3A_59, %dma_wait3A_60] : memref<10240x64xf32, #tpu.memory_space<vmem_shared>> -> memref<10240x64xf32, #tpu.memory_space<vmem_shared>>
    tpu.wait_indirect_dma semaphore(%arg14 : memref<!tpu.dma_semaphore, #tpu.memory_space<semaphore_mem>>) src(%dma_wait3A_61 : memref<10240x64xf32, #tpu.memory_space<vmem_shared>>) dst(%arg9 : memref<128x64xf32, #tpu.memory_space<vmem>>)
    %dma_start3A_62 = arith.constant 78 : i32
    %dma_start3A_63 = arith.constant 0 : i32
    %dma_start3A_64 = tpu.memref_slice %arg8[%dma_start3A_62, %dma_start3A_63] : memref<80x128xi32, #tpu.memory_space<vmem>> -> memref<1x128xi32, #tpu.memory_space<vmem>>
    %dma_start3A_65 = tpu.memref_squeeze %dma_start3A_64 : memref<1x128xi32, #tpu.memory_space<vmem>> -> memref<128xi32, #tpu.memory_space<vmem>>
    %dma_start3A_66 = arith.constant 0 : i32
    %dma_start3A_67 = arith.constant 0 : i32
    %dma_start3A_68 = tpu.memref_slice %arg13[%dma_start3A_66, %dma_start3A_67] : memref<10240x64xf32, #tpu.memory_space<vmem_shared>> -> memref<10240x64xf32, #tpu.memory_space<vmem_shared>>
    tpu.enqueue_indirect_dma source(%arg9 : memref<128x64xf32, #tpu.memory_space<vmem>>) target(%dma_start3A_68 : memref<10240x64xf32, #tpu.memory_space<vmem_shared>>) offsets(%dma_start3A_65 : memref<128xi32, #tpu.memory_space<vmem>>) semaphore(%arg17 : memref<!tpu.dma_semaphore, #tpu.memory_space<semaphore_mem>>) {add = true}
    %dma_wait3A_69 = arith.constant 79 : i32
    %dma_wait3A_70 = arith.constant 0 : i32
    %dma_wait3A_71 = tpu.memref_slice %arg7[%dma_wait3A_69, %dma_wait3A_70] : memref<80x128xi32, #tpu.memory_space<vmem>> -> memref<1x128xi32, #tpu.memory_space<vmem>>
    %dma_wait3A_72 = tpu.memref_squeeze %dma_wait3A_71 : memref<1x128xi32, #tpu.memory_space<vmem>> -> memref<128xi32, #tpu.memory_space<vmem>>
    %dma_wait3A_73 = arith.constant 0 : i32
    %dma_wait3A_74 = arith.constant 0 : i32
    %dma_wait3A_75 = tpu.memref_slice %arg12[%dma_wait3A_73, %dma_wait3A_74] : memref<10240x64xf32, #tpu.memory_space<vmem_shared>> -> memref<10240x64xf32, #tpu.memory_space<vmem_shared>>
    tpu.wait_indirect_dma semaphore(%arg15 : memref<!tpu.dma_semaphore, #tpu.memory_space<semaphore_mem>>) src(%dma_wait3A_75 : memref<10240x64xf32, #tpu.memory_space<vmem_shared>>) dst(%arg10 : memref<128x64xf32, #tpu.memory_space<vmem>>)
    %dma_start3A_76 = arith.constant 79 : i32
    %dma_start3A_77 = arith.constant 0 : i32
    %dma_start3A_78 = tpu.memref_slice %arg8[%dma_start3A_76, %dma_start3A_77] : memref<80x128xi32, #tpu.memory_space<vmem>> -> memref<1x128xi32, #tpu.memory_space<vmem>>
    %dma_start3A_79 = tpu.memref_squeeze %dma_start3A_78 : memref<1x128xi32, #tpu.memory_space<vmem>> -> memref<128xi32, #tpu.memory_space<vmem>>
    %dma_start3A_80 = arith.constant 0 : i32
    %dma_start3A_81 = arith.constant 0 : i32
    %dma_start3A_82 = tpu.memref_slice %arg13[%dma_start3A_80, %dma_start3A_81] : memref<10240x64xf32, #tpu.memory_space<vmem_shared>> -> memref<10240x64xf32, #tpu.memory_space<vmem_shared>>
    tpu.enqueue_indirect_dma source(%arg10 : memref<128x64xf32, #tpu.memory_space<vmem>>) target(%dma_start3A_82 : memref<10240x64xf32, #tpu.memory_space<vmem_shared>>) offsets(%dma_start3A_79 : memref<128xi32, #tpu.memory_space<vmem>>) semaphore(%arg18 : memref<!tpu.dma_semaphore, #tpu.memory_space<semaphore_mem>>) {add = true}
    %dma_wait3A_83 = arith.constant 77 : i32
    %dma_wait3A_84 = arith.constant 0 : i32
    %dma_wait3A_85 = tpu.memref_slice %arg8[%dma_wait3A_83, %dma_wait3A_84] : memref<80x128xi32, #tpu.memory_space<vmem>> -> memref<1x128xi32, #tpu.memory_space<vmem>>
    %dma_wait3A_86 = tpu.memref_squeeze %dma_wait3A_85 : memref<1x128xi32, #tpu.memory_space<vmem>> -> memref<128xi32, #tpu.memory_space<vmem>>
    %dma_wait3A_87 = arith.constant 0 : i32
    %dma_wait3A_88 = arith.constant 0 : i32
    %dma_wait3A_89 = tpu.memref_slice %arg13[%dma_wait3A_87, %dma_wait3A_88] : memref<10240x64xf32, #tpu.memory_space<vmem_shared>> -> memref<10240x64xf32, #tpu.memory_space<vmem_shared>>
    tpu.wait_indirect_dma semaphore(%arg19 : memref<!tpu.dma_semaphore, #tpu.memory_space<semaphore_mem>>) src(%arg11 : memref<128x64xf32, #tpu.memory_space<vmem>>) dst(%dma_wait3A_89 : memref<10240x64xf32, #tpu.memory_space<vmem_shared>>)
    %dma_wait3A_90 = arith.constant 78 : i32
    %dma_wait3A_91 = arith.constant 0 : i32
    %dma_wait3A_92 = tpu.memref_slice %arg8[%dma_wait3A_90, %dma_wait3A_91] : memref<80x128xi32, #tpu.memory_space<vmem>> -> memref<1x128xi32, #tpu.memory_space<vmem>>
    %dma_wait3A_93 = tpu.memref_squeeze %dma_wait3A_92 : memref<1x128xi32, #tpu.memory_space<vmem>> -> memref<128xi32, #tpu.memory_space<vmem>>
    %dma_wait3A_94 = arith.constant 0 : i32
    %dma_wait3A_95 = arith.constant 0 : i32
    %dma_wait3A_96 = tpu.memref_slice %arg13[%dma_wait3A_94, %dma_wait3A_95] : memref<10240x64xf32, #tpu.memory_space<vmem_shared>> -> memref<10240x64xf32, #tpu.memory_space<vmem_shared>>
    tpu.wait_indirect_dma semaphore(%arg17 : memref<!tpu.dma_semaphore, #tpu.memory_space<semaphore_mem>>) src(%arg9 : memref<128x64xf32, #tpu.memory_space<vmem>>) dst(%dma_wait3A_96 : memref<10240x64xf32, #tpu.memory_space<vmem_shared>>)
    %dma_wait3A_97 = arith.constant 79 : i32
    %dma_wait3A_98 = arith.constant 0 : i32
    %dma_wait3A_99 = tpu.memref_slice %arg8[%dma_wait3A_97, %dma_wait3A_98] : memref<80x128xi32, #tpu.memory_space<vmem>> -> memref<1x128xi32, #tpu.memory_space<vmem>>
    %dma_wait3A_100 = tpu.memref_squeeze %dma_wait3A_99 : memref<1x128xi32, #tpu.memory_space<vmem>> -> memref<128xi32, #tpu.memory_space<vmem>>
    %dma_wait3A_101 = arith.constant 0 : i32
    %dma_wait3A_102 = arith.constant 0 : i32
    %dma_wait3A_103 = tpu.memref_slice %arg13[%dma_wait3A_101, %dma_wait3A_102] : memref<10240x64xf32, #tpu.memory_space<vmem_shared>> -> memref<10240x64xf32, #tpu.memory_space<vmem_shared>>
    tpu.wait_indirect_dma semaphore(%arg18 : memref<!tpu.dma_semaphore, #tpu.memory_space<semaphore_mem>>) src(%arg10 : memref<128x64xf32, #tpu.memory_space<vmem>>) dst(%dma_wait3A_103 : memref<10240x64xf32, #tpu.memory_space<vmem_shared>>)
    %barrier3A_104 = arith.constant 0 : index
    tpu.barrier barrier_id(%barrier3A_104)
    "tpu.region"() ({
      %run_scoped3A = tpu.sem_alloc : memref<!tpu.dma_semaphore, #tpu.memory_space<semaphore_mem>>
      %dma_start3A_105 = arith.constant 0 : i32
      %dma_start3A_106 = tpu.memref_slice %arg6[%arg0, %mul3A_2, %dma_start3A_105] : memref<2x10240x64xf32, #tpu.memory_space<hbm>> -> memref<1x640x64xf32, #tpu.memory_space<hbm>>
      %dma_start3A_107 = tpu.memref_squeeze %dma_start3A_106 : memref<1x640x64xf32, #tpu.memory_space<hbm>> -> memref<640x64xf32, #tpu.memory_space<hbm>>
      %dma_start3A_108 = arith.constant 0 : i32
      %dma_start3A_109 = tpu.memref_slice %arg13[%mul3A_2, %dma_start3A_108] : memref<10240x64xf32, #tpu.memory_space<vmem_shared>> -> memref<640x64xf32, #tpu.memory_space<vmem_shared>>
      tpu.enqueue_dma source(%dma_start3A_109 : memref<640x64xf32, #tpu.memory_space<vmem_shared>>) target(%dma_start3A_107 : memref<640x64xf32, #tpu.memory_space<hbm>>) target_semaphore(%run_scoped3A : memref<!tpu.dma_semaphore, #tpu.memory_space<semaphore_mem>>)
      %dma_wait3A_110 = arith.constant 0 : i32
      %dma_wait3A_111 = tpu.memref_slice %arg6[%arg0, %mul3A_2, %dma_wait3A_110] : memref<2x10240x64xf32, #tpu.memory_space<hbm>> -> memref<1x640x64xf32, #tpu.memory_space<hbm>>
      %dma_wait3A_112 = tpu.memref_squeeze %dma_wait3A_111 : memref<1x640x64xf32, #tpu.memory_space<hbm>> -> memref<640x64xf32, #tpu.memory_space<hbm>>
      %dma_wait3A_113 = arith.constant 0 : i32
      %dma_wait3A_114 = tpu.memref_slice %arg13[%mul3A_2, %dma_wait3A_113] : memref<10240x64xf32, #tpu.memory_space<vmem_shared>> -> memref<640x64xf32, #tpu.memory_space<vmem_shared>>
      tpu.wait_dma2 semaphore(%run_scoped3A : memref<!tpu.dma_semaphore, #tpu.memory_space<semaphore_mem>>) src(%dma_wait3A_114 : memref<640x64xf32, #tpu.memory_space<vmem_shared>>) dst(%dma_wait3A_112 : memref<640x64xf32, #tpu.memory_space<hbm>>)
      tpu.yield
    }) : () -> ()
    return
  }
}

module attributes {stable_mosaic.version = 14 : i64} {
  func.func @body(%arg0: i32, %arg1: memref<640x128xf32, #tpu.memory_space<vmem>>, %arg2: memref<640x16xf32, #tpu.memory_space<vmem>>, %arg3: memref<640x16xf32, #tpu.memory_space<vmem>>, %arg4: memref<128x64xf32, #tpu.memory_space<vmem>>, %arg5: memref<128x64xf32, #tpu.memory_space<vmem>>, %arg6: memref<1x64xf32, #tpu.memory_space<vmem>>, %arg7: memref<640x64xf32, #tpu.memory_space<vmem>>, %arg8: memref<640x64xf32, #tpu.memory_space<vmem>>) attributes {dimension_semantics = [#tpu.dimension_semantics<arbitrary>], iteration_bounds = array<i64: 16>, scalar_prefetch = 0 : i64, scratch_operands = 0 : i64, tpu.core_type = #tpu.core_type<tc>, window_params = [{transform_indices = @transform_0, window_bounds = array<i64: 640, 128>}, {transform_indices = @transform_1, window_bounds = array<i64: 640, 16>}, {transform_indices = @transform_2, window_bounds = array<i64: 640, 16>}, {pipeline_mode = #tpu.pipeline_mode<synchronous>, transform_indices = @transform_3, window_bounds = array<i64: 128, 64>}, {pipeline_mode = #tpu.pipeline_mode<synchronous>, transform_indices = @transform_4, window_bounds = array<i64: 128, 64>}, {pipeline_mode = #tpu.pipeline_mode<synchronous>, transform_indices = @transform_5, window_bounds = array<i64: 1, 64>}, {transform_indices = @transform_6, window_bounds = array<i64: 640, 64>}, {transform_indices = @transform_7, window_bounds = array<i64: 640, 64>}]} {
    %get3A = arith.constant 0 : index
    %get3A_0 = arith.constant 0 : index
    %get3A_1 = vector.load %arg1[%get3A, %get3A_0] : memref<640x128xf32, #tpu.memory_space<vmem>>, vector<640x128xf32>
    %get3A_2 = arith.constant 0 : index
    %get3A_3 = arith.constant 0 : index
    %get3A_4 = vector.load %arg2[%get3A_2, %get3A_3] : memref<640x16xf32, #tpu.memory_space<vmem>>, vector<640x16xf32>
    %get3A_5 = arith.constant 0 : index
    %get3A_6 = arith.constant 0 : index
    %get3A_7 = vector.load %arg3[%get3A_5, %get3A_6] : memref<640x16xf32, #tpu.memory_space<vmem>>, vector<640x16xf32>
    %slice3A = vector.extract_strided_slice %get3A_4 {offsets = [0, 0], sizes = [640, 1], strides = [1, 1]} : vector<640x16xf32> to vector<640x1xf32>
    %slice3A_8 = vector.extract_strided_slice %get3A_7 {offsets = [0, 0], sizes = [640, 1], strides = [1, 1]} : vector<640x16xf32> to vector<640x1xf32>
    %add3A = arith.addf %slice3A, %slice3A_8 : vector<640x1xf32>
    %gt3A = arith.constant 0.000000e+00 : f32
    %gt3A_9 = vector.broadcast %gt3A : f32 to vector<640x1xf32>
    %gt3A_10 = arith.cmpf ogt, %add3A, %gt3A_9 : vector<640x1xf32>
    %max3A = arith.constant 1.000000e+00 : f32
    %max3A_11 = vector.broadcast %max3A : f32 to vector<640x1xf32>
    %max3A_12 = arith.maximumf %add3A, %max3A_11 : vector<640x1xf32>
    %rsqrt3A = math.rsqrt %max3A_12 : vector<640x1xf32>
    %jit3A = arith.constant 0.000000e+00 : f32
    %broadcast_in_dim3A = vector.broadcast %jit3A : f32 to vector<640x1xf32>
    %select_n3A = arith.select %gt3A_10, %rsqrt3A, %broadcast_in_dim3A : vector<640x1xi1>, vector<640x1xf32>
    %mul3A = vector.broadcast %select_n3A : vector<640x1xf32> to vector<640x128xf32>
    %mul3A_13 = arith.mulf %get3A_1, %mul3A : vector<640x128xf32>
    %get3A_14 = arith.constant 0 : index
    %get3A_15 = arith.constant 0 : index
    %get3A_16 = vector.load %arg4[%get3A_14, %get3A_15] : memref<128x64xf32, #tpu.memory_space<vmem>>, vector<128x64xf32>
    %dot_general3A = arith.constant dense<0.000000e+00> : vector<640x64xf32>
    %dot_general3A_17 = tpu.matmul %mul3A_13, %get3A_16, %dot_general3A {dimension_numbers = #tpu.dot_dimension_numbers<[1], [0], [0], [1], [0, 0, 1, 1], [], []>, transpose_lhs_hint = false} : vector<640x128xf32>, vector<128x64xf32>, vector<640x64xf32> -> vector<640x64xf32>
    %swap3A = arith.constant 0 : index
    %swap3A_18 = arith.constant 0 : index
    %swap3A_19 = vector.load %arg7[%swap3A, %swap3A_18] : memref<640x64xf32, #tpu.memory_space<vmem>>, vector<640x64xf32>
    tpu.vector_store %arg7[%swap3A, %swap3A_18], %dot_general3A_17 {strides = array<i32>} : memref<640x64xf32, #tpu.memory_space<vmem>>, vector<640x64xf32>,
    %get3A_20 = arith.constant 0 : index
    %get3A_21 = arith.constant 0 : index
    %get3A_22 = vector.load %arg5[%get3A_20, %get3A_21] : memref<128x64xf32, #tpu.memory_space<vmem>>, vector<128x64xf32>
    %dot_general3A_23 = arith.constant dense<0.000000e+00> : vector<640x64xf32>
    %dot_general3A_24 = tpu.matmul %get3A_1, %get3A_22, %dot_general3A_23 {dimension_numbers = #tpu.dot_dimension_numbers<[1], [0], [0], [1], [0, 0, 1, 1], [], []>, transpose_lhs_hint = false} : vector<640x128xf32>, vector<128x64xf32>, vector<640x64xf32> -> vector<640x64xf32>
    %get3A_25 = arith.constant 0 : index
    %get3A_26 = arith.constant 0 : index
    %get3A_27 = vector.load %arg6[%get3A_25, %get3A_26] : memref<1x64xf32, #tpu.memory_space<vmem>>, vector<1x64xf32>
    %add3A_28 = vector.broadcast %get3A_27 : vector<1x64xf32> to vector<640x64xf32>
    %add3A_29 = arith.addf %dot_general3A_24, %add3A_28 : vector<640x64xf32>
    %max3A_30 = arith.constant 0.000000e+00 : f32
    %max3A_31 = vector.broadcast %max3A_30 : f32 to vector<640x64xf32>
    %max3A_32 = arith.maximumf %add3A_29, %max3A_31 : vector<640x64xf32>
    %swap3A_33 = arith.constant 0 : index
    %swap3A_34 = arith.constant 0 : index
    %swap3A_35 = vector.load %arg8[%swap3A_33, %swap3A_34] : memref<640x64xf32, #tpu.memory_space<vmem>>, vector<640x64xf32>
    tpu.vector_store %arg8[%swap3A_33, %swap3A_34], %max3A_32 {strides = array<i32>} : memref<640x64xf32, #tpu.memory_space<vmem>>, vector<640x64xf32>,
    return
  }
  func.func @transform_0(%arg0: i32) -> (i32, i32) {
    %c0_i32 = arith.constant 0 : i32
    %c0_i32_0 = arith.constant 0 : i32
    return %arg0, %c0_i32 : i32, i32
  }
  func.func @transform_1(%arg0: i32) -> (i32, i32) {
    %c0_i32 = arith.constant 0 : i32
    %c0_i32_0 = arith.constant 0 : i32
    return %arg0, %c0_i32 : i32, i32
  }
  func.func @transform_2(%arg0: i32) -> (i32, i32) {
    %c0_i32 = arith.constant 0 : i32
    %c0_i32_0 = arith.constant 0 : i32
    return %arg0, %c0_i32 : i32, i32
  }
  func.func @transform_3(%arg0: i32) -> (i32, i32) {
    %c0_i32 = arith.constant 0 : i32
    %c0_i32_0 = arith.constant 0 : i32
    %c0_i32_1 = arith.constant 0 : i32
    return %c0_i32, %c0_i32_0 : i32, i32
  }
  func.func @transform_4(%arg0: i32) -> (i32, i32) {
    %c0_i32 = arith.constant 0 : i32
    %c0_i32_0 = arith.constant 0 : i32
    %c0_i32_1 = arith.constant 0 : i32
    return %c0_i32, %c0_i32_0 : i32, i32
  }
  func.func @transform_5(%arg0: i32) -> (i32, i32) {
    %c0_i32 = arith.constant 0 : i32
    %c0_i32_0 = arith.constant 0 : i32
    %c0_i32_1 = arith.constant 0 : i32
    return %c0_i32, %c0_i32_0 : i32, i32
  }
  func.func @transform_6(%arg0: i32) -> (i32, i32) {
    %c0_i32 = arith.constant 0 : i32
    %c0_i32_0 = arith.constant 0 : i32
    return %arg0, %c0_i32 : i32, i32
  }
  func.func @transform_7(%arg0: i32) -> (i32, i32) {
    %c0_i32 = arith.constant 0 : i32
    %c0_i32_0 = arith.constant 0 : i32
    return %arg0, %c0_i32 : i32, i32
  }
}

module attributes {stable_mosaic.version = 14 : i64} {
  func.func @body(%arg0: i32, %arg1: memref<640x64xf32, #tpu.memory_space<vmem>>, %arg2: memref<640x64xf32, #tpu.memory_space<vmem>>, %arg3: memref<640x64xf32, #tpu.memory_space<vmem>>, %arg4: memref<640x16xf32, #tpu.memory_space<vmem>>, %arg5: memref<640x16xf32, #tpu.memory_space<vmem>>, %arg6: memref<640x16xf32, #tpu.memory_space<vmem>>, %arg7: memref<640x16xf32, #tpu.memory_space<vmem>>, %arg8: memref<1x64xf32, #tpu.memory_space<vmem>>, %arg9: memref<1x64xf32, #tpu.memory_space<vmem>>, %arg10: memref<1x64xf32, #tpu.memory_space<vmem>>, %arg11: memref<1x64xf32, #tpu.memory_space<vmem>>, %arg12: memref<1x64xf32, #tpu.memory_space<vmem>>, %arg13: memref<64x64xf32, #tpu.memory_space<vmem>>, %arg14: memref<64x64xf32, #tpu.memory_space<vmem>>, %arg15: memref<1x64xf32, #tpu.memory_space<vmem>>, %arg16: memref<640x64xf32, #tpu.memory_space<vmem>>, %arg17: memref<640x64xf32, #tpu.memory_space<vmem>>) attributes {dimension_semantics = [#tpu.dimension_semantics<arbitrary>], iteration_bounds = array<i64: 16>, scalar_prefetch = 0 : i64, scratch_operands = 0 : i64, tpu.core_type = #tpu.core_type<tc>, window_params = [{transform_indices = @transform_0, window_bounds = array<i64: 640, 64>}, {transform_indices = @transform_1, window_bounds = array<i64: 640, 64>}, {transform_indices = @transform_2, window_bounds = array<i64: 640, 64>}, {transform_indices = @transform_3, window_bounds = array<i64: 640, 16>}, {transform_indices = @transform_4, window_bounds = array<i64: 640, 16>}, {transform_indices = @transform_5, window_bounds = array<i64: 640, 16>}, {transform_indices = @transform_6, window_bounds = array<i64: 640, 16>}, {pipeline_mode = #tpu.pipeline_mode<synchronous>, transform_indices = @transform_7, window_bounds = array<i64: 1, 64>}, {pipeline_mode = #tpu.pipeline_mode<synchronous>, transform_indices = @transform_8, window_bounds = array<i64: 1, 64>}, {pipeline_mode = #tpu.pipeline_mode<synchronous>, transform_indices = @transform_9, window_bounds = array<i64: 1, 64>}, {pipeline_mode = #tpu.pipeline_mode<synchronous>, transform_indices = @transform_10, window_bounds = array<i64: 1, 64>}, {pipeline_mode = #tpu.pipeline_mode<synchronous>, transform_indices = @transform_11, window_bounds = array<i64: 1, 64>}, {pipeline_mode = #tpu.pipeline_mode<synchronous>, transform_indices = @transform_12, window_bounds = array<i64: 64, 64>}, {pipeline_mode = #tpu.pipeline_mode<synchronous>, transform_indices = @transform_13, window_bounds = array<i64: 64, 64>}, {pipeline_mode = #tpu.pipeline_mode<synchronous>, transform_indices = @transform_14, window_bounds = array<i64: 1, 64>}, {transform_indices = @transform_15, window_bounds = array<i64: 640, 64>}, {transform_indices = @transform_16, window_bounds = array<i64: 640, 64>}]} {
    %get3A = arith.constant 0 : index
    %get3A_0 = arith.constant 0 : index
    %get3A_1 = vector.load %arg6[%get3A, %get3A_0] : memref<640x16xf32, #tpu.memory_space<vmem>>, vector<640x16xf32>
    %get3A_2 = arith.constant 0 : index
    %get3A_3 = arith.constant 0 : index
    %get3A_4 = vector.load %arg7[%get3A_2, %get3A_3] : memref<640x16xf32, #tpu.memory_space<vmem>>, vector<640x16xf32>
    %slice3A = vector.extract_strided_slice %get3A_1 {offsets = [0, 0], sizes = [640, 1], strides = [1, 1]} : vector<640x16xf32> to vector<640x1xf32>
    %slice3A_5 = vector.extract_strided_slice %get3A_4 {offsets = [0, 0], sizes = [640, 1], strides = [1, 1]} : vector<640x16xf32> to vector<640x1xf32>
    %add3A = arith.addf %slice3A, %slice3A_5 : vector<640x1xf32>
    %gt3A = arith.constant 0.000000e+00 : f32
    %gt3A_6 = vector.broadcast %gt3A : f32 to vector<640x1xf32>
    %gt3A_7 = arith.cmpf ogt, %add3A, %gt3A_6 : vector<640x1xf32>
    %max3A = arith.constant 1.000000e+00 : f32
    %max3A_8 = vector.broadcast %max3A : f32 to vector<640x1xf32>
    %max3A_9 = arith.maximumf %add3A, %max3A_8 : vector<640x1xf32>
    %rsqrt3A = math.rsqrt %max3A_9 : vector<640x1xf32>
    %jit3A = arith.constant 0.000000e+00 : f32
    %broadcast_in_dim3A = vector.broadcast %jit3A : f32 to vector<640x1xf32>
    %select_n3A = arith.select %gt3A_7, %rsqrt3A, %broadcast_in_dim3A : vector<640x1xi1>, vector<640x1xf32>
    %get3A_10 = arith.constant 0 : index
    %get3A_11 = arith.constant 0 : index
    %get3A_12 = vector.load %arg1[%get3A_10, %get3A_11] : memref<640x64xf32, #tpu.memory_space<vmem>>, vector<640x64xf32>
    %get3A_13 = arith.constant 0 : index
    %get3A_14 = arith.constant 0 : index
    %get3A_15 = vector.load %arg2[%get3A_13, %get3A_14] : memref<640x64xf32, #tpu.memory_space<vmem>>, vector<640x64xf32>
    %add3A_16 = arith.addf %get3A_12, %get3A_15 : vector<640x64xf32>
    %mul3A = vector.broadcast %select_n3A : vector<640x1xf32> to vector<640x64xf32>
    %mul3A_17 = arith.mulf %mul3A, %add3A_16 : vector<640x64xf32>
    %get3A_18 = arith.constant 0 : index
    %get3A_19 = arith.constant 0 : index
    %get3A_20 = vector.load %arg8[%get3A_18, %get3A_19] : memref<1x64xf32, #tpu.memory_space<vmem>>, vector<1x64xf32>
    %add3A_21 = vector.broadcast %get3A_20 : vector<1x64xf32> to vector<640x64xf32>
    %add3A_22 = arith.addf %mul3A_17, %add3A_21 : vector<640x64xf32>
    %max3A_23 = arith.constant 0.000000e+00 : f32
    %max3A_24 = vector.broadcast %max3A_23 : f32 to vector<640x64xf32>
    %max3A_25 = arith.maximumf %add3A_22, %max3A_24 : vector<640x64xf32>
    %get3A_26 = arith.constant 0 : index
    %get3A_27 = arith.constant 0 : index
    %get3A_28 = vector.load %arg3[%get3A_26, %get3A_27] : memref<640x64xf32, #tpu.memory_space<vmem>>, vector<640x64xf32>
    %add3A_29 = arith.addf %max3A_25, %get3A_28 : vector<640x64xf32>
    %get3A_30 = arith.constant 0 : index
    %get3A_31 = arith.constant 0 : index
    %get3A_32 = vector.load %arg11[%get3A_30, %get3A_31] : memref<1x64xf32, #tpu.memory_space<vmem>>, vector<1x64xf32>
    %sub3A = vector.broadcast %get3A_32 : vector<1x64xf32> to vector<640x64xf32>
    %sub3A_33 = arith.subf %add3A_29, %sub3A : vector<640x64xf32>
    %get3A_34 = arith.constant 0 : index
    %get3A_35 = arith.constant 0 : index
    %get3A_36 = vector.load %arg12[%get3A_34, %get3A_35] : memref<1x64xf32, #tpu.memory_space<vmem>>, vector<1x64xf32>
    %add3A_37 = arith.constant 9.99999974E-6 : f32
    %add3A_38 = vector.broadcast %add3A_37 : f32 to vector<1x64xf32>
    %add3A_39 = arith.addf %get3A_36, %add3A_38 : vector<1x64xf32>
    %rsqrt3A_40 = math.rsqrt %add3A_39 : vector<1x64xf32>
    %mul3A_41 = vector.broadcast %rsqrt3A_40 : vector<1x64xf32> to vector<640x64xf32>
    %mul3A_42 = arith.mulf %sub3A_33, %mul3A_41 : vector<640x64xf32>
    %get3A_43 = arith.constant 0 : index
    %get3A_44 = arith.constant 0 : index
    %get3A_45 = vector.load %arg9[%get3A_43, %get3A_44] : memref<1x64xf32, #tpu.memory_space<vmem>>, vector<1x64xf32>
    %mul3A_46 = vector.broadcast %get3A_45 : vector<1x64xf32> to vector<640x64xf32>
    %mul3A_47 = arith.mulf %mul3A_42, %mul3A_46 : vector<640x64xf32>
    %get3A_48 = arith.constant 0 : index
    %get3A_49 = arith.constant 0 : index
    %get3A_50 = vector.load %arg10[%get3A_48, %get3A_49] : memref<1x64xf32, #tpu.memory_space<vmem>>, vector<1x64xf32>
    %add3A_51 = vector.broadcast %get3A_50 : vector<1x64xf32> to vector<640x64xf32>
    %add3A_52 = arith.addf %mul3A_47, %add3A_51 : vector<640x64xf32>
    %get3A_53 = arith.constant 0 : index
    %get3A_54 = arith.constant 0 : index
    %get3A_55 = vector.load %arg4[%get3A_53, %get3A_54] : memref<640x16xf32, #tpu.memory_space<vmem>>, vector<640x16xf32>
    %get3A_56 = arith.constant 0 : index
    %get3A_57 = arith.constant 0 : index
    %get3A_58 = vector.load %arg5[%get3A_56, %get3A_57] : memref<640x16xf32, #tpu.memory_space<vmem>>, vector<640x16xf32>
    %slice3A_59 = vector.extract_strided_slice %get3A_55 {offsets = [0, 0], sizes = [640, 1], strides = [1, 1]} : vector<640x16xf32> to vector<640x1xf32>
    %slice3A_60 = vector.extract_strided_slice %get3A_58 {offsets = [0, 0], sizes = [640, 1], strides = [1, 1]} : vector<640x16xf32> to vector<640x1xf32>
    %add3A_61 = arith.addf %slice3A_59, %slice3A_60 : vector<640x1xf32>
    %gt3A_62 = arith.constant 0.000000e+00 : f32
    %gt3A_63 = vector.broadcast %gt3A_62 : f32 to vector<640x1xf32>
    %gt3A_64 = arith.cmpf ogt, %add3A_61, %gt3A_63 : vector<640x1xf32>
    %max3A_65 = arith.constant 1.000000e+00 : f32
    %max3A_66 = vector.broadcast %max3A_65 : f32 to vector<640x1xf32>
    %max3A_67 = arith.maximumf %add3A_61, %max3A_66 : vector<640x1xf32>
    %rsqrt3A_68 = math.rsqrt %max3A_67 : vector<640x1xf32>
    %jit3A_69 = arith.constant 0.000000e+00 : f32
    %broadcast_in_dim3A_70 = vector.broadcast %jit3A_69 : f32 to vector<640x1xf32>
    %select_n3A_71 = arith.select %gt3A_64, %rsqrt3A_68, %broadcast_in_dim3A_70 : vector<640x1xi1>, vector<640x1xf32>
    %mul3A_72 = vector.broadcast %select_n3A_71 : vector<640x1xf32> to vector<640x64xf32>
    %mul3A_73 = arith.mulf %add3A_52, %mul3A_72 : vector<640x64xf32>
    %get3A_74 = arith.constant 0 : index
    %get3A_75 = arith.constant 0 : index
    %get3A_76 = vector.load %arg13[%get3A_74, %get3A_75] : memref<64x64xf32, #tpu.memory_space<vmem>>, vector<64x64xf32>
    %dot_general3A = arith.constant dense<0.000000e+00> : vector<640x64xf32>
    %dot_general3A_77 = tpu.matmul %mul3A_73, %get3A_76, %dot_general3A {dimension_numbers = #tpu.dot_dimension_numbers<[1], [0], [0], [1], [0, 0, 1, 1], [], []>, transpose_lhs_hint = false} : vector<640x64xf32>, vector<64x64xf32>, vector<640x64xf32> -> vector<640x64xf32>
    %swap3A = arith.constant 0 : index
    %swap3A_78 = arith.constant 0 : index
    %swap3A_79 = vector.load %arg16[%swap3A, %swap3A_78] : memref<640x64xf32, #tpu.memory_space<vmem>>, vector<640x64xf32>
    tpu.vector_store %arg16[%swap3A, %swap3A_78], %dot_general3A_77 {strides = array<i32>} : memref<640x64xf32, #tpu.memory_space<vmem>>, vector<640x64xf32>,
    %get3A_80 = arith.constant 0 : index
    %get3A_81 = arith.constant 0 : index
    %get3A_82 = vector.load %arg14[%get3A_80, %get3A_81] : memref<64x64xf32, #tpu.memory_space<vmem>>, vector<64x64xf32>
    %dot_general3A_83 = arith.constant dense<0.000000e+00> : vector<640x64xf32>
    %dot_general3A_84 = tpu.matmul %add3A_52, %get3A_82, %dot_general3A_83 {dimension_numbers = #tpu.dot_dimension_numbers<[1], [0], [0], [1], [0, 0, 1, 1], [], []>, transpose_lhs_hint = false} : vector<640x64xf32>, vector<64x64xf32>, vector<640x64xf32> -> vector<640x64xf32>
    %get3A_85 = arith.constant 0 : index
    %get3A_86 = arith.constant 0 : index
    %get3A_87 = vector.load %arg15[%get3A_85, %get3A_86] : memref<1x64xf32, #tpu.memory_space<vmem>>, vector<1x64xf32>
    %add3A_88 = vector.broadcast %get3A_87 : vector<1x64xf32> to vector<640x64xf32>
    %add3A_89 = arith.addf %dot_general3A_84, %add3A_88 : vector<640x64xf32>
    %max3A_90 = arith.constant 0.000000e+00 : f32
    %max3A_91 = vector.broadcast %max3A_90 : f32 to vector<640x64xf32>
    %max3A_92 = arith.maximumf %add3A_89, %max3A_91 : vector<640x64xf32>
    %swap3A_93 = arith.constant 0 : index
    %swap3A_94 = arith.constant 0 : index
    %swap3A_95 = vector.load %arg17[%swap3A_93, %swap3A_94] : memref<640x64xf32, #tpu.memory_space<vmem>>, vector<640x64xf32>
    tpu.vector_store %arg17[%swap3A_93, %swap3A_94], %max3A_92 {strides = array<i32>} : memref<640x64xf32, #tpu.memory_space<vmem>>, vector<640x64xf32>,
    return
  }
  func.func @transform_0(%arg0: i32) -> (i32, i32) {
    %c0_i32 = arith.constant 0 : i32
    %c0_i32_0 = arith.constant 0 : i32
    return %arg0, %c0_i32 : i32, i32
  }
  func.func @transform_1(%arg0: i32) -> (i32, i32) {
    %c0_i32 = arith.constant 0 : i32
    %c0_i32_0 = arith.constant 0 : i32
    return %arg0, %c0_i32 : i32, i32
  }
  func.func @transform_2(%arg0: i32) -> (i32, i32) {
    %c0_i32 = arith.constant 0 : i32
    %c0_i32_0 = arith.constant 0 : i32
    return %arg0, %c0_i32 : i32, i32
  }
  func.func @transform_3(%arg0: i32) -> (i32, i32) {
    %c0_i32 = arith.constant 0 : i32
    %c0_i32_0 = arith.constant 0 : i32
    return %arg0, %c0_i32 : i32, i32
  }
  func.func @transform_4(%arg0: i32) -> (i32, i32) {
    %c0_i32 = arith.constant 0 : i32
    %c0_i32_0 = arith.constant 0 : i32
    return %arg0, %c0_i32 : i32, i32
  }
  func.func @transform_5(%arg0: i32) -> (i32, i32) {
    %c0_i32 = arith.constant 0 : i32
    %c0_i32_0 = arith.constant 0 : i32
    return %arg0, %c0_i32 : i32, i32
  }
  func.func @transform_6(%arg0: i32) -> (i32, i32) {
    %c0_i32 = arith.constant 0 : i32
    %c0_i32_0 = arith.constant 0 : i32
    return %arg0, %c0_i32 : i32, i32
  }
  func.func @transform_7(%arg0: i32) -> (i32, i32) {
    %c0_i32 = arith.constant 0 : i32
    %c0_i32_0 = arith.constant 0 : i32
    %c0_i32_1 = arith.constant 0 : i32
    return %c0_i32, %c0_i32_0 : i32, i32
  }
  func.func @transform_8(%arg0: i32) -> (i32, i32) {
    %c0_i32 = arith.constant 0 : i32
    %c0_i32_0 = arith.constant 0 : i32
    %c0_i32_1 = arith.constant 0 : i32
    return %c0_i32, %c0_i32_0 : i32, i32
  }
  func.func @transform_9(%arg0: i32) -> (i32, i32) {
    %c0_i32 = arith.constant 0 : i32
    %c0_i32_0 = arith.constant 0 : i32
    %c0_i32_1 = arith.constant 0 : i32
    return %c0_i32, %c0_i32_0 : i32, i32
  }
  func.func @transform_10(%arg0: i32) -> (i32, i32) {
    %c0_i32 = arith.constant 0 : i32
    %c0_i32_0 = arith.constant 0 : i32
    %c0_i32_1 = arith.constant 0 : i32
    return %c0_i32, %c0_i32_0 : i32, i32
  }
  func.func @transform_11(%arg0: i32) -> (i32, i32) {
    %c0_i32 = arith.constant 0 : i32
    %c0_i32_0 = arith.constant 0 : i32
    %c0_i32_1 = arith.constant 0 : i32
    return %c0_i32, %c0_i32_0 : i32, i32
  }
  func.func @transform_12(%arg0: i32) -> (i32, i32) {
    %c0_i32 = arith.constant 0 : i32
    %c0_i32_0 = arith.constant 0 : i32
    %c0_i32_1 = arith.constant 0 : i32
    return %c0_i32, %c0_i32_0 : i32, i32
  }
  func.func @transform_13(%arg0: i32) -> (i32, i32) {
    %c0_i32 = arith.constant 0 : i32
    %c0_i32_0 = arith.constant 0 : i32
    %c0_i32_1 = arith.constant 0 : i32
    return %c0_i32, %c0_i32_0 : i32, i32
  }
  func.func @transform_14(%arg0: i32) -> (i32, i32) {
    %c0_i32 = arith.constant 0 : i32
    %c0_i32_0 = arith.constant 0 : i32
    %c0_i32_1 = arith.constant 0 : i32
    return %c0_i32, %c0_i32_0 : i32, i32
  }
  func.func @transform_15(%arg0: i32) -> (i32, i32) {
    %c0_i32 = arith.constant 0 : i32
    %c0_i32_0 = arith.constant 0 : i32
    return %arg0, %c0_i32 : i32, i32
  }
  func.func @transform_16(%arg0: i32) -> (i32, i32) {
    %c0_i32 = arith.constant 0 : i32
    %c0_i32_0 = arith.constant 0 : i32
    return %arg0, %c0_i32 : i32, i32
  }
}

module attributes {stable_mosaic.version = 14 : i64} {
  func.func @body(%arg0: i32, %arg1: memref<640x64xf32, #tpu.memory_space<vmem>>, %arg2: memref<640x64xf32, #tpu.memory_space<vmem>>, %arg3: memref<640x64xf32, #tpu.memory_space<vmem>>, %arg4: memref<640x16xf32, #tpu.memory_space<vmem>>, %arg5: memref<640x16xf32, #tpu.memory_space<vmem>>, %arg6: memref<1x64xf32, #tpu.memory_space<vmem>>, %arg7: memref<1x64xf32, #tpu.memory_space<vmem>>, %arg8: memref<1x64xf32, #tpu.memory_space<vmem>>, %arg9: memref<1x64xf32, #tpu.memory_space<vmem>>, %arg10: memref<1x64xf32, #tpu.memory_space<vmem>>, %arg11: memref<1x1x640xi32, #tpu.memory_space<vmem>>, %arg12: memref<64x128xf32, #tpu.memory_space<vmem>>, %arg13: memref<1x128xf32, #tpu.memory_space<vmem>>, %arg14: memref<128x2xf32, #tpu.memory_space<vmem>>, %arg15: memref<1x2xf32, #tpu.memory_space<vmem>>, %arg16: memref<128x64xf32, #tpu.memory_space<vmem>>, %arg17: memref<128x2xf32, #tpu.memory_space<vmem>>) attributes {dimension_semantics = [#tpu.dimension_semantics<arbitrary>], iteration_bounds = array<i64: 16>, scalar_prefetch = 0 : i64, scratch_operands = 0 : i64, tpu.core_type = #tpu.core_type<tc>, window_params = [{transform_indices = @transform_0, window_bounds = array<i64: 640, 64>}, {transform_indices = @transform_1, window_bounds = array<i64: 640, 64>}, {transform_indices = @transform_2, window_bounds = array<i64: 640, 64>}, {transform_indices = @transform_3, window_bounds = array<i64: 640, 16>}, {transform_indices = @transform_4, window_bounds = array<i64: 640, 16>}, {pipeline_mode = #tpu.pipeline_mode<synchronous>, transform_indices = @transform_5, window_bounds = array<i64: 1, 64>}, {pipeline_mode = #tpu.pipeline_mode<synchronous>, transform_indices = @transform_6, window_bounds = array<i64: 1, 64>}, {pipeline_mode = #tpu.pipeline_mode<synchronous>, transform_indices = @transform_7, window_bounds = array<i64: 1, 64>}, {pipeline_mode = #tpu.pipeline_mode<synchronous>, transform_indices = @transform_8, window_bounds = array<i64: 1, 64>}, {pipeline_mode = #tpu.pipeline_mode<synchronous>, transform_indices = @transform_9, window_bounds = array<i64: 1, 64>}, {transform_indices = @transform_10, window_bounds = array<i64: 1, 1, 640>}, {pipeline_mode = #tpu.pipeline_mode<synchronous>, transform_indices = @transform_11, window_bounds = array<i64: 64, 128>}, {pipeline_mode = #tpu.pipeline_mode<synchronous>, transform_indices = @transform_12, window_bounds = array<i64: 1, 128>}, {pipeline_mode = #tpu.pipeline_mode<synchronous>, transform_indices = @transform_13, window_bounds = array<i64: 128, 2>}, {pipeline_mode = #tpu.pipeline_mode<synchronous>, transform_indices = @transform_14, window_bounds = array<i64: 1, 2>}, {pipeline_mode = #tpu.pipeline_mode<synchronous>, transform_indices = @transform_15, window_bounds = array<i64: 128, 64>}, {pipeline_mode = #tpu.pipeline_mode<synchronous>, transform_indices = @transform_16, window_bounds = array<i64: 128, 2>}]} {
    %get3A = arith.constant 0 : index
    %get3A_0 = arith.constant 0 : index
    %get3A_1 = vector.load %arg4[%get3A, %get3A_0] : memref<640x16xf32, #tpu.memory_space<vmem>>, vector<640x16xf32>
    %get3A_2 = arith.constant 0 : index
    %get3A_3 = arith.constant 0 : index
    %get3A_4 = vector.load %arg5[%get3A_2, %get3A_3] : memref<640x16xf32, #tpu.memory_space<vmem>>, vector<640x16xf32>
    %slice3A = vector.extract_strided_slice %get3A_1 {offsets = [0, 0], sizes = [640, 1], strides = [1, 1]} : vector<640x16xf32> to vector<640x1xf32>
    %slice3A_5 = vector.extract_strided_slice %get3A_4 {offsets = [0, 0], sizes = [640, 1], strides = [1, 1]} : vector<640x16xf32> to vector<640x1xf32>
    %add3A = arith.addf %slice3A, %slice3A_5 : vector<640x1xf32>
    %gt3A = arith.constant 0.000000e+00 : f32
    %gt3A_6 = vector.broadcast %gt3A : f32 to vector<640x1xf32>
    %gt3A_7 = arith.cmpf ogt, %add3A, %gt3A_6 : vector<640x1xf32>
    %max3A = arith.constant 1.000000e+00 : f32
    %max3A_8 = vector.broadcast %max3A : f32 to vector<640x1xf32>
    %max3A_9 = arith.maximumf %add3A, %max3A_8 : vector<640x1xf32>
    %rsqrt3A = math.rsqrt %max3A_9 : vector<640x1xf32>
    %jit3A = arith.constant 0.000000e+00 : f32
    %broadcast_in_dim3A = vector.broadcast %jit3A : f32 to vector<640x1xf32>
    %select_n3A = arith.select %gt3A_7, %rsqrt3A, %broadcast_in_dim3A : vector<640x1xi1>, vector<640x1xf32>
    %get3A_10 = arith.constant 0 : index
    %get3A_11 = arith.constant 0 : index
    %get3A_12 = vector.load %arg1[%get3A_10, %get3A_11] : memref<640x64xf32, #tpu.memory_space<vmem>>, vector<640x64xf32>
    %get3A_13 = arith.constant 0 : index
    %get3A_14 = arith.constant 0 : index
    %get3A_15 = vector.load %arg2[%get3A_13, %get3A_14] : memref<640x64xf32, #tpu.memory_space<vmem>>, vector<640x64xf32>
    %add3A_16 = arith.addf %get3A_12, %get3A_15 : vector<640x64xf32>
    %mul3A = vector.broadcast %select_n3A : vector<640x1xf32> to vector<640x64xf32>
    %mul3A_17 = arith.mulf %mul3A, %add3A_16 : vector<640x64xf32>
    %get3A_18 = arith.constant 0 : index
    %get3A_19 = arith.constant 0 : index
    %get3A_20 = vector.load %arg6[%get3A_18, %get3A_19] : memref<1x64xf32, #tpu.memory_space<vmem>>, vector<1x64xf32>
    %add3A_21 = vector.broadcast %get3A_20 : vector<1x64xf32> to vector<640x64xf32>
    %add3A_22 = arith.addf %mul3A_17, %add3A_21 : vector<640x64xf32>
    %max3A_23 = arith.constant 0.000000e+00 : f32
    %max3A_24 = vector.broadcast %max3A_23 : f32 to vector<640x64xf32>
    %max3A_25 = arith.maximumf %add3A_22, %max3A_24 : vector<640x64xf32>
    %get3A_26 = arith.constant 0 : index
    %get3A_27 = arith.constant 0 : index
    %get3A_28 = vector.load %arg3[%get3A_26, %get3A_27] : memref<640x64xf32, #tpu.memory_space<vmem>>, vector<640x64xf32>
    %add3A_29 = arith.addf %max3A_25, %get3A_28 : vector<640x64xf32>
    %get3A_30 = arith.constant 0 : index
    %get3A_31 = arith.constant 0 : index
    %get3A_32 = vector.load %arg9[%get3A_30, %get3A_31] : memref<1x64xf32, #tpu.memory_space<vmem>>, vector<1x64xf32>
    %sub3A = vector.broadcast %get3A_32 : vector<1x64xf32> to vector<640x64xf32>
    %sub3A_33 = arith.subf %add3A_29, %sub3A : vector<640x64xf32>
    %get3A_34 = arith.constant 0 : index
    %get3A_35 = arith.constant 0 : index
    %get3A_36 = vector.load %arg10[%get3A_34, %get3A_35] : memref<1x64xf32, #tpu.memory_space<vmem>>, vector<1x64xf32>
    %add3A_37 = arith.constant 9.99999974E-6 : f32
    %add3A_38 = vector.broadcast %add3A_37 : f32 to vector<1x64xf32>
    %add3A_39 = arith.addf %get3A_36, %add3A_38 : vector<1x64xf32>
    %rsqrt3A_40 = math.rsqrt %add3A_39 : vector<1x64xf32>
    %mul3A_41 = vector.broadcast %rsqrt3A_40 : vector<1x64xf32> to vector<640x64xf32>
    %mul3A_42 = arith.mulf %sub3A_33, %mul3A_41 : vector<640x64xf32>
    %get3A_43 = arith.constant 0 : index
    %get3A_44 = arith.constant 0 : index
    %get3A_45 = vector.load %arg7[%get3A_43, %get3A_44] : memref<1x64xf32, #tpu.memory_space<vmem>>, vector<1x64xf32>
    %mul3A_46 = vector.broadcast %get3A_45 : vector<1x64xf32> to vector<640x64xf32>
    %mul3A_47 = arith.mulf %mul3A_42, %mul3A_46 : vector<640x64xf32>
    %get3A_48 = arith.constant 0 : index
    %get3A_49 = arith.constant 0 : index
    %get3A_50 = vector.load %arg8[%get3A_48, %get3A_49] : memref<1x64xf32, #tpu.memory_space<vmem>>, vector<1x64xf32>
    %add3A_51 = vector.broadcast %get3A_50 : vector<1x64xf32> to vector<640x64xf32>
    %add3A_52 = arith.addf %mul3A_47, %add3A_51 : vector<640x64xf32>
    %get3A_53 = arith.constant 0 : index
    %get3A_54 = arith.constant 0 : index
    %get3A_55 = arith.constant 0 : index
    %get3A_56 = vector.load %arg11[%get3A_53, %get3A_54, %get3A_55] : memref<1x1x640xi32, #tpu.memory_space<vmem>>, vector<1x1x640xi32>
    %get3A_57 = vector.shape_cast %get3A_56 : vector<1x1x640xi32> to vector<1x640xi32>
    %iota3A = tpu.iota {dimensions = array<i32: 0>} : vector<128x640xi32>
    %eq3A = vector.broadcast %get3A_57 : vector<1x640xi32> to vector<128x640xi32>
    %eq3A_58 = arith.cmpi eq, %iota3A, %eq3A : vector<128x640xi32>
    %convert_element_type3A = arith.extui %eq3A_58 : vector<128x640xi1> to vector<128x640xi32>
    %convert_element_type3A_59 = arith.sitofp %convert_element_type3A : vector<128x640xi32> to vector<128x640xf32>
    %dot_general3A = arith.constant dense<0.000000e+00> : vector<128x64xf32>
    %dot_general3A_60 = tpu.matmul %convert_element_type3A_59, %add3A_52, %dot_general3A {dimension_numbers = #tpu.dot_dimension_numbers<[1], [0], [0], [1], [0, 0, 1, 1], [], []>, transpose_lhs_hint = false} : vector<128x640xf32>, vector<640x64xf32>, vector<128x64xf32> -> vector<128x64xf32>
    %eq3A_61 = arith.constant 0 : i32
    %eq3A_62 = arith.cmpi eq, %arg0, %eq3A_61 : i32
    %convert_element_type3A_63 = arith.extui %eq3A_62 : i1 to i32
    %cond3A = arith.constant 0 : i32
    %cond3A_64 = arith.cmpi ne, %convert_element_type3A_63, %cond3A : i32
    scf.if %cond3A_64 {
      %swap3A = arith.constant 0 : index
      %swap3A_75 = arith.constant 0 : index
      %swap3A_76 = vector.load %arg16[%swap3A, %swap3A_75] : memref<128x64xf32, #tpu.memory_space<vmem>>, vector<128x64xf32>
      tpu.vector_store %arg16[%swap3A, %swap3A_75], %dot_general3A_60 {strides = array<i32>} : memref<128x64xf32, #tpu.memory_space<vmem>>, vector<128x64xf32>,
    } else {
    }
    %gt3A_65 = arith.constant 0 : i32
    %gt3A_66 = arith.cmpi sgt, %arg0, %gt3A_65 : i32
    %convert_element_type3A_67 = arith.extui %gt3A_66 : i1 to i32
    %cond3A_68 = arith.constant 0 : i32
    %cond3A_69 = arith.cmpi ne, %convert_element_type3A_67, %cond3A_68 : i32
    scf.if %cond3A_69 {
      %get3A_75 = arith.constant 0 : index
      %get3A_76 = arith.constant 0 : index
      %get3A_77 = vector.load %arg16[%get3A_75, %get3A_76] : memref<128x64xf32, #tpu.memory_space<vmem>>, vector<128x64xf32>
      %add3A_78 = arith.addf %get3A_77, %dot_general3A_60 : vector<128x64xf32>
      %swap3A = arith.constant 0 : index
      %swap3A_79 = arith.constant 0 : index
      %swap3A_80 = vector.load %arg16[%swap3A, %swap3A_79] : memref<128x64xf32, #tpu.memory_space<vmem>>, vector<128x64xf32>
      tpu.vector_store %arg16[%swap3A, %swap3A_79], %add3A_78 {strides = array<i32>} : memref<128x64xf32, #tpu.memory_space<vmem>>, vector<128x64xf32>,
    } else {
    }
    %eq3A_70 = arith.constant 15 : i32
    %eq3A_71 = arith.cmpi eq, %arg0, %eq3A_70 : i32
    %convert_element_type3A_72 = arith.extui %eq3A_71 : i1 to i32
    %cond3A_73 = arith.constant 0 : i32
    %cond3A_74 = arith.cmpi ne, %convert_element_type3A_72, %cond3A_73 : i32
    scf.if %cond3A_74 {
      %get3A_75 = arith.constant 0 : index
      %get3A_76 = arith.constant 0 : index
      %get3A_77 = vector.load %arg16[%get3A_75, %get3A_76] : memref<128x64xf32, #tpu.memory_space<vmem>>, vector<128x64xf32>
      %get3A_78 = arith.constant 0 : index
      %get3A_79 = arith.constant 0 : index
      %get3A_80 = vector.load %arg12[%get3A_78, %get3A_79] : memref<64x128xf32, #tpu.memory_space<vmem>>, vector<64x128xf32>
      %dot_general3A_81 = arith.constant dense<0.000000e+00> : vector<128x128xf32>
      %dot_general3A_82 = tpu.matmul %get3A_77, %get3A_80, %dot_general3A_81 {dimension_numbers = #tpu.dot_dimension_numbers<[1], [0], [0], [1], [0, 0, 1, 1], [], []>, transpose_lhs_hint = false} : vector<128x64xf32>, vector<64x128xf32>, vector<128x128xf32> -> vector<128x128xf32>
      %get3A_83 = arith.constant 0 : index
      %get3A_84 = arith.constant 0 : index
      %get3A_85 = vector.load %arg13[%get3A_83, %get3A_84] : memref<1x128xf32, #tpu.memory_space<vmem>>, vector<1x128xf32>
      %add3A_86 = vector.broadcast %get3A_85 : vector<1x128xf32> to vector<128x128xf32>
      %add3A_87 = arith.addf %dot_general3A_82, %add3A_86 : vector<128x128xf32>
      %max3A_88 = arith.constant 0.000000e+00 : f32
      %max3A_89 = vector.broadcast %max3A_88 : f32 to vector<128x128xf32>
      %max3A_90 = arith.maximumf %add3A_87, %max3A_89 : vector<128x128xf32>
      %get3A_91 = arith.constant 0 : index
      %get3A_92 = arith.constant 0 : index
      %get3A_93 = vector.load %arg14[%get3A_91, %get3A_92] : memref<128x2xf32, #tpu.memory_space<vmem>>, vector<128x2xf32>
      %dot_general3A_94 = arith.constant dense<0.000000e+00> : vector<128x2xf32>
      %dot_general3A_95 = tpu.matmul %max3A_90, %get3A_93, %dot_general3A_94 {dimension_numbers = #tpu.dot_dimension_numbers<[1], [0], [0], [1], [0, 0, 1, 1], [], []>, transpose_lhs_hint = false} : vector<128x128xf32>, vector<128x2xf32>, vector<128x2xf32> -> vector<128x2xf32>
      %get3A_96 = arith.constant 0 : index
      %get3A_97 = arith.constant 0 : index
      %get3A_98 = vector.load %arg15[%get3A_96, %get3A_97] : memref<1x2xf32, #tpu.memory_space<vmem>>, vector<1x2xf32>
      %add3A_99 = vector.broadcast %get3A_98 : vector<1x2xf32> to vector<128x2xf32>
      %add3A_100 = arith.addf %dot_general3A_95, %add3A_99 : vector<128x2xf32>
      %swap3A = arith.constant 0 : index
      %swap3A_101 = arith.constant 0 : index
      %swap3A_102 = vector.load %arg17[%swap3A, %swap3A_101] : memref<128x2xf32, #tpu.memory_space<vmem>>, vector<128x2xf32>
      tpu.vector_store %arg17[%swap3A, %swap3A_101], %add3A_100 {strides = array<i32>} : memref<128x2xf32, #tpu.memory_space<vmem>>, vector<128x2xf32>,
    } else {
    }
    return
  }
  func.func @transform_0(%arg0: i32) -> (i32, i32) {
    %c0_i32 = arith.constant 0 : i32
    %c0_i32_0 = arith.constant 0 : i32
    return %arg0, %c0_i32 : i32, i32
  }
  func.func @transform_1(%arg0: i32) -> (i32, i32) {
    %c0_i32 = arith.constant 0 : i32
    %c0_i32_0 = arith.constant 0 : i32
    return %arg0, %c0_i32 : i32, i32
  }
  func.func @transform_2(%arg0: i32) -> (i32, i32) {
    %c0_i32 = arith.constant 0 : i32
    %c0_i32_0 = arith.constant 0 : i32
    return %arg0, %c0_i32 : i32, i32
  }
  func.func @transform_3(%arg0: i32) -> (i32, i32) {
    %c0_i32 = arith.constant 0 : i32
    %c0_i32_0 = arith.constant 0 : i32
    return %arg0, %c0_i32 : i32, i32
  }
  func.func @transform_4(%arg0: i32) -> (i32, i32) {
    %c0_i32 = arith.constant 0 : i32
    %c0_i32_0 = arith.constant 0 : i32
    return %arg0, %c0_i32 : i32, i32
  }
  func.func @transform_5(%arg0: i32) -> (i32, i32) {
    %c0_i32 = arith.constant 0 : i32
    %c0_i32_0 = arith.constant 0 : i32
    %c0_i32_1 = arith.constant 0 : i32
    return %c0_i32, %c0_i32_0 : i32, i32
  }
  func.func @transform_6(%arg0: i32) -> (i32, i32) {
    %c0_i32 = arith.constant 0 : i32
    %c0_i32_0 = arith.constant 0 : i32
    %c0_i32_1 = arith.constant 0 : i32
    return %c0_i32, %c0_i32_0 : i32, i32
  }
  func.func @transform_7(%arg0: i32) -> (i32, i32) {
    %c0_i32 = arith.constant 0 : i32
    %c0_i32_0 = arith.constant 0 : i32
    %c0_i32_1 = arith.constant 0 : i32
    return %c0_i32, %c0_i32_0 : i32, i32
  }
  func.func @transform_8(%arg0: i32) -> (i32, i32) {
    %c0_i32 = arith.constant 0 : i32
    %c0_i32_0 = arith.constant 0 : i32
    %c0_i32_1 = arith.constant 0 : i32
    return %c0_i32, %c0_i32_0 : i32, i32
  }
  func.func @transform_9(%arg0: i32) -> (i32, i32) {
    %c0_i32 = arith.constant 0 : i32
    %c0_i32_0 = arith.constant 0 : i32
    %c0_i32_1 = arith.constant 0 : i32
    return %c0_i32, %c0_i32_0 : i32, i32
  }
  func.func @transform_10(%arg0: i32) -> (i32, i32, i32) {
    %c0_i32 = arith.constant 0 : i32
    %c0_i32_0 = arith.constant 0 : i32
    %c0_i32_1 = arith.constant 0 : i32
    return %arg0, %c0_i32, %c0_i32_0 : i32, i32, i32
  }
  func.func @transform_11(%arg0: i32) -> (i32, i32) {
    %c0_i32 = arith.constant 0 : i32
    %c0_i32_0 = arith.constant 0 : i32
    %c0_i32_1 = arith.constant 0 : i32
    return %c0_i32, %c0_i32_0 : i32, i32
  }
  func.func @transform_12(%arg0: i32) -> (i32, i32) {
    %c0_i32 = arith.constant 0 : i32
    %c0_i32_0 = arith.constant 0 : i32
    %c0_i32_1 = arith.constant 0 : i32
    return %c0_i32, %c0_i32_0 : i32, i32
  }
  func.func @transform_13(%arg0: i32) -> (i32, i32) {
    %c0_i32 = arith.constant 0 : i32
    %c0_i32_0 = arith.constant 0 : i32
    %c0_i32_1 = arith.constant 0 : i32
    return %c0_i32, %c0_i32_0 : i32, i32
  }
  func.func @transform_14(%arg0: i32) -> (i32, i32) {
    %c0_i32 = arith.constant 0 : i32
    %c0_i32_0 = arith.constant 0 : i32
    %c0_i32_1 = arith.constant 0 : i32
    return %c0_i32, %c0_i32_0 : i32, i32
  }
  func.func @transform_15(%arg0: i32) -> (i32, i32) {
    %c0_i32 = arith.constant 0 : i32
    %c0_i32_0 = arith.constant 0 : i32
    %c0_i32_1 = arith.constant 0 : i32
    return %c0_i32, %c0_i32_0 : i32, i32
  }
  func.func @transform_16(%arg0: i32) -> (i32, i32) {
    %c0_i32 = arith.constant 0 : i32
    %c0_i32_0 = arith.constant 0 : i32
    %c0_i32_1 = arith.constant 0 : i32
    return %c0_i32, %c0_i32_0 : i32, i32
  }
}

</mosaic_0001>

<sc_bundles>
// kernel: kernel.10.cloned.1.call-start
scs
__scs_entry_jumppad:
0x0: {  	(pc) =	sbr.rel $0x88, $3  }
0x1: {  	(tag) =	ssettag $0x0;
	lr =	simm.s32 $0x1  }
0x2: {  	[smem:$0x3F82] =	sst lr;
	_ =	strace $0xD0000000  }
0x3: {  	_ = 	snop  }
0x4: {  	_ = 	snop  }
0x5: {  	_ = 	snop  }
0x6: {  	_ = 	snop  }
0x7: {  	_ = 	snop  }
__scs_overlays_trampoline_lowered:
0x8: {  	[smem:$0x3F91] =	sst s0  }
0x9: {  	[smem:$0x3F92] =	sst s1  }
0xa: {  	[smem:$0x3F93] =	sst s2  }
0xb: {  	[smem:$0x3F94] =	sst s3  }
0xc: {  	[smem:$0x3F95] =	sst s4  }
0xd: {  	[smem:$0x3F96] =	sst s5  }
0xe: {  	[smem:$0x3F97] =	sst s6  }
0xf: {  	[smem:$0x3F98] =	sst s7  }
0x10: {  	[smem:$0x3F99] =	sst s8  }
0x11: {  	[smem:$0x3F9A] =	sst s9;
	s0 =	simm.s32 @!p0 $0x0  }
0x12: {  	s1 =	sld [smem:$0x3F80];
	s0 =	simm.s32 @p0 $0x1  }
0x13: {  	[smem:$0x3F9B] =	sst s0;
	s0 =	simm.s32 @!p1 $0x0  }
0x14: {  	s2 =	sld [smem:$0x3F7F];
	s0 =	simm.s32 @p1 $0x1  }
0x15: {  	[smem:$0x3F9C] =	sst s0;
	s0 =	simm.s32 @!p2 $0x0  }
0x16: {  	s3 =	sld [smem:$0x3FDB];
	s0 =	simm.s32 @p2 $0x1  }
0x17: {  	s4 =	simm.s32 $0x1BF5;
	[smem:$0x3F9E] =	sst s0  }
0x18: {  	s0 =	sld [smem:$0x3F81];
	_ =	swait.ge [sflag:s4], $0x0  }
0x19: {  	s7 =	sld [smem:$0x3F82]  }
0x1a: {  	s8 =	sadd.s32 $0xFFFFE003, lr  }
0x1b: {  	s9 =	sadd.s32 $0xFFFFFEF7, lr;
	s5 =	simm.s32 $0xFFFFFFFF;
	p2 =	slt.u32 s8, $0xFFFFF086  }
0x1c: {  	p1 =	slt.u32 s9, $0xF7A;
	s5 =	simm.s32 @!p2 $0x0  }
0x1d: {  	s5 =	simm.s32 @p1 $0x1;
	p0 =	seq.s32 s7, s2  }
0x1e: {  	s7 =	smul.u32 @!p0 $0xF7A, s2;
	p2 =	seq.s32 @!p0 s5, $0x0  }
0x1f: {  	s9 =	smul.u32 $0xF7A, s1;
	s8 =	simm.s32 @!p0 $0x1BF5;
	p2 =	por !p2, p0  }
0x20: {  	[sflag:s8] =	ssyncset.s32 @!p0 $0xFFFFF086;
	s6 =	sadd.s32 @!p0 s3, s7;
	s7 =	simm.s32 @!p0 $0x108  }
0x21: {  	s3 =	sadd.s32 s3, s9;
	s6 =	sadd.s32 @!p0 $0x88, s6;
	s7 =	simm.s32 @p2 $0x1082  }
0x22: {  	[simem:s7], [sflag:s8] =	dma.local @!p0 [hbm:s6], $0xF7A  }
0x23: {  	s9 =	sor.u32 $0xD0000000, s2;
	s6 =	simm.s32 $0x108;
	_ =	swait.ge @!p0 [sflag:s8], $0x0  }
0x24: {  	s3 =	sadd.s32 $0x88, s3;
	s6 =	simm.s32 @!p1 $0x1082;
	[sflag:s4] =	ssyncset.s32 $0xFFFFF086  }
0x25: {  	[simem:s6], [sflag:s4] =	dma.local [hbm:s3], $0xF7A  }
0x26: {  	[smem:$0x3F82] =	sst s1;
	(tag) =	ssettag s2;
	_ =	strace s9  }
0x27: {  	s1 =	sld [smem:$0x3F92]  }
0x28: {  	s2 =	sld [smem:$0x3F93]  }
0x29: {  	s4 =	sld [smem:$0x3F95]  }
0x2a: {  	p0 =	seq.s32 s5, $0x0;
	s5 =	sld [smem:$0x3F96]  }
0x2b: {  	s6 =	sld [smem:$0x3F97]  }
0x2c: {  	s7 =	sld [smem:$0x3F98]  }
0x2d: {  	s3 =	simm.s32 $0x108;
	s8 =	sld [smem:$0x3F99]  }
0x2e: {  	s3 =	simm.s32 @!p0 $0x1082;
	s9 =	sld [smem:$0x3F9A]  }
0x2f: {  	lr =	sadd.s32 s0, s3;
	s0 =	sld [smem:$0x3F91]  }
0x30: {  	s3 =	sld [smem:$0x3F94]  }
0x31: {  	[smem:$0x3F9D] =	sst s10  }
0x32: {  	s10 =	sld [smem:$0x3F9B];
	_ =	sdelay $0x3  }
0x33: {  	p0 =	seq.s32 s10, $0x1;
	s10 =	sld [smem:$0x3F9D];
	_ =	sdelay $0x3  }
0x34: {  	[smem:$0x3F9D] =	sst s10  }
0x35: {  	s10 =	sld [smem:$0x3F9C];
	_ =	sdelay $0x3  }
0x36: {  	p1 =	seq.s32 s10, $0x1;
	s10 =	sld [smem:$0x3F9D];
	_ =	sdelay $0x3  }
0x37: {  	[smem:$0x3F9D] =	sst s10  }
0x38: {  	s10 =	sld [smem:$0x3F9E]  }
0x39: {  	_ = 	snop;
	(pc) =	sbr.ind lr, $3  }
0x3a: {  	_ = 	snop  }
0x3b: {  	_ = 	snop  }
0x3c: {  	p2 =	seq.s32 s10, $0x1;
	s10 =	sld [smem:$0x3F9D]  }
0x3d: {  	_ =	shalt  }
0x3e: {  	_ =	shalt  }
0x3f: {  	_ =	shalt  }
0x40: {  	_ =	shalt  }
0x41: {  	_ =	shalt  }
0x42: {  	_ =	shalt  }
0x43: {  	_ =	shalt  }
0x44: {  	_ =	shalt  }
0x45: {  	_ =	shalt  }
0x46: {  	_ =	shalt  }
0x47: {  	_ =	shalt  }
0x48: {  	_ =	shalt  }
0x49: {  	_ =	shalt  }
0x4a: {  	_ =	shalt  }
0x4b: {  	_ =	shalt  }
0x4c: {  	_ =	shalt  }
0x4d: {  	_ =	shalt  }
0x4e: {  	_ =	shalt  }
0x4f: {  	_ =	shalt  }
0x50: {  	_ =	shalt  }
0x51: {  	_ =	shalt  }
0x52: {  	_ =	shalt  }
0x53: {  	_ =	shalt  }
0x54: {  	_ =	shalt  }
0x55: {  	_ =	shalt  }
0x56: {  	_ =	shalt  }
0x57: {  	_ =	shalt  }
0x58: {  	_ =	shalt  }
0x59: {  	_ =	shalt  }
0x5a: {  	_ =	shalt  }
0x5b: {  	_ =	shalt  }
0x5c: {  	_ =	shalt  }
0x5d: {  	_ =	shalt  }
0x5e: {  	_ =	shalt  }
0x5f: {  	_ =	shalt  }
0x60: {  	_ =	shalt  }
0x61: {  	_ =	shalt  }
0x62: {  	_ =	shalt  }
0x63: {  	_ =	shalt  }
0x64: {  	_ =	shalt  }
0x65: {  	_ =	shalt  }
0x66: {  	_ =	shalt  }
0x67: {  	_ =	shalt  }
0x68: {  	_ =	shalt  }
0x69: {  	_ =	shalt  }
0x6a: {  	_ =	shalt  }
0x6b: {  	_ =	shalt  }
0x6c: {  	_ =	shalt  }
0x6d: {  	_ =	shalt  }
0x6e: {  	_ =	shalt  }
0x6f: {  	_ =	shalt  }
0x70: {  	_ =	shalt  }
0x71: {  	_ =	shalt  }
0x72: {  	_ =	shalt  }
0x73: {  	_ =	shalt  }
0x74: {  	_ =	shalt  }
0x75: {  	_ =	shalt  }
0x76: {  	_ =	shalt  }
0x77: {  	_ =	shalt  }
0x78: {  	_ =	shalt  }
0x79: {  	_ =	shalt  }
0x7a: {  	_ =	shalt  }
0x7b: {  	_ =	shalt  }
0x7c: {  	_ =	shalt  }
0x7d: {  	_ =	shalt  }
0x7e: {  	_ =	shalt  }
0x7f: {  	_ =	shalt  }
0x80: {  	_ =	shalt  }
0x81: {  	_ =	shalt  }
0x82: {  	_ =	shalt  }
0x83: {  	_ =	shalt  }
0x84: {  	_ =	shalt  }
0x85: {  	_ =	shalt  }
0x86: {  	_ =	shalt  }
0x87: {  	_ =	shalt  }
.Lfunc_end0:
.L_simem_size_0:
called_computation_lowered:
.L_overlay_start_0:
0x88: {  	s2 =	sld [smem:$0x3FD9]  }
0x89: {  	s3 =	sld [smem:$0x3FFE];
	_ =	sdelay $0x1  }
0x8a: {  	s1 =	srdreg.scid  }
0x8b: {  	s0 =	sand.u32 $0x1, s1  }
0x8c: {  	s16 =	sshll.u32 s0, $0xA;
	s2 =	sadd.s32 s3, s2  }
0x8d: {  	s2 =	sadd.s32 s2, s16  }
0x8e: {  	[smem:$0x3FA9] =	sst s2  }
0x8f: {  	_ = 	snop  }
0x90: {  	(tm) =	ssettm $0x1  }
0x91: {  	s17 =	sld [smem:$0x3FFB];
	_ =	sdelay $0x3  }
0x92: {  	_ =	strace s17  }
0x93: {  	s2 =	sld [smem:$0x3FFC];
	_ =	sdelay $0x3  }
0x94: {  	_ =	strace s2  }
0x95: {  	s2 =	sld [smem:$0x3FFD];
	_ =	sdelay $0x3  }
0x96: {  	_ =	strace s2  }
0x97: {  	_ =	strace $0x8FFFFFFF  }
0x98: {  	s18 =	sld [smem:$0x3FDB];
	_ =	sdelay $0x1  }
0x99: {  	s19 =	simm.s32 $_scs_section_size  }
0x9a: {  	s4 =	simm.s32 $_size__tile_overlayer_lowered;
	s5 =	simm.s32 $_tile_overlayer_lowered  }
0x9b: {  	s22 =	simm.s32 $0x1BFF;
	s21 =	sshll.u32 s5, $0x1;
	s2 =	sadd.s32 s19, s18  }
0x9c: {  	s6 =	simm.s32 $0x0;
	s20 =	sshll.u32 s4, $0x1;
	s4 =	sadd.s32 s21, s2  }
0x9d: {  	[timem:s6], [sflag:s22] =	dma.local [hbm:s4], s20  }
0x9e: {  	_ =	swait.ge [sflag:s22], s20  }
0x9f: {  	s3 =	ssub.s32 $0x0, s20;
	[sflag:s22] =	ssyncset.done $0x0  }
0xa0: {  	[sflag:s22] =	ssyncadd.s32 s3;
	_ =	sdelay $0x1  }
0xa1: {  	s23 =	simm.s32 $0x1B8B  }
0xa2: {  	_ =	swait.ge [sflag:s23], $0x1  }
0xa3: {  	[sflag:s23] =	ssyncset.done $0x0  }
0xa4: {  	s25 =	simm.s32 $0x1B8E;
	s24 =	sld [smem:$0x3FFE];
	[sflag:s23] =	ssyncadd.s32 $0xFFFFFFFF  }
0xa5: {  	s26 =	simm.s32 $execute0_lowered;
	[smem:$0x3FD2] =	sst s25  }
0xa6: {  	s4 =	sshll.u32 s26, $0x1;
	_ =	strace $0x80000046;
	[dreg:$0x1] =	wrdreg $0xFFFFFFFF  }
0xa7: {  	s28 =	simm.s32 $_size_execute0_lowered;
	s2 =	sadd.s32 s2, s4;
	[dreg:$0x0] =	wrdreg $0x0  }
0xa8: {  	s4 =	sshll.u32 s28, $0x1;
	[dreg:$0x2] =	wrdreg s2  }
0xa9: {  	[dreg:$0x3] =	wrdreg s4  }
0xaa: {  	[dreg:$0x4] =	wrdreg $0xC0  }
0xab: {  	_ =	task [dreg:s6], $0x5FFFF  }
0xac: {  	[dreg:$0x1] =	wrdreg $0xFFFFFFFF  }
0xad: {  	[dreg:$0x0] =	wrdreg $0x60  }
0xae: {  	[dreg:$0x2] =	wrdreg s24  }
0xaf: {  	[dreg:$0x3] =	wrdreg $0x58000  }
0xb0: {  	[dreg:$0x4] =	wrdreg $0x80000  }
0xb1: {  	[dreg:$0x5] =	wrdreg $0x9  }
0xb2: {  	_ =	task.clear_ibuf [dreg:s6], $0x6FFFF;
	_ =	strace $0x90000046  }
0xb3: {  	s29 =	simm.s32 $0x9;
	_ =	strace $0x80000048  }
0xb4: {  	_ =	swait.ge [sflag:s29], $0x1  }
0xb5: {  	[sflag:s29] =	ssyncadd.s32 $0xFFFFFFFF  }
0xb6: {  	_ =	strace $0x90000048  }
0xb7: {  	_ =	sfence  }
0xb8: {  	s30 =	sld [smem:$0x0];
	_ =	sdelay $0x2  }
0xb9: {  	s31 =	sshll.u32 s1, $0xD;
	s1 =	sshrl.u32 s1, $0x2  }
0xba: {  	s3 =	sand.u32 $0x4000, s31;
	s1 =	sadd.s32 s1, s30  }
0xbb: {  	s0 =	sor.u32 s3, s0;
	s1 =	sshll.u32 s1, $0x11  }
0xbc: {  	s0 =	sor.u32 s1, s0  }
0xbd: {  	s0 =	sadd.s32 $0x8F2B, s0  }
0xbe: {  	[sflag:s0] =	ssyncadd.remote.s32 $0x1  }
0xbf: {  	_ =	sfence.sel $0xFFFF  }
0xc0: {  	[dreg:$0x0] =	wrdreg $0xFFFFFFFF;
	(pc) =	sbr.abs _section_cstart, $3  }
0xc1: {  	[dreg:$0x1] =	wrdreg $0xFFFFFFFF  }
0xc2: {  	_ =	task.clear_ibuf [dreg:s6], $0x2FFFF;
	_ =	strace $0x9FFFFFFF  }
0xc3: {  	(tm) =	ssettm $0x7FFFFFFF  }
tec
execute0_lowered:
.L_overlay_start_1:
0x0: {  	(tag) =	ssettag $0x1  }
0x1: {  	s6 =	rddreg [dreg:$0x0]  }
0x2: {  	s1 =	srdreg.scid;
	s2 =	rddreg [dreg:$0x1]  }
0x3: {  	s0 =	stileid.u32;
	s3 =	rddreg [dreg:$0x2]  }
0x4: {  	s4 =	simm.s32 $0x0;
	s15 =	simm.s32 $0x2800;
	s16 =	simm.s32 $0x80  }
0x5: {  	s17 =	simm.s32 $0x5000;
	s18 =	simm.s32 $0x1;
	s5 =	sand.u32 $0x1, s1  }
0x6: {  	s26 =	sshll.u32 s0, $0x1;
	s8 =	smul.u32 $0x2800, s0;
	[smem:$0x7FF] =	sst s4  }
0x7: {  	s31 =	sshll.u32 s0, $0x6;
	s1 =	sor.u32 s5, s26;
	s9 =	smul.u32 $0x28000, s5  }
0x8: {  	s5 =	ssub.s32 $0x2, s5;
	s7 =	smul.u32 $0x500, s1;
	s1 =	rddreg [dreg:$0x3]  }
0x9: {  	_ =	strace $0x80000047;
	s29 =	sshrl.u32 s8, $0x3;
	s30 =	sshrl.u32 s5, $0x1  }
0xa: {  	s13 =	sadd.s32 s8, s2;
	s14 =	sadd.s32 s8, s3;
	s28 =	sadd.s32 s8, s9  }
0xb: {  	s9 =	sadd.s32 s29, s6;
	s12 =	ssub.s32 s5, s30;
	s14 =	sshrl.u32 s14, $0x3  }
0xc: {  	s10 =	sadd.s32 s7, s6;
	s7 =	sshrl.u32 s28, $0x3;
	s5 =	sadd.s32 $0x1AE00, s9  }
0xd: {  	s11 =	sadd.s32 s7, s6;
	s6 =	sor.u32 $0x1C02, s31;
	s7 =	sadd.s32 $0x10E00, s10  }
0xe: {  	s8 =	sadd.s32 $0x6E00, s10;
	s9 =	sadd.s32 $0x29E00, s11;
	s10 =	sadd.s32 $0x1FE00, s11  }
0xf: {  	v0 =	vimm.f32 $1.000000000e+00;
	s11 =	smax.u32 s12, $0x1;
	s12 =	sshrl.u32 s13, $0x3;
	s13 =	simm.s32 $0x2  }
.LBB2_1:
0x10: {  	s19 =	simm.s32 $0x40;
	s20 =	simm.s32 $0x0  }
.LBB2_2:
0x11: {  	p0 =	sne.s32 s19, $0x1FC0;
	[tilespmem:s20+$0x5000] =	vst v0;
	s20 =	smov.u32 s19;
	s19 =	sadd.s32 $0x40, s19  }
.Ltmp0:
0x12: {  	(pc) =	sbr.rel @p0 .LBB2_2-.Ltmp0, $2  }
0x13: {  	_ =	sdelay $0x2  }
0x14: {  	s20 =	sshra.s32 s20, $0x2  }
0x15: {  	[tilespmem:s20+$0x5000] =	vst v0  }
0x16: {  	[spmem:s12], [sflag:s6] =	dma.local [hbm:s5], $0x500  }
0x17: {  	_ =	swait.ge [sflag:s13], $0x500  }
0x18: {  	[sflag:s13] =	ssyncset.done $0x0  }
0x19: {  	[sflag:s13] =	ssyncadd.s32 $0xFFFFFB00  }
0x1a: {  	[spmem:s14], [sflag:s6] =	dma.local [hbm:s5], $0x500  }
0x1b: {  	_ =	swait.ge [sflag:s13], $0x500  }
0x1c: {  	[sflag:s13] =	ssyncset.done $0x0  }
0x1d: {  	s19 =	simm.s32 $0x0;
	[sflag:s13] =	ssyncadd.s32 $0xFFFFFB00  }
0x1e: {  	[tilespmem:s19], [sflag:$0x2] =	stream.linear.gather [hbm4b:s7+s19], $0x2800, $0x38;
	[tilespmem:$0xA800] =	vst v63  }
0x1f: {  	_ =	swait.ge [sflag:s13], $0x2800  }
0x20: {  	[sflag:s13] =	ssyncset.done $0x0  }
0x21: {  	[sflag:s13] =	ssyncadd.s32 $0xFFFFD800  }
0x22: {  	[tilespmem:s15], [sflag:$0x2] =	stream.linear.gather [hbm4b:s8+s19], $0x2800, $0x38;
	[tilespmem:$0xA800] =	vst v63  }
0x23: {  	_ =	swait.ge [sflag:s13], $0x2800  }
0x24: {  	[sflag:s13] =	ssyncset.done $0x0  }
0x25: {  	[sflag:s13] =	ssyncadd.s32 $0xFFFFD800  }
0x26: {  	s26 =	simm.s32 $0x0;
	[bflag:$0x0] =	sbarrier.arrive $0xFFFF  }
0x27: {  	[spmem:s2] =	stream.indirect.scatter.add.f32 [tilespmem:s17], [sflag:$0x1], $0x10, s26, s16, $0xb8;
	[tilespmem:$0xA800] =	vst v63  }
0x28: {  	s28 =	simm.s32 $0x2800  }
0x29: {  	[spmem:s3] =	stream.indirect.scatter.add.f32 [tilespmem:s17], [sflag:$0x1], $0x10, s28, s16, $0xb8;
	[tilespmem:$0xA800] =	vst v63  }
0x2a: {  	s29 =	simm.s32 $0x80  }
0x2b: {  	[spmem:s2] =	stream.indirect.scatter.add.f32 [tilespmem:s17], [sflag:$0x1], $0x10, s29, s16, $0xb8;
	[tilespmem:$0xA800] =	vst v63  }
0x2c: {  	s30 =	simm.s32 $0x2880  }
0x2d: {  	[spmem:s3] =	stream.indirect.scatter.add.f32 [tilespmem:s17], [sflag:$0x1], $0x10, s30, s16, $0xb8;
	[tilespmem:$0xA800] =	vst v63  }
0x2e: {  	s31 =	simm.s32 $0x100  }
0x2f: {  	[spmem:s2] =	stream.indirect.scatter.add.f32 [tilespmem:s17], [sflag:$0x1], $0x10, s31, s16, $0xb8;
	[tilespmem:$0xA800] =	vst v63  }
0x30: {  	s20 =	simm.s32 $0x2900  }
0x31: {  	[spmem:s3] =	stream.indirect.scatter.add.f32 [tilespmem:s17], [sflag:$0x1], $0x10, s20, s16, $0xb8;
	[tilespmem:$0xA800] =	vst v63  }
0x32: {  	s21 =	simm.s32 $0x180  }
0x33: {  	[spmem:s2] =	stream.indirect.scatter.add.f32 [tilespmem:s17], [sflag:$0x1], $0x10, s21, s16, $0xb8;
	[tilespmem:$0xA800] =	vst v63  }
0x34: {  	s22 =	simm.s32 $0x2980  }
0x35: {  	[spmem:s3] =	stream.indirect.scatter.add.f32 [tilespmem:s17], [sflag:$0x1], $0x10, s22, s16, $0xb8;
	[tilespmem:$0xA800] =	vst v63  }
0x36: {  	s23 =	simm.s32 $0x200  }
0x37: {  	[spmem:s2] =	stream.indirect.scatter.add.f32 [tilespmem:s17], [sflag:$0x1], $0x10, s23, s16, $0xb8;
	[tilespmem:$0xA800] =	vst v63  }
0x38: {  	s24 =	simm.s32 $0x2A00  }
0x39: {  	[spmem:s3] =	stream.indirect.scatter.add.f32 [tilespmem:s17], [sflag:$0x1], $0x10, s24, s16, $0xb8;
	[tilespmem:$0xA800] =	vst v63  }
0x3a: {  	s25 =	simm.s32 $0x280  }
0x3b: {  	[spmem:s2] =	stream.indirect.scatter.add.f32 [tilespmem:s17], [sflag:$0x1], $0x10, s25, s16, $0xb8;
	[tilespmem:$0xA800] =	vst v63  }
0x3c: {  	s26 =	simm.s32 $0x2A80  }
0x3d: {  	[spmem:s3] =	stream.indirect.scatter.add.f32 [tilespmem:s17], [sflag:$0x1], $0x10, s26, s16, $0xb8;
	[tilespmem:$0xA800] =	vst v63  }
0x3e: {  	s28 =	simm.s32 $0x300  }
0x3f: {  	[spmem:s2] =	stream.indirect.scatter.add.f32 [tilespmem:s17], [sflag:$0x1], $0x10, s28, s16, $0xb8;
	[tilespmem:$0xA800] =	vst v63  }
0x40: {  	s29 =	simm.s32 $0x2B00  }
0x41: {  	[spmem:s3] =	stream.indirect.scatter.add.f32 [tilespmem:s17], [sflag:$0x1], $0x10, s29, s16, $0xb8;
	[tilespmem:$0xA800] =	vst v63  }
0x42: {  	s30 =	simm.s32 $0x380  }
0x43: {  	[spmem:s2] =	stream.indirect.scatter.add.f32 [tilespmem:s17], [sflag:$0x1], $0x10, s30, s16, $0xb8;
	[tilespmem:$0xA800] =	vst v63  }
0x44: {  	s31 =	simm.s32 $0x2B80  }
0x45: {  	[spmem:s3] =	stream.indirect.scatter.add.f32 [tilespmem:s17], [sflag:$0x1], $0x10, s31, s16, $0xb8;
	[tilespmem:$0xA800] =	vst v63  }
0x46: {  	_ =	swait.ge [sflag:s18], $0x800  }
0x47: {  	[sflag:s18] =	ssyncset.done $0x0  }
0x48: {  	[sflag:s18] =	ssyncadd.s32 $0xFFFFF800  }
0x49: {  	_ =	swait.ge [sflag:s18], $0x800  }
0x4a: {  	[sflag:s18] =	ssyncset.done $0x0  }
0x4b: {  	[sflag:s18] =	ssyncadd.s32 $0xFFFFF800  }
0x4c: {  	_ =	swait.ge [sflag:s18], $0x800  }
0x4d: {  	[sflag:s18] =	ssyncset.done $0x0  }
0x4e: {  	[sflag:s18] =	ssyncadd.s32 $0xFFFFF800  }
0x4f: {  	_ =	swait.ge [sflag:s18], $0x800  }
0x50: {  	[sflag:s18] =	ssyncset.done $0x0  }
0x51: {  	[sflag:s18] =	ssyncadd.s32 $0xFFFFF800  }
0x52: {  	_ =	swait.ge [sflag:s18], $0x800  }
0x53: {  	[sflag:s18] =	ssyncset.done $0x0  }
0x54: {  	[sflag:s18] =	ssyncadd.s32 $0xFFFFF800  }
0x55: {  	_ =	swait.ge [sflag:s18], $0x800  }
0x56: {  	[sflag:s18] =	ssyncset.done $0x0  }
0x57: {  	[sflag:s18] =	ssyncadd.s32 $0xFFFFF800  }
0x58: {  	_ =	swait.ge [sflag:s18], $0x800  }
0x59: {  	[sflag:s18] =	ssyncset.done $0x0  }
0x5a: {  	[sflag:s18] =	ssyncadd.s32 $0xFFFFF800  }
0x5b: {  	_ =	swait.ge [sflag:s18], $0x800  }
0x5c: {  	[sflag:s18] =	ssyncset.done $0x0  }
0x5d: {  	[sflag:s18] =	ssyncadd.s32 $0xFFFFF800  }
0x5e: {  	_ =	swait.ge [sflag:s18], $0x800  }
0x5f: {  	[sflag:s18] =	ssyncset.done $0x0  }
0x60: {  	[sflag:s18] =	ssyncadd.s32 $0xFFFFF800  }
0x61: {  	_ =	swait.ge [sflag:s18], $0x800  }
0x62: {  	[sflag:s18] =	ssyncset.done $0x0  }
0x63: {  	[sflag:s18] =	ssyncadd.s32 $0xFFFFF800  }
0x64: {  	_ =	swait.ge [sflag:s18], $0x800  }
0x65: {  	[sflag:s18] =	ssyncset.done $0x0  }
0x66: {  	[sflag:s18] =	ssyncadd.s32 $0xFFFFF800  }
0x67: {  	_ =	swait.ge [sflag:s18], $0x800  }
0x68: {  	[sflag:s18] =	ssyncset.done $0x0  }
0x69: {  	[sflag:s18] =	ssyncadd.s32 $0xFFFFF800  }
0x6a: {  	_ =	swait.ge [sflag:s18], $0x800  }
0x6b: {  	[sflag:s18] =	ssyncset.done $0x0  }
0x6c: {  	[sflag:s18] =	ssyncadd.s32 $0xFFFFF800  }
0x6d: {  	_ =	swait.ge [sflag:s18], $0x800  }
0x6e: {  	[sflag:s18] =	ssyncset.done $0x0  }
0x6f: {  	[sflag:s18] =	ssyncadd.s32 $0xFFFFF800  }
0x70: {  	_ =	swait.ge [sflag:s18], $0x800  }
0x71: {  	[sflag:s18] =	ssyncset.done $0x0  }
0x72: {  	[sflag:s18] =	ssyncadd.s32 $0xFFFFF800  }
0x73: {  	_ =	swait.ge [sflag:s18], $0x800  }
0x74: {  	s19 =	simm.s32 $0x1000;
	s22 =	simm.s32 $0x2000;
	[sflag:s18] =	ssyncset.done $0x0  }
.LBB2_4:
0x75: {  	s21 =	sshra.s32 s19, $0x2  }
0x76: {  	[sflag:s18] =	ssyncadd.s32 $0xFFFFF800;
	s19 =	smov.u32 s22;
	s20 =	sadd.s32 $0x1000, s22  }
0x77: {  	[spmem:s2] =	stream.indirect.scatter.add.f32 [tilespmem:s17], [sflag:$0x1], $0x10, s21, s16, $0xb8;
	[tilespmem:$0xA800] =	vst v63  }
0x78: {  	p0 =	sne.s32 s22, $0x9000;
	s22 =	sadd.s32 $0x2800, s21  }
0x79: {  	[spmem:s3] =	stream.indirect.scatter.add.f32 [tilespmem:s17], [sflag:$0x1], $0x10, s22, s16, $0xb8;
	[tilespmem:$0xA800] =	vst v63  }
0x7a: {  	s22 =	sadd.s32 $0x80, s21  }
0x7b: {  	[spmem:s2] =	stream.indirect.scatter.add.f32 [tilespmem:s17], [sflag:$0x1], $0x10, s22, s16, $0xb8;
	[tilespmem:$0xA800] =	vst v63  }
0x7c: {  	s22 =	sadd.s32 $0x2880, s21  }
0x7d: {  	[spmem:s3] =	stream.indirect.scatter.add.f32 [tilespmem:s17], [sflag:$0x1], $0x10, s22, s16, $0xb8;
	[tilespmem:$0xA800] =	vst v63  }
0x7e: {  	s22 =	sadd.s32 $0x100, s21  }
0x7f: {  	[spmem:s2] =	stream.indirect.scatter.add.f32 [tilespmem:s17], [sflag:$0x1], $0x10, s22, s16, $0xb8;
	[tilespmem:$0xA800] =	vst v63  }
0x80: {  	s22 =	sadd.s32 $0x2900, s21  }
0x81: {  	[spmem:s3] =	stream.indirect.scatter.add.f32 [tilespmem:s17], [sflag:$0x1], $0x10, s22, s16, $0xb8;
	[tilespmem:$0xA800] =	vst v63  }
0x82: {  	s22 =	sadd.s32 $0x180, s21  }
0x83: {  	[spmem:s2] =	stream.indirect.scatter.add.f32 [tilespmem:s17], [sflag:$0x1], $0x10, s22, s16, $0xb8;
	[tilespmem:$0xA800] =	vst v63  }
0x84: {  	s22 =	sadd.s32 $0x2980, s21  }
0x85: {  	[spmem:s3] =	stream.indirect.scatter.add.f32 [tilespmem:s17], [sflag:$0x1], $0x10, s22, s16, $0xb8;
	[tilespmem:$0xA800] =	vst v63  }
0x86: {  	s22 =	sadd.s32 $0x200, s21  }
0x87: {  	[spmem:s2] =	stream.indirect.scatter.add.f32 [tilespmem:s17], [sflag:$0x1], $0x10, s22, s16, $0xb8;
	[tilespmem:$0xA800] =	vst v63  }
0x88: {  	s22 =	sadd.s32 $0x2A00, s21  }
0x89: {  	[spmem:s3] =	stream.indirect.scatter.add.f32 [tilespmem:s17], [sflag:$0x1], $0x10, s22, s16, $0xb8;
	[tilespmem:$0xA800] =	vst v63  }
0x8a: {  	s22 =	sadd.s32 $0x280, s21  }
0x8b: {  	[spmem:s2] =	stream.indirect.scatter.add.f32 [tilespmem:s17], [sflag:$0x1], $0x10, s22, s16, $0xb8;
	[tilespmem:$0xA800] =	vst v63  }
0x8c: {  	s22 =	sadd.s32 $0x2A80, s21  }
0x8d: {  	[spmem:s3] =	stream.indirect.scatter.add.f32 [tilespmem:s17], [sflag:$0x1], $0x10, s22, s16, $0xb8;
	[tilespmem:$0xA800] =	vst v63  }
0x8e: {  	s22 =	sadd.s32 $0x300, s21  }
0x8f: {  	[spmem:s2] =	stream.indirect.scatter.add.f32 [tilespmem:s17], [sflag:$0x1], $0x10, s22, s16, $0xb8;
	[tilespmem:$0xA800] =	vst v63  }
0x90: {  	s22 =	sadd.s32 $0x2B00, s21  }
0x91: {  	[spmem:s3] =	stream.indirect.scatter.add.f32 [tilespmem:s17], [sflag:$0x1], $0x10, s22, s16, $0xb8;
	[tilespmem:$0xA800] =	vst v63  }
0x92: {  	s22 =	sadd.s32 $0x380, s21  }
0x93: {  	[spmem:s2] =	stream.indirect.scatter.add.f32 [tilespmem:s17], [sflag:$0x1], $0x10, s22, s16, $0xb8;
	[tilespmem:$0xA800] =	vst v63  }
0x94: {  	s21 =	sadd.s32 $0x2B80, s21  }
0x95: {  	[spmem:s3] =	stream.indirect.scatter.add.f32 [tilespmem:s17], [sflag:$0x1], $0x10, s21, s16, $0xb8;
	[tilespmem:$0xA800] =	vst v63  }
0x96: {  	_ =	swait.ge [sflag:s18], $0x800  }
0x97: {  	[sflag:s18] =	ssyncset.done $0x0  }
0x98: {  	[sflag:s18] =	ssyncadd.s32 $0xFFFFF800  }
0x99: {  	_ =	swait.ge [sflag:s18], $0x800  }
0x9a: {  	[sflag:s18] =	ssyncset.done $0x0  }
0x9b: {  	[sflag:s18] =	ssyncadd.s32 $0xFFFFF800  }
0x9c: {  	_ =	swait.ge [sflag:s18], $0x800  }
0x9d: {  	[sflag:s18] =	ssyncset.done $0x0  }
0x9e: {  	[sflag:s18] =	ssyncadd.s32 $0xFFFFF800  }
0x9f: {  	_ =	swait.ge [sflag:s18], $0x800  }
0xa0: {  	[sflag:s18] =	ssyncset.done $0x0  }
0xa1: {  	[sflag:s18] =	ssyncadd.s32 $0xFFFFF800  }
0xa2: {  	_ =	swait.ge [sflag:s18], $0x800  }
0xa3: {  	[sflag:s18] =	ssyncset.done $0x0  }
0xa4: {  	[sflag:s18] =	ssyncadd.s32 $0xFFFFF800  }
0xa5: {  	_ =	swait.ge [sflag:s18], $0x800  }
0xa6: {  	[sflag:s18] =	ssyncset.done $0x0  }
0xa7: {  	[sflag:s18] =	ssyncadd.s32 $0xFFFFF800  }
0xa8: {  	_ =	swait.ge [sflag:s18], $0x800  }
0xa9: {  	[sflag:s18] =	ssyncset.done $0x0  }
0xaa: {  	[sflag:s18] =	ssyncadd.s32 $0xFFFFF800  }
0xab: {  	_ =	swait.ge [sflag:s18], $0x800  }
0xac: {  	[sflag:s18] =	ssyncset.done $0x0  }
0xad: {  	[sflag:s18] =	ssyncadd.s32 $0xFFFFF800  }
0xae: {  	_ =	swait.ge [sflag:s18], $0x800  }
0xaf: {  	[sflag:s18] =	ssyncset.done $0x0  }
0xb0: {  	[sflag:s18] =	ssyncadd.s32 $0xFFFFF800  }
0xb1: {  	_ =	swait.ge [sflag:s18], $0x800  }
0xb2: {  	[sflag:s18] =	ssyncset.done $0x0  }
0xb3: {  	[sflag:s18] =	ssyncadd.s32 $0xFFFFF800  }
0xb4: {  	_ =	swait.ge [sflag:s18], $0x800  }
0xb5: {  	[sflag:s18] =	ssyncset.done $0x0  }
0xb6: {  	[sflag:s18] =	ssyncadd.s32 $0xFFFFF800  }
0xb7: {  	_ =	swait.ge [sflag:s18], $0x800  }
0xb8: {  	[sflag:s18] =	ssyncset.done $0x0  }
0xb9: {  	[sflag:s18] =	ssyncadd.s32 $0xFFFFF800  }
0xba: {  	_ =	swait.ge [sflag:s18], $0x800  }
0xbb: {  	[sflag:s18] =	ssyncset.done $0x0  }
0xbc: {  	[sflag:s18] =	ssyncadd.s32 $0xFFFFF800  }
0xbd: {  	_ =	swait.ge [sflag:s18], $0x800  }
0xbe: {  	[sflag:s18] =	ssyncset.done $0x0  }
0xbf: {  	[sflag:s18] =	ssyncadd.s32 $0xFFFFF800  }
.Ltmp1:
0xc0: {  	_ =	swait.ge [sflag:s18], $0x800;
	(pc) =	sbr.rel @p0 .LBB2_4-.Ltmp1, $4  }
0xc1: {  	[sflag:s18] =	ssyncset.done $0x0  }
0xc2: {  	[sflag:s18] =	ssyncadd.s32 $0xFFFFF800  }
0xc3: {  	_ =	swait.ge [sflag:s18], $0x800  }
0xc4: {  	s22 =	smov.u32 s20;
	[sflag:s18] =	ssyncset.done $0x0  }
0xc5: {  	s19 =	sshra.s32 s19, $0x2;
	[sflag:s18] =	ssyncadd.s32 $0xFFFFF800  }
0xc6: {  	[spmem:s2] =	stream.indirect.scatter.add.f32 [tilespmem:s17], [sflag:$0x1], $0x10, s19, s16, $0xb8;
	[tilespmem:$0xA800] =	vst v63  }
0xc7: {  	s20 =	sadd.s32 $0x2800, s19  }
0xc8: {  	[spmem:s3] =	stream.indirect.scatter.add.f32 [tilespmem:s17], [sflag:$0x1], $0x10, s20, s16, $0xb8;
	[tilespmem:$0xA800] =	vst v63  }
0xc9: {  	s29 =	sadd.s32 $0x80, s19  }
0xca: {  	[spmem:s2] =	stream.indirect.scatter.add.f32 [tilespmem:s17], [sflag:$0x1], $0x10, s29, s16, $0xb8;
	[tilespmem:$0xA800] =	vst v63  }
0xcb: {  	s30 =	sadd.s32 $0x2880, s19  }
0xcc: {  	[spmem:s3] =	stream.indirect.scatter.add.f32 [tilespmem:s17], [sflag:$0x1], $0x10, s30, s16, $0xb8;
	[tilespmem:$0xA800] =	vst v63  }
0xcd: {  	s31 =	sadd.s32 $0x100, s19  }
0xce: {  	[spmem:s2] =	stream.indirect.scatter.add.f32 [tilespmem:s17], [sflag:$0x1], $0x10, s31, s16, $0xb8;
	[tilespmem:$0xA800] =	vst v63  }
0xcf: {  	s21 =	sadd.s32 $0x2900, s19  }
0xd0: {  	[spmem:s3] =	stream.indirect.scatter.add.f32 [tilespmem:s17], [sflag:$0x1], $0x10, s21, s16, $0xb8;
	[tilespmem:$0xA800] =	vst v63  }
0xd1: {  	s22 =	sadd.s32 $0x180, s19  }
0xd2: {  	[spmem:s2] =	stream.indirect.scatter.add.f32 [tilespmem:s17], [sflag:$0x1], $0x10, s22, s16, $0xb8;
	[tilespmem:$0xA800] =	vst v63  }
0xd3: {  	s23 =	sadd.s32 $0x2980, s19  }
0xd4: {  	[spmem:s3] =	stream.indirect.scatter.add.f32 [tilespmem:s17], [sflag:$0x1], $0x10, s23, s16, $0xb8;
	[tilespmem:$0xA800] =	vst v63  }
0xd5: {  	s24 =	sadd.s32 $0x200, s19  }
0xd6: {  	[spmem:s2] =	stream.indirect.scatter.add.f32 [tilespmem:s17], [sflag:$0x1], $0x10, s24, s16, $0xb8;
	[tilespmem:$0xA800] =	vst v63  }
0xd7: {  	s25 =	sadd.s32 $0x2A00, s19  }
0xd8: {  	[spmem:s3] =	stream.indirect.scatter.add.f32 [tilespmem:s17], [sflag:$0x1], $0x10, s25, s16, $0xb8;
	[tilespmem:$0xA800] =	vst v63  }
0xd9: {  	s26 =	sadd.s32 $0x280, s19  }
0xda: {  	[spmem:s2] =	stream.indirect.scatter.add.f32 [tilespmem:s17], [sflag:$0x1], $0x10, s26, s16, $0xb8;
	[tilespmem:$0xA800] =	vst v63  }
0xdb: {  	s28 =	sadd.s32 $0x2A80, s19  }
0xdc: {  	[spmem:s3] =	stream.indirect.scatter.add.f32 [tilespmem:s17], [sflag:$0x1], $0x10, s28, s16, $0xb8;
	[tilespmem:$0xA800] =	vst v63  }
0xdd: {  	s29 =	sadd.s32 $0x300, s19  }
0xde: {  	[spmem:s2] =	stream.indirect.scatter.add.f32 [tilespmem:s17], [sflag:$0x1], $0x10, s29, s16, $0xb8;
	[tilespmem:$0xA800] =	vst v63  }
0xdf: {  	s30 =	sadd.s32 $0x2B00, s19  }
0xe0: {  	[spmem:s3] =	stream.indirect.scatter.add.f32 [tilespmem:s17], [sflag:$0x1], $0x10, s30, s16, $0xb8;
	[tilespmem:$0xA800] =	vst v63  }
0xe1: {  	s31 =	sadd.s32 $0x380, s19  }
0xe2: {  	[spmem:s2] =	stream.indirect.scatter.add.f32 [tilespmem:s17], [sflag:$0x1], $0x10, s31, s16, $0xb8;
	[tilespmem:$0xA800] =	vst v63  }
0xe3: {  	s19 =	sadd.s32 $0x2B80, s19  }
0xe4: {  	[spmem:s3] =	stream.indirect.scatter.add.f32 [tilespmem:s17], [sflag:$0x1], $0x10, s19, s16, $0xb8;
	[tilespmem:$0xA800] =	vst v63  }
0xe5: {  	_ =	swait.ge [sflag:s18], $0x800  }
0xe6: {  	[sflag:s18] =	ssyncset.done $0x0  }
0xe7: {  	[sflag:s18] =	ssyncadd.s32 $0xFFFFF800  }
0xe8: {  	_ =	swait.ge [sflag:s18], $0x800  }
0xe9: {  	[sflag:s18] =	ssyncset.done $0x0  }
0xea: {  	[sflag:s18] =	ssyncadd.s32 $0xFFFFF800  }
0xeb: {  	_ =	swait.ge [sflag:s18], $0x800  }
0xec: {  	[sflag:s18] =	ssyncset.done $0x0  }
0xed: {  	[sflag:s18] =	ssyncadd.s32 $0xFFFFF800  }
0xee: {  	_ =	swait.ge [sflag:s18], $0x800  }
0xef: {  	[sflag:s18] =	ssyncset.done $0x0  }
0xf0: {  	[sflag:s18] =	ssyncadd.s32 $0xFFFFF800  }
0xf1: {  	_ =	swait.ge [sflag:s18], $0x800  }
0xf2: {  	[sflag:s18] =	ssyncset.done $0x0  }
0xf3: {  	[sflag:s18] =	ssyncadd.s32 $0xFFFFF800  }
0xf4: {  	_ =	swait.ge [sflag:s18], $0x800  }
0xf5: {  	[sflag:s18] =	ssyncset.done $0x0  }
0xf6: {  	[sflag:s18] =	ssyncadd.s32 $0xFFFFF800  }
0xf7: {  	_ =	swait.ge [sflag:s18], $0x800  }
0xf8: {  	[sflag:s18] =	ssyncset.done $0x0  }
0xf9: {  	[sflag:s18] =	ssyncadd.s32 $0xFFFFF800  }
0xfa: {  	_ =	swait.ge [sflag:s18], $0x800  }
0xfb: {  	[sflag:s18] =	ssyncset.done $0x0  }
0xfc: {  	[sflag:s18] =	ssyncadd.s32 $0xFFFFF800  }
0xfd: {  	_ =	swait.ge [sflag:s18], $0x800  }
0xfe: {  	[sflag:s18] =	ssyncset.done $0x0  }
0xff: {  	[sflag:s18] =	ssyncadd.s32 $0xFFFFF800  }
0x100: {  	_ =	swait.ge [sflag:s18], $0x800  }
0x101: {  	[sflag:s18] =	ssyncset.done $0x0  }
0x102: {  	[sflag:s18] =	ssyncadd.s32 $0xFFFFF800  }
0x103: {  	_ =	swait.ge [sflag:s18], $0x800  }
0x104: {  	[sflag:s18] =	ssyncset.done $0x0  }
0x105: {  	[sflag:s18] =	ssyncadd.s32 $0xFFFFF800  }
0x106: {  	_ =	swait.ge [sflag:s18], $0x800  }
0x107: {  	[sflag:s18] =	ssyncset.done $0x0  }
0x108: {  	[sflag:s18] =	ssyncadd.s32 $0xFFFFF800  }
0x109: {  	_ =	swait.ge [sflag:s18], $0x800  }
0x10a: {  	[sflag:s18] =	ssyncset.done $0x0  }
0x10b: {  	[sflag:s18] =	ssyncadd.s32 $0xFFFFF800  }
0x10c: {  	_ =	swait.ge [sflag:s18], $0x800  }
0x10d: {  	[sflag:s18] =	ssyncset.done $0x0  }
0x10e: {  	[sflag:s18] =	ssyncadd.s32 $0xFFFFF800  }
0x10f: {  	_ =	swait.ge [sflag:s18], $0x800  }
0x110: {  	[sflag:s18] =	ssyncset.done $0x0  }
0x111: {  	[sflag:s18] =	ssyncadd.s32 $0xFFFFF800  }
0x112: {  	_ =	swait.ge [sflag:s18], $0x800  }
0x113: {  	[sflag:s18] =	ssyncset.done $0x0  }
0x114: {  	[sflag:s18] =	ssyncadd.s32 $0xFFFFF800  }
0x115: {  	[bflag:$0x0] =	sbarrier.arrive $0xFFFF  }
0x116: {  	[hbm:s9], [sflag:s6] =	dma.local [spmem:s12], $0x500  }
0x117: {  	s4 =	sadd.s32 $0x1, s4;
	_ =	swait.ge [sflag:s13], $0x500  }
0x118: {  	p0 =	sne.s32 s4, s11;
	[sflag:s13] =	ssyncset.done $0x0  }
.Ltmp2:
0x119: {  	[sflag:s13] =	ssyncadd.s32 $0xFFFFFB00;
	(pc) =	sbr.rel @p0 .LBB2_1-.Ltmp2, $4  }
0x11a: {  	[hbm:s10], [sflag:s6] =	dma.local [spmem:s14], $0x500  }
0x11b: {  	_ =	swait.ge [sflag:s13], $0x500  }
0x11c: {  	[sflag:s13] =	ssyncset.done $0x0  }
0x11d: {  	[sflag:s13] =	ssyncadd.s32 $0xFFFFFB00  }
0x11e: {  	_ =	sfence.sel $0x180000  }
0x11f: {  	[bflag:$0x0] =	sbarrier.arrive $0xFFFF  }
0x120: {  	p0 =	sne.s32 s0, $0x0;
	_ =	strace $0x90000047  }
0x121: {  	s0 =	sadd.s32 @!p0 $0x100000, s1;
	[bflag:$0x2] =	sbarrier.arrive $0xFFFF  }
0x122: {  	[sflag:s0] =	ssyncadd.tile.s32 @!p0 $0x1;
	_ =	shalt  }
.Lfunc_end2:
_tile_overlayer_lowered:
.L_overlay_start_2:
0x123: {  	(tag) =	ssettag $0x2  }
0x124: {  	s0 =	rddreg [dreg:$0x0];
	s2 =	stileid.u32  }
0x125: {  	s1 =	rddreg [dreg:$0x1];
	p0 =	sne.s32 s2, $0x0  }
0x126: {  	s3 =	rddreg [dreg:$0x2];
	[bflag:$0x3] =	sbarrier.arrive $0xFFFF;
	s2 =	simm.s32 @!p0 $0x1C02  }
0x127: {  	[timem:s3], [sflag:s2] =	dma.local @!p0 [hbm:s0], s1  }
0x128: {  	s0 =	simm.s32 @!p0 $0x2  }
0x129: {  	_ =	swait.ge @!p0 [sflag:s0], s1  }
0x12a: {  	s1 =	ssub.s32 @!p0 $0x0, s1;
	[sflag:s0] =	ssyncset.done @!p0 $0x0  }
0x12b: {  	[sflag:s0] =	ssyncadd.s32 @!p0 s1  }
0x12c: {  	[bflag:$0x3] =	sbarrier.arrive $0xFFFF  }
0x12d: {  	_ =	shalt  }

// kernel: kernel.13.cloned.1.call-start
scs
__scs_entry_jumppad:
0x0: {  	(pc) =	sbr.rel $0x88, $3  }
0x1: {  	(tag) =	ssettag $0x0;
	lr =	simm.s32 $0x1  }
0x2: {  	[smem:$0x3F82] =	sst lr;
	_ =	strace $0xD0000000  }
0x3: {  	_ = 	snop  }
0x4: {  	_ = 	snop  }
0x5: {  	_ = 	snop  }
0x6: {  	_ = 	snop  }
0x7: {  	_ = 	snop  }
__scs_overlays_trampoline_lowered:
0x8: {  	[smem:$0x3F91] =	sst s0  }
0x9: {  	[smem:$0x3F92] =	sst s1  }
0xa: {  	[smem:$0x3F93] =	sst s2  }
0xb: {  	[smem:$0x3F94] =	sst s3  }
0xc: {  	[smem:$0x3F95] =	sst s4  }
0xd: {  	[smem:$0x3F96] =	sst s5  }
0xe: {  	[smem:$0x3F97] =	sst s6  }
0xf: {  	[smem:$0x3F98] =	sst s7  }
0x10: {  	[smem:$0x3F99] =	sst s8  }
0x11: {  	[smem:$0x3F9A] =	sst s9;
	s0 =	simm.s32 @!p0 $0x0  }
0x12: {  	s1 =	sld [smem:$0x3F80];
	s0 =	simm.s32 @p0 $0x1  }
0x13: {  	[smem:$0x3F9B] =	sst s0;
	s0 =	simm.s32 @!p1 $0x0  }
0x14: {  	s2 =	sld [smem:$0x3F7F];
	s0 =	simm.s32 @p1 $0x1  }
0x15: {  	[smem:$0x3F9C] =	sst s0;
	s0 =	simm.s32 @!p2 $0x0  }
0x16: {  	s3 =	sld [smem:$0x3FDB];
	s0 =	simm.s32 @p2 $0x1  }
0x17: {  	s4 =	simm.s32 $0x1BF5;
	[smem:$0x3F9E] =	sst s0  }
0x18: {  	s0 =	sld [smem:$0x3F81];
	_ =	swait.ge [sflag:s4], $0x0  }
0x19: {  	s7 =	sld [smem:$0x3F82]  }
0x1a: {  	s8 =	sadd.s32 $0xFFFFE003, lr  }
0x1b: {  	s9 =	sadd.s32 $0xFFFFFEF7, lr;
	s5 =	simm.s32 $0xFFFFFFFF;
	p2 =	slt.u32 s8, $0xFFFFF086  }
0x1c: {  	p1 =	slt.u32 s9, $0xF7A;
	s5 =	simm.s32 @!p2 $0x0  }
0x1d: {  	s5 =	simm.s32 @p1 $0x1;
	p0 =	seq.s32 s7, s2  }
0x1e: {  	s7 =	smul.u32 @!p0 $0xF7A, s2;
	p2 =	seq.s32 @!p0 s5, $0x0  }
0x1f: {  	s9 =	smul.u32 $0xF7A, s1;
	s8 =	simm.s32 @!p0 $0x1BF5;
	p2 =	por !p2, p0  }
0x20: {  	[sflag:s8] =	ssyncset.s32 @!p0 $0xFFFFF086;
	s6 =	sadd.s32 @!p0 s3, s7;
	s7 =	simm.s32 @!p0 $0x108  }
0x21: {  	s3 =	sadd.s32 s3, s9;
	s6 =	sadd.s32 @!p0 $0x88, s6;
	s7 =	simm.s32 @p2 $0x1082  }
0x22: {  	[simem:s7], [sflag:s8] =	dma.local @!p0 [hbm:s6], $0xF7A  }
0x23: {  	s9 =	sor.u32 $0xD0000000, s2;
	s6 =	simm.s32 $0x108;
	_ =	swait.ge @!p0 [sflag:s8], $0x0  }
0x24: {  	s3 =	sadd.s32 $0x88, s3;
	s6 =	simm.s32 @!p1 $0x1082;
	[sflag:s4] =	ssyncset.s32 $0xFFFFF086  }
0x25: {  	[simem:s6], [sflag:s4] =	dma.local [hbm:s3], $0xF7A  }
0x26: {  	[smem:$0x3F82] =	sst s1;
	(tag) =	ssettag s2;
	_ =	strace s9  }
0x27: {  	s1 =	sld [smem:$0x3F92]  }
0x28: {  	s2 =	sld [smem:$0x3F93]  }
0x29: {  	s4 =	sld [smem:$0x3F95]  }
0x2a: {  	p0 =	seq.s32 s5, $0x0;
	s5 =	sld [smem:$0x3F96]  }
0x2b: {  	s6 =	sld [smem:$0x3F97]  }
0x2c: {  	s7 =	sld [smem:$0x3F98]  }
0x2d: {  	s3 =	simm.s32 $0x108;
	s8 =	sld [smem:$0x3F99]  }
0x2e: {  	s3 =	simm.s32 @!p0 $0x1082;
	s9 =	sld [smem:$0x3F9A]  }
0x2f: {  	lr =	sadd.s32 s0, s3;
	s0 =	sld [smem:$0x3F91]  }
0x30: {  	s3 =	sld [smem:$0x3F94]  }
0x31: {  	[smem:$0x3F9D] =	sst s10  }
0x32: {  	s10 =	sld [smem:$0x3F9B];
	_ =	sdelay $0x3  }
0x33: {  	p0 =	seq.s32 s10, $0x1;
	s10 =	sld [smem:$0x3F9D];
	_ =	sdelay $0x3  }
0x34: {  	[smem:$0x3F9D] =	sst s10  }
0x35: {  	s10 =	sld [smem:$0x3F9C];
	_ =	sdelay $0x3  }
0x36: {  	p1 =	seq.s32 s10, $0x1;
	s10 =	sld [smem:$0x3F9D];
	_ =	sdelay $0x3  }
0x37: {  	[smem:$0x3F9D] =	sst s10  }
0x38: {  	s10 =	sld [smem:$0x3F9E]  }
0x39: {  	_ = 	snop;
	(pc) =	sbr.ind lr, $3  }
0x3a: {  	_ = 	snop  }
0x3b: {  	_ = 	snop  }
0x3c: {  	p2 =	seq.s32 s10, $0x1;
	s10 =	sld [smem:$0x3F9D]  }
0x3d: {  	_ =	shalt  }
0x3e: {  	_ =	shalt  }
0x3f: {  	_ =	shalt  }
0x40: {  	_ =	shalt  }
0x41: {  	_ =	shalt  }
0x42: {  	_ =	shalt  }
0x43: {  	_ =	shalt  }
0x44: {  	_ =	shalt  }
0x45: {  	_ =	shalt  }
0x46: {  	_ =	shalt  }
0x47: {  	_ =	shalt  }
0x48: {  	_ =	shalt  }
0x49: {  	_ =	shalt  }
0x4a: {  	_ =	shalt  }
0x4b: {  	_ =	shalt  }
0x4c: {  	_ =	shalt  }
0x4d: {  	_ =	shalt  }
0x4e: {  	_ =	shalt  }
0x4f: {  	_ =	shalt  }
0x50: {  	_ =	shalt  }
0x51: {  	_ =	shalt  }
0x52: {  	_ =	shalt  }
0x53: {  	_ =	shalt  }
0x54: {  	_ =	shalt  }
0x55: {  	_ =	shalt  }
0x56: {  	_ =	shalt  }
0x57: {  	_ =	shalt  }
0x58: {  	_ =	shalt  }
0x59: {  	_ =	shalt  }
0x5a: {  	_ =	shalt  }
0x5b: {  	_ =	shalt  }
0x5c: {  	_ =	shalt  }
0x5d: {  	_ =	shalt  }
0x5e: {  	_ =	shalt  }
0x5f: {  	_ =	shalt  }
0x60: {  	_ =	shalt  }
0x61: {  	_ =	shalt  }
0x62: {  	_ =	shalt  }
0x63: {  	_ =	shalt  }
0x64: {  	_ =	shalt  }
0x65: {  	_ =	shalt  }
0x66: {  	_ =	shalt  }
0x67: {  	_ =	shalt  }
0x68: {  	_ =	shalt  }
0x69: {  	_ =	shalt  }
0x6a: {  	_ =	shalt  }
0x6b: {  	_ =	shalt  }
0x6c: {  	_ =	shalt  }
0x6d: {  	_ =	shalt  }
0x6e: {  	_ =	shalt  }
0x6f: {  	_ =	shalt  }
0x70: {  	_ =	shalt  }
0x71: {  	_ =	shalt  }
0x72: {  	_ =	shalt  }
0x73: {  	_ =	shalt  }
0x74: {  	_ =	shalt  }
0x75: {  	_ =	shalt  }
0x76: {  	_ =	shalt  }
0x77: {  	_ =	shalt  }
0x78: {  	_ =	shalt  }
0x79: {  	_ =	shalt  }
0x7a: {  	_ =	shalt  }
0x7b: {  	_ =	shalt  }
0x7c: {  	_ =	shalt  }
0x7d: {  	_ =	shalt  }
0x7e: {  	_ =	shalt  }
0x7f: {  	_ =	shalt  }
0x80: {  	_ =	shalt  }
0x81: {  	_ =	shalt  }
0x82: {  	_ =	shalt  }
0x83: {  	_ =	shalt  }
0x84: {  	_ =	shalt  }
0x85: {  	_ =	shalt  }
0x86: {  	_ =	shalt  }
0x87: {  	_ =	shalt  }
.Lfunc_end0:
.L_simem_size_0:
called_computation.1_lowered:
.L_overlay_start_0:
0x88: {  	s2 =	sld [smem:$0x3FD9]  }
0x89: {  	s3 =	sld [smem:$0x3FFE];
	_ =	sdelay $0x1  }
0x8a: {  	s1 =	srdreg.scid  }
0x8b: {  	s0 =	sand.u32 $0x1, s1  }
0x8c: {  	s16 =	sshll.u32 s0, $0xA;
	s2 =	sadd.s32 s3, s2  }
0x8d: {  	s2 =	sadd.s32 s2, s16  }
0x8e: {  	[smem:$0x3FA9] =	sst s2  }
0x8f: {  	_ = 	snop  }
0x90: {  	(tm) =	ssettm $0x1  }
0x91: {  	s17 =	sld [smem:$0x3FFB];
	_ =	sdelay $0x3  }
0x92: {  	_ =	strace s17  }
0x93: {  	s2 =	sld [smem:$0x3FFC];
	_ =	sdelay $0x3  }
0x94: {  	_ =	strace s2  }
0x95: {  	s2 =	sld [smem:$0x3FFD];
	_ =	sdelay $0x3  }
0x96: {  	_ =	strace s2  }
0x97: {  	_ =	strace $0x8FFFFFFF  }
0x98: {  	s18 =	sld [smem:$0x3FDB];
	_ =	sdelay $0x1  }
0x99: {  	s19 =	simm.s32 $_scs_section_size  }
0x9a: {  	s4 =	simm.s32 $_size__tile_overlayer_lowered;
	s5 =	simm.s32 $_tile_overlayer_lowered  }
0x9b: {  	s22 =	simm.s32 $0x1BFF;
	s21 =	sshll.u32 s5, $0x1;
	s2 =	sadd.s32 s19, s18  }
0x9c: {  	s6 =	simm.s32 $0x0;
	s20 =	sshll.u32 s4, $0x1;
	s4 =	sadd.s32 s21, s2  }
0x9d: {  	[timem:s6], [sflag:s22] =	dma.local [hbm:s4], s20  }
0x9e: {  	_ =	swait.ge [sflag:s22], s20  }
0x9f: {  	s3 =	ssub.s32 $0x0, s20;
	[sflag:s22] =	ssyncset.done $0x0  }
0xa0: {  	[sflag:s22] =	ssyncadd.s32 s3;
	_ =	sdelay $0x1  }
0xa1: {  	s23 =	simm.s32 $0x1B8B  }
0xa2: {  	_ =	swait.ge [sflag:s23], $0x1  }
0xa3: {  	[sflag:s23] =	ssyncset.done $0x0  }
0xa4: {  	s25 =	simm.s32 $0x1B8E;
	s24 =	sld [smem:$0x3FFE];
	[sflag:s23] =	ssyncadd.s32 $0xFFFFFFFF  }
0xa5: {  	s26 =	simm.s32 $execute0_lowered;
	[smem:$0x3FD2] =	sst s25  }
0xa6: {  	s4 =	sshll.u32 s26, $0x1;
	_ =	strace $0x80000049;
	[dreg:$0x1] =	wrdreg $0xFFFFFFFF  }
0xa7: {  	s28 =	simm.s32 $_size_execute0_lowered;
	s2 =	sadd.s32 s2, s4;
	[dreg:$0x0] =	wrdreg $0x0  }
0xa8: {  	s4 =	sshll.u32 s28, $0x1;
	[dreg:$0x2] =	wrdreg s2  }
0xa9: {  	[dreg:$0x3] =	wrdreg s4  }
0xaa: {  	[dreg:$0x4] =	wrdreg $0xC0  }
0xab: {  	_ =	task [dreg:s6], $0x5FFFF  }
0xac: {  	[dreg:$0x1] =	wrdreg $0xFFFFFFFF  }
0xad: {  	[dreg:$0x0] =	wrdreg $0x60  }
0xae: {  	[dreg:$0x2] =	wrdreg s24  }
0xaf: {  	[dreg:$0x3] =	wrdreg $0x150000  }
0xb0: {  	[dreg:$0x4] =	wrdreg $0xB0000  }
0xb1: {  	[dreg:$0x5] =	wrdreg $0x9  }
0xb2: {  	_ =	task.clear_ibuf [dreg:s6], $0x6FFFF;
	_ =	strace $0x90000049  }
0xb3: {  	s29 =	simm.s32 $0x9;
	_ =	strace $0x8000004B  }
0xb4: {  	_ =	swait.ge [sflag:s29], $0x1  }
0xb5: {  	[sflag:s29] =	ssyncadd.s32 $0xFFFFFFFF  }
0xb6: {  	_ =	strace $0x9000004B  }
0xb7: {  	_ =	sfence  }
0xb8: {  	s30 =	sld [smem:$0x0];
	_ =	sdelay $0x2  }
0xb9: {  	s31 =	sshll.u32 s1, $0xD;
	s1 =	sshrl.u32 s1, $0x2  }
0xba: {  	s3 =	sand.u32 $0x4000, s31;
	s1 =	sadd.s32 s1, s30  }
0xbb: {  	s0 =	sor.u32 s3, s0;
	s1 =	sshll.u32 s1, $0x11  }
0xbc: {  	s0 =	sor.u32 s1, s0  }
0xbd: {  	s0 =	sadd.s32 $0x8F2B, s0  }
0xbe: {  	[sflag:s0] =	ssyncadd.remote.s32 $0x1  }
0xbf: {  	_ =	sfence.sel $0xFFFF  }
0xc0: {  	[dreg:$0x0] =	wrdreg $0xFFFFFFFF;
	(pc) =	sbr.abs _section_cstart, $3  }
0xc1: {  	[dreg:$0x1] =	wrdreg $0xFFFFFFFF  }
0xc2: {  	_ =	task.clear_ibuf [dreg:s6], $0x2FFFF;
	_ =	strace $0x9FFFFFFF  }
0xc3: {  	(tm) =	ssettm $0x7FFFFFFF  }
tec
execute0_lowered:
.L_overlay_start_1:
0x0: {  	(tag) =	ssettag $0x1  }
0x1: {  	s0 =	rddreg [dreg:$0x0]  }
0x2: {  	s2 =	rddreg [dreg:$0x1]  }
0x3: {  	s3 =	rddreg [dreg:$0x2]  }
0x4: {  	s11 =	stileid.u32;
	s1 =	srdreg.scid  }
0x5: {  	s4 =	simm.s32 $0x0;
	s15 =	simm.s32 $0x2800;
	s16 =	simm.s32 $0x1  }
0x6: {  	s17 =	simm.s32 $0x80;
	s18 =	simm.s32 $0x5000;
	s19 =	simm.s32 $0x7000  }
0x7: {  	s21 =	simm.s32 $0x9000;
	s22 =	simm.s32 $0x2;
	s24 =	simm.s32 $0x4  }
0x8: {  	s26 =	simm.s32 $0x3;
	s29 =	simm.s32 $0x5;
	s31 =	simm.s32 $0x6  }
0x9: {  	s20 =	simm.s32 $0x7;
	s23 =	simm.s32 $0x0;
	s8 =	smul.u32 $0xA000, s11  }
0xa: {  	s1 =	sand.u32 $0x1, s1;
	[smem:$0x7FF] =	sst s4;
	s5 =	sshll.u32 s11, $0x1  }
0xb: {  	s6 =	smul.u32 $0xA0000, s1;
	_ =	strace $0x8000004A;
	s5 =	sor.u32 s1, s5  }
0xc: {  	s1 =	ssub.s32 $0x2, s1;
	s7 =	sshrl.u32 s8, $0x3;
	s5 =	smul.u32 $0x500, s5  }
0xd: {  	s30 =	sshrl.u32 s1, $0x1;
	s13 =	sadd.s32 s8, s2;
	s14 =	sadd.s32 s8, s3  }
0xe: {  	s6 =	sadd.s32 s8, s6;
	s9 =	sadd.s32 s7, s0;
	s1 =	ssub.s32 s1, s30  }
0xf: {  	s13 =	sshrl.u32 s13, $0x3;
	s14 =	sshrl.u32 s14, $0x3;
	s6 =	sshrl.u32 s6, $0x3  }
0x10: {  	s10 =	sadd.s32 s5, s0;
	s5 =	sshll.u32 s11, $0x6;
	s8 =	sadd.s32 $0xE2E00, s9  }
0x11: {  	s12 =	smax.u32 s1, $0x1;
	s1 =	simm.s32 $0x4F80;
	s0 =	sadd.s32 s6, s0  }
0x12: {  	s6 =	sadd.s32 $0xF6E00, s9;
	s7 =	sor.u32 $0x1C01, s5;
	s9 =	sadd.s32 $0x10E00, s10  }
0x13: {  	s10 =	sadd.s32 $0x6E00, s10;
	s11 =	sadd.s32 $0x10AE00, s0;
	s0 =	simm.s32 $0x4F00  }
.LBB2_1:
0x14: {  	[spmem:s13], [sflag:s7] =	dma.local [hbm:s6], $0x1400  }
0x15: {  	[spmem:s14], [sflag:s7] =	dma.local [hbm:s8], $0x1400  }
0x16: {  	[tilespmem:s4], [sflag:$0x1] =	stream.linear.gather [hbm4b:s9+s4], $0x2800, $0x38;
	[tilespmem:$0x1F000] =	vst v63  }
0x17: {  	_ = 	snop  }
0x18: {  	[tilespmem:s15], [sflag:$0x1] =	stream.linear.gather [hbm4b:s10+s4], $0x2800, $0x38;
	[tilespmem:$0x1F000] =	vst v63  }
0x19: {  	_ =	swait.ge [sflag:s16], $0x1400  }
0x1a: {  	[sflag:s16] =	ssyncset.done $0x0  }
0x1b: {  	[sflag:s16] =	ssyncadd.s32 $0xFFFFEC00  }
0x1c: {  	_ =	swait.ge [sflag:s16], $0x1400  }
0x1d: {  	[sflag:s16] =	ssyncset.done $0x0  }
0x1e: {  	[sflag:s16] =	ssyncadd.s32 $0xFFFFEC00  }
0x1f: {  	_ =	swait.ge [sflag:s16], $0x2800  }
0x20: {  	[sflag:s16] =	ssyncset.done $0x0  }
0x21: {  	[sflag:s16] =	ssyncadd.s32 $0xFFFFD800  }
0x22: {  	_ =	swait.ge [sflag:s16], $0x2800  }
0x23: {  	[sflag:s16] =	ssyncset.done $0x0  }
0x24: {  	[sflag:s16] =	ssyncadd.s32 $0xFFFFD800  }
0x25: {  	[bflag:$0x0] =	sbarrier.arrive $0xFFFF  }
0x26: {  	[tilespmem:s18], [sflag:$0x1] =	stream.indirect.gather [spmem:s3], $0x40, s4, s17, $0xb8;
	[tilespmem:$0x1F000] =	vst v63  }
0x27: {  	_ = 	snop  }
0x28: {  	[tilespmem:s19], [sflag:$0x2] =	stream.indirect.gather [spmem:s3], $0x40, s17, s17, $0xb8;
	[tilespmem:$0x1F000] =	vst v63  }
0x29: {  	_ =	swait.ge [sflag:s16], $0x2000  }
0x2a: {  	[sflag:s16] =	ssyncset.done $0x0  }
0x2b: {  	[sflag:s16] =	ssyncadd.s32 $0xFFFFE000  }
0x2c: {  	[spmem:s2] =	stream.indirect.scatter.add.f32 [tilespmem:s18], [sflag:$0x4], $0x40, s15, s17, $0xb8;
	[tilespmem:$0x1F000] =	vst v63  }
0x2d: {  	s25 =	simm.s32 $0x100  }
0x2e: {  	[tilespmem:s21], [sflag:$0x3] =	stream.indirect.gather [spmem:s3], $0x40, s25, s17, $0xb8;
	[tilespmem:$0x1F000] =	vst v63  }
0x2f: {  	_ =	swait.ge [sflag:s22], $0x2000  }
0x30: {  	[sflag:s22] =	ssyncset.done $0x0  }
0x31: {  	s30 =	simm.s32 $0x2880;
	[sflag:s22] =	ssyncadd.s32 $0xFFFFE000  }
0x32: {  	[spmem:s2] =	stream.indirect.scatter.add.f32 [tilespmem:s19], [sflag:$0x5], $0x40, s30, s17, $0xb8;
	[tilespmem:$0x1F000] =	vst v63  }
0x33: {  	_ =	swait.ge [sflag:s24], $0x2000  }
0x34: {  	[sflag:s24] =	ssyncset.done $0x0  }
0x35: {  	s30 =	simm.s32 $0x180;
	[sflag:s24] =	ssyncadd.s32 $0xFFFFE000  }
0x36: {  	[tilespmem:s18], [sflag:$0x1] =	stream.indirect.gather [spmem:s3], $0x40, s30, s17, $0xb8;
	[tilespmem:$0x1F000] =	vst v63  }
0x37: {  	_ =	swait.ge [sflag:s26], $0x2000  }
0x38: {  	[sflag:s26] =	ssyncset.done $0x0  }
0x39: {  	s30 =	simm.s32 $0x2900;
	[sflag:s26] =	ssyncadd.s32 $0xFFFFE000  }
0x3a: {  	[spmem:s2] =	stream.indirect.scatter.add.f32 [tilespmem:s21], [sflag:$0x6], $0x40, s30, s17, $0xb8;
	[tilespmem:$0x1F000] =	vst v63  }
0x3b: {  	_ =	swait.ge [sflag:s29], $0x2000  }
0x3c: {  	[sflag:s29] =	ssyncset.done $0x0  }
0x3d: {  	s30 =	simm.s32 $0x200;
	[sflag:s29] =	ssyncadd.s32 $0xFFFFE000  }
0x3e: {  	[tilespmem:s19], [sflag:$0x2] =	stream.indirect.gather [spmem:s3], $0x40, s30, s17, $0xb8;
	[tilespmem:$0x1F000] =	vst v63  }
0x3f: {  	_ =	swait.ge [sflag:s16], $0x2000  }
0x40: {  	[sflag:s16] =	ssyncset.done $0x0  }
0x41: {  	s30 =	simm.s32 $0x2980;
	[sflag:s16] =	ssyncadd.s32 $0xFFFFE000  }
0x42: {  	[spmem:s2] =	stream.indirect.scatter.add.f32 [tilespmem:s18], [sflag:$0x4], $0x40, s30, s17, $0xb8;
	[tilespmem:$0x1F000] =	vst v63  }
0x43: {  	_ =	swait.ge [sflag:s31], $0x2000  }
0x44: {  	[sflag:s31] =	ssyncset.done $0x0  }
0x45: {  	s30 =	simm.s32 $0x280;
	[sflag:s31] =	ssyncadd.s32 $0xFFFFE000  }
0x46: {  	[tilespmem:s21], [sflag:$0x3] =	stream.indirect.gather [spmem:s3], $0x40, s30, s17, $0xb8;
	[tilespmem:$0x1F000] =	vst v63  }
0x47: {  	_ =	swait.ge [sflag:s22], $0x2000  }
0x48: {  	[sflag:s22] =	ssyncset.done $0x0  }
0x49: {  	s30 =	simm.s32 $0x2A00;
	[sflag:s22] =	ssyncadd.s32 $0xFFFFE000  }
0x4a: {  	[spmem:s2] =	stream.indirect.scatter.add.f32 [tilespmem:s19], [sflag:$0x5], $0x40, s30, s17, $0xb8;
	[tilespmem:$0x1F000] =	vst v63  }
0x4b: {  	_ =	swait.ge [sflag:s24], $0x2000  }
0x4c: {  	[sflag:s24] =	ssyncset.done $0x0  }
0x4d: {  	s30 =	simm.s32 $0x300;
	[sflag:s24] =	ssyncadd.s32 $0xFFFFE000  }
0x4e: {  	[tilespmem:s18], [sflag:$0x1] =	stream.indirect.gather [spmem:s3], $0x40, s30, s17, $0xb8;
	[tilespmem:$0x1F000] =	vst v63  }
0x4f: {  	_ =	swait.ge [sflag:s26], $0x2000  }
0x50: {  	[sflag:s26] =	ssyncset.done $0x0  }
0x51: {  	s30 =	simm.s32 $0x2A80;
	[sflag:s26] =	ssyncadd.s32 $0xFFFFE000  }
0x52: {  	[spmem:s2] =	stream.indirect.scatter.add.f32 [tilespmem:s21], [sflag:$0x6], $0x40, s30, s17, $0xb8;
	[tilespmem:$0x1F000] =	vst v63  }
0x53: {  	_ =	swait.ge [sflag:s29], $0x2000  }
0x54: {  	[sflag:s29] =	ssyncset.done $0x0  }
0x55: {  	s28 =	simm.s32 $0x380;
	s25 =	simm.s32 $0x600;
	[sflag:s29] =	ssyncadd.s32 $0xFFFFE000  }
.LBB2_2:
0x56: {  	[tilespmem:s19], [sflag:$0x2] =	stream.indirect.gather [spmem:s3], $0x40, s28, s17, $0xb8;
	[tilespmem:$0x1F000] =	vst v63  }
0x57: {  	s28 =	smov.u32 s25  }
0x58: {  	p0 =	sne.s32 s25, $0x9000;
	s25 =	sadd.s32 $0x600, s25;
	_ =	swait.ge [sflag:s16], $0x2000  }
0x59: {  	s28 =	sshra.s32 s28, $0x2;
	[sflag:s16] =	ssyncset.done $0x0  }
0x5a: {  	s30 =	sadd.s32 $0x2980, s28;
	[sflag:s16] =	ssyncadd.s32 $0xFFFFE000  }
0x5b: {  	[spmem:s2] =	stream.indirect.scatter.add.f32 [tilespmem:s18], [sflag:$0x4], $0x40, s30, s17, $0xb8;
	[tilespmem:$0x1F000] =	vst v63  }
0x5c: {  	_ =	swait.ge [sflag:s31], $0x2000  }
0x5d: {  	[sflag:s31] =	ssyncset.done $0x0  }
0x5e: {  	s30 =	sadd.s32 $0x280, s28;
	[sflag:s31] =	ssyncadd.s32 $0xFFFFE000  }
0x5f: {  	[tilespmem:s21], [sflag:$0x3] =	stream.indirect.gather [spmem:s3], $0x40, s30, s17, $0xb8;
	[tilespmem:$0x1F000] =	vst v63  }
0x60: {  	_ =	swait.ge [sflag:s22], $0x2000  }
0x61: {  	[sflag:s22] =	ssyncset.done $0x0  }
0x62: {  	s30 =	sadd.s32 $0x2A00, s28;
	[sflag:s22] =	ssyncadd.s32 $0xFFFFE000  }
0x63: {  	[spmem:s2] =	stream.indirect.scatter.add.f32 [tilespmem:s19], [sflag:$0x5], $0x40, s30, s17, $0xb8;
	[tilespmem:$0x1F000] =	vst v63  }
0x64: {  	_ =	swait.ge [sflag:s24], $0x2000  }
0x65: {  	[sflag:s24] =	ssyncset.done $0x0  }
0x66: {  	s30 =	sadd.s32 $0x300, s28;
	[sflag:s24] =	ssyncadd.s32 $0xFFFFE000  }
0x67: {  	[tilespmem:s18], [sflag:$0x1] =	stream.indirect.gather [spmem:s3], $0x40, s30, s17, $0xb8;
	[tilespmem:$0x1F000] =	vst v63  }
0x68: {  	_ =	swait.ge [sflag:s26], $0x2000  }
0x69: {  	[sflag:s26] =	ssyncset.done $0x0  }
.Ltmp0:
0x6a: {  	s30 =	sadd.s32 $0x2A80, s28;
	[sflag:s26] =	ssyncadd.s32 $0xFFFFE000;
	(pc) =	sbr.rel @p0 .LBB2_2-.Ltmp0, $4  }
0x6b: {  	[spmem:s2] =	stream.indirect.scatter.add.f32 [tilespmem:s21], [sflag:$0x6], $0x40, s30, s17, $0xb8;
	[tilespmem:$0x1F000] =	vst v63  }
0x6c: {  	_ =	swait.ge [sflag:s29], $0x2000  }
0x6d: {  	[sflag:s29] =	ssyncset.done $0x0  }
0x6e: {  	s28 =	sadd.s32 $0x380, s28;
	[sflag:s29] =	ssyncadd.s32 $0xFFFFE000  }
0x6f: {  	[tilespmem:s19], [sflag:$0x2] =	stream.indirect.gather [spmem:s3], $0x40, s28, s17, $0xb8;
	[tilespmem:$0x1F000] =	vst v63  }
0x70: {  	_ =	swait.ge [sflag:s16], $0x2000  }
0x71: {  	[sflag:s16] =	ssyncset.done $0x0  }
0x72: {  	[sflag:s16] =	ssyncadd.s32 $0xFFFFE000  }
0x73: {  	[spmem:s2] =	stream.indirect.scatter.add.f32 [tilespmem:s18], [sflag:$0x4], $0x40, s0, s17, $0xb8;
	[tilespmem:$0x1F000] =	vst v63  }
0x74: {  	_ =	swait.ge [sflag:s22], $0x2000  }
0x75: {  	[sflag:s22] =	ssyncset.done $0x0  }
0x76: {  	[sflag:s22] =	ssyncadd.s32 $0xFFFFE000  }
0x77: {  	[spmem:s2] =	stream.indirect.scatter.add.f32 [tilespmem:s19], [sflag:$0x5], $0x40, s1, s17, $0xb8;
	[tilespmem:$0x1F000] =	vst v63  }
0x78: {  	_ =	swait.ge [sflag:s31], $0x2000  }
0x79: {  	[sflag:s31] =	ssyncset.done $0x0  }
0x7a: {  	[sflag:s31] =	ssyncadd.s32 $0xFFFFE000  }
0x7b: {  	_ =	swait.ge [sflag:s24], $0x2000  }
0x7c: {  	[sflag:s24] =	ssyncset.done $0x0  }
0x7d: {  	[sflag:s24] =	ssyncadd.s32 $0xFFFFE000  }
0x7e: {  	_ =	swait.ge [sflag:s29], $0x2000  }
0x7f: {  	s23 =	sadd.s32 $0x1, s23;
	[sflag:s29] =	ssyncset.done $0x0  }
0x80: {  	p0 =	sne.s32 s23, s12;
	[sflag:s29] =	ssyncadd.s32 $0xFFFFE000  }
.Ltmp1:
0x81: {  	s25 =	sor.u32 $0x1C07, s5;
	[bflag:$0x0] =	sbarrier.arrive $0xFFFF;
	(pc) =	sbr.rel @p0 .LBB2_1-.Ltmp1, $4  }
0x82: {  	[hbm:s11], [sflag:s25] =	dma.local [spmem:s13], $0x1400  }
0x83: {  	_ =	swait.ge [sflag:s20], $0x1400  }
0x84: {  	[sflag:s20] =	ssyncset.done $0x0  }
0x85: {  	[sflag:s20] =	ssyncadd.s32 $0xFFFFEC00  }
0x86: {  	_ =	sfence.sel $0x180000  }
0x87: {  	[bflag:$0x0] =	sbarrier.arrive $0xFFFF  }
0x88: {  	_ =	strace $0x9000004A  }
0x89: {  	s0 =	stileid.u32;
	[bflag:$0x2] =	sbarrier.arrive $0xFFFF  }
0x8a: {  	p0 =	sne.s32 s0, $0x0;
	s0 =	rddreg [dreg:$0x3]  }
0x8b: {  	s0 =	sadd.s32 @!p0 $0x100000, s0  }
0x8c: {  	[sflag:s0] =	ssyncadd.tile.s32 @!p0 $0x1;
	_ =	shalt  }
.Lfunc_end2:
_tile_overlayer_lowered:
.L_overlay_start_2:
0x8d: {  	(tag) =	ssettag $0x2  }
0x8e: {  	s0 =	rddreg [dreg:$0x0];
	s2 =	stileid.u32  }
0x8f: {  	s1 =	rddreg [dreg:$0x1];
	p0 =	sne.s32 s2, $0x0  }
0x90: {  	s3 =	rddreg [dreg:$0x2];
	[bflag:$0x3] =	sbarrier.arrive $0xFFFF;
	s2 =	simm.s32 @!p0 $0x1C07  }
0x91: {  	[timem:s3], [sflag:s2] =	dma.local @!p0 [hbm:s0], s1  }
0x92: {  	s0 =	simm.s32 @!p0 $0x7  }
0x93: {  	_ =	swait.ge @!p0 [sflag:s0], s1  }
0x94: {  	s1 =	ssub.s32 @!p0 $0x0, s1;
	[sflag:s0] =	ssyncset.done @!p0 $0x0  }
0x95: {  	[sflag:s0] =	ssyncadd.s32 @!p0 s1  }
0x96: {  	[bflag:$0x3] =	sbarrier.arrive $0xFFFF  }
0x97: {  	_ =	shalt  }

// kernel: kernel.16.cloned.1.call-start
scs
__scs_entry_jumppad:
0x0: {  	(pc) =	sbr.rel $0x88, $3  }
0x1: {  	(tag) =	ssettag $0x0;
	lr =	simm.s32 $0x1  }
0x2: {  	[smem:$0x3F82] =	sst lr;
	_ =	strace $0xD0000000  }
0x3: {  	_ = 	snop  }
0x4: {  	_ = 	snop  }
0x5: {  	_ = 	snop  }
0x6: {  	_ = 	snop  }
0x7: {  	_ = 	snop  }
__scs_overlays_trampoline_lowered:
0x8: {  	[smem:$0x3F91] =	sst s0  }
0x9: {  	[smem:$0x3F92] =	sst s1  }
0xa: {  	[smem:$0x3F93] =	sst s2  }
0xb: {  	[smem:$0x3F94] =	sst s3  }
0xc: {  	[smem:$0x3F95] =	sst s4  }
0xd: {  	[smem:$0x3F96] =	sst s5  }
0xe: {  	[smem:$0x3F97] =	sst s6  }
0xf: {  	[smem:$0x3F98] =	sst s7  }
0x10: {  	[smem:$0x3F99] =	sst s8  }
0x11: {  	[smem:$0x3F9A] =	sst s9;
	s0 =	simm.s32 @!p0 $0x0  }
0x12: {  	s1 =	sld [smem:$0x3F80];
	s0 =	simm.s32 @p0 $0x1  }
0x13: {  	[smem:$0x3F9B] =	sst s0;
	s0 =	simm.s32 @!p1 $0x0  }
0x14: {  	s2 =	sld [smem:$0x3F7F];
	s0 =	simm.s32 @p1 $0x1  }
0x15: {  	[smem:$0x3F9C] =	sst s0;
	s0 =	simm.s32 @!p2 $0x0  }
0x16: {  	s3 =	sld [smem:$0x3FDB];
	s0 =	simm.s32 @p2 $0x1  }
0x17: {  	s4 =	simm.s32 $0x1BF5;
	[smem:$0x3F9E] =	sst s0  }
0x18: {  	s0 =	sld [smem:$0x3F81];
	_ =	swait.ge [sflag:s4], $0x0  }
0x19: {  	s7 =	sld [smem:$0x3F82]  }
0x1a: {  	s8 =	sadd.s32 $0xFFFFE003, lr  }
0x1b: {  	s9 =	sadd.s32 $0xFFFFFEF7, lr;
	s5 =	simm.s32 $0xFFFFFFFF;
	p2 =	slt.u32 s8, $0xFFFFF086  }
0x1c: {  	p1 =	slt.u32 s9, $0xF7A;
	s5 =	simm.s32 @!p2 $0x0  }
0x1d: {  	s5 =	simm.s32 @p1 $0x1;
	p0 =	seq.s32 s7, s2  }
0x1e: {  	s7 =	smul.u32 @!p0 $0xF7A, s2;
	p2 =	seq.s32 @!p0 s5, $0x0  }
0x1f: {  	s9 =	smul.u32 $0xF7A, s1;
	s8 =	simm.s32 @!p0 $0x1BF5;
	p2 =	por !p2, p0  }
0x20: {  	[sflag:s8] =	ssyncset.s32 @!p0 $0xFFFFF086;
	s6 =	sadd.s32 @!p0 s3, s7;
	s7 =	simm.s32 @!p0 $0x108  }
0x21: {  	s3 =	sadd.s32 s3, s9;
	s6 =	sadd.s32 @!p0 $0x88, s6;
	s7 =	simm.s32 @p2 $0x1082  }
0x22: {  	[simem:s7], [sflag:s8] =	dma.local @!p0 [hbm:s6], $0xF7A  }
0x23: {  	s9 =	sor.u32 $0xD0000000, s2;
	s6 =	simm.s32 $0x108;
	_ =	swait.ge @!p0 [sflag:s8], $0x0  }
0x24: {  	s3 =	sadd.s32 $0x88, s3;
	s6 =	simm.s32 @!p1 $0x1082;
	[sflag:s4] =	ssyncset.s32 $0xFFFFF086  }
0x25: {  	[simem:s6], [sflag:s4] =	dma.local [hbm:s3], $0xF7A  }
0x26: {  	[smem:$0x3F82] =	sst s1;
	(tag) =	ssettag s2;
	_ =	strace s9  }
0x27: {  	s1 =	sld [smem:$0x3F92]  }
0x28: {  	s2 =	sld [smem:$0x3F93]  }
0x29: {  	s4 =	sld [smem:$0x3F95]  }
0x2a: {  	p0 =	seq.s32 s5, $0x0;
	s5 =	sld [smem:$0x3F96]  }
0x2b: {  	s6 =	sld [smem:$0x3F97]  }
0x2c: {  	s7 =	sld [smem:$0x3F98]  }
0x2d: {  	s3 =	simm.s32 $0x108;
	s8 =	sld [smem:$0x3F99]  }
0x2e: {  	s3 =	simm.s32 @!p0 $0x1082;
	s9 =	sld [smem:$0x3F9A]  }
0x2f: {  	lr =	sadd.s32 s0, s3;
	s0 =	sld [smem:$0x3F91]  }
0x30: {  	s3 =	sld [smem:$0x3F94]  }
0x31: {  	[smem:$0x3F9D] =	sst s10  }
0x32: {  	s10 =	sld [smem:$0x3F9B];
	_ =	sdelay $0x3  }
0x33: {  	p0 =	seq.s32 s10, $0x1;
	s10 =	sld [smem:$0x3F9D];
	_ =	sdelay $0x3  }
0x34: {  	[smem:$0x3F9D] =	sst s10  }
0x35: {  	s10 =	sld [smem:$0x3F9C];
	_ =	sdelay $0x3  }
0x36: {  	p1 =	seq.s32 s10, $0x1;
	s10 =	sld [smem:$0x3F9D];
	_ =	sdelay $0x3  }
0x37: {  	[smem:$0x3F9D] =	sst s10  }
0x38: {  	s10 =	sld [smem:$0x3F9E]  }
0x39: {  	_ = 	snop;
	(pc) =	sbr.ind lr, $3  }
0x3a: {  	_ = 	snop  }
0x3b: {  	_ = 	snop  }
0x3c: {  	p2 =	seq.s32 s10, $0x1;
	s10 =	sld [smem:$0x3F9D]  }
0x3d: {  	_ =	shalt  }
0x3e: {  	_ =	shalt  }
0x3f: {  	_ =	shalt  }
0x40: {  	_ =	shalt  }
0x41: {  	_ =	shalt  }
0x42: {  	_ =	shalt  }
0x43: {  	_ =	shalt  }
0x44: {  	_ =	shalt  }
0x45: {  	_ =	shalt  }
0x46: {  	_ =	shalt  }
0x47: {  	_ =	shalt  }
0x48: {  	_ =	shalt  }
0x49: {  	_ =	shalt  }
0x4a: {  	_ =	shalt  }
0x4b: {  	_ =	shalt  }
0x4c: {  	_ =	shalt  }
0x4d: {  	_ =	shalt  }
0x4e: {  	_ =	shalt  }
0x4f: {  	_ =	shalt  }
0x50: {  	_ =	shalt  }
0x51: {  	_ =	shalt  }
0x52: {  	_ =	shalt  }
0x53: {  	_ =	shalt  }
0x54: {  	_ =	shalt  }
0x55: {  	_ =	shalt  }
0x56: {  	_ =	shalt  }
0x57: {  	_ =	shalt  }
0x58: {  	_ =	shalt  }
0x59: {  	_ =	shalt  }
0x5a: {  	_ =	shalt  }
0x5b: {  	_ =	shalt  }
0x5c: {  	_ =	shalt  }
0x5d: {  	_ =	shalt  }
0x5e: {  	_ =	shalt  }
0x5f: {  	_ =	shalt  }
0x60: {  	_ =	shalt  }
0x61: {  	_ =	shalt  }
0x62: {  	_ =	shalt  }
0x63: {  	_ =	shalt  }
0x64: {  	_ =	shalt  }
0x65: {  	_ =	shalt  }
0x66: {  	_ =	shalt  }
0x67: {  	_ =	shalt  }
0x68: {  	_ =	shalt  }
0x69: {  	_ =	shalt  }
0x6a: {  	_ =	shalt  }
0x6b: {  	_ =	shalt  }
0x6c: {  	_ =	shalt  }
0x6d: {  	_ =	shalt  }
0x6e: {  	_ =	shalt  }
0x6f: {  	_ =	shalt  }
0x70: {  	_ =	shalt  }
0x71: {  	_ =	shalt  }
0x72: {  	_ =	shalt  }
0x73: {  	_ =	shalt  }
0x74: {  	_ =	shalt  }
0x75: {  	_ =	shalt  }
0x76: {  	_ =	shalt  }
0x77: {  	_ =	shalt  }
0x78: {  	_ =	shalt  }
0x79: {  	_ =	shalt  }
0x7a: {  	_ =	shalt  }
0x7b: {  	_ =	shalt  }
0x7c: {  	_ =	shalt  }
0x7d: {  	_ =	shalt  }
0x7e: {  	_ =	shalt  }
0x7f: {  	_ =	shalt  }
0x80: {  	_ =	shalt  }
0x81: {  	_ =	shalt  }
0x82: {  	_ =	shalt  }
0x83: {  	_ =	shalt  }
0x84: {  	_ =	shalt  }
0x85: {  	_ =	shalt  }
0x86: {  	_ =	shalt  }
0x87: {  	_ =	shalt  }
.Lfunc_end0:
.L_simem_size_0:
called_computation.2_lowered:
.L_overlay_start_0:
0x88: {  	s2 =	sld [smem:$0x3FD9]  }
0x89: {  	s3 =	sld [smem:$0x3FFE];
	_ =	sdelay $0x1  }
0x8a: {  	s1 =	srdreg.scid  }
0x8b: {  	s0 =	sand.u32 $0x1, s1  }
0x8c: {  	s16 =	sshll.u32 s0, $0xA;
	s2 =	sadd.s32 s3, s2  }
0x8d: {  	s2 =	sadd.s32 s2, s16  }
0x8e: {  	[smem:$0x3FA9] =	sst s2  }
0x8f: {  	_ = 	snop  }
0x90: {  	(tm) =	ssettm $0x1  }
0x91: {  	s17 =	sld [smem:$0x3FFB];
	_ =	sdelay $0x3  }
0x92: {  	_ =	strace s17  }
0x93: {  	s2 =	sld [smem:$0x3FFC];
	_ =	sdelay $0x3  }
0x94: {  	_ =	strace s2  }
0x95: {  	s2 =	sld [smem:$0x3FFD];
	_ =	sdelay $0x3  }
0x96: {  	_ =	strace s2  }
0x97: {  	_ =	strace $0x8FFFFFFF  }
0x98: {  	s18 =	sld [smem:$0x3FDB];
	_ =	sdelay $0x1  }
0x99: {  	s19 =	simm.s32 $_scs_section_size  }
0x9a: {  	s4 =	simm.s32 $_size__tile_overlayer_lowered;
	s5 =	simm.s32 $_tile_overlayer_lowered  }
0x9b: {  	s22 =	simm.s32 $0x1BFF;
	s21 =	sshll.u32 s5, $0x1;
	s2 =	sadd.s32 s19, s18  }
0x9c: {  	s6 =	simm.s32 $0x0;
	s20 =	sshll.u32 s4, $0x1;
	s4 =	sadd.s32 s21, s2  }
0x9d: {  	[timem:s6], [sflag:s22] =	dma.local [hbm:s4], s20  }
0x9e: {  	_ =	swait.ge [sflag:s22], s20  }
0x9f: {  	s3 =	ssub.s32 $0x0, s20;
	[sflag:s22] =	ssyncset.done $0x0  }
0xa0: {  	[sflag:s22] =	ssyncadd.s32 s3;
	_ =	sdelay $0x1  }
0xa1: {  	s23 =	simm.s32 $0x1B8B  }
0xa2: {  	_ =	swait.ge [sflag:s23], $0x1  }
0xa3: {  	[sflag:s23] =	ssyncset.done $0x0  }
0xa4: {  	s25 =	simm.s32 $0x1B8E;
	s24 =	sld [smem:$0x3FFE];
	[sflag:s23] =	ssyncadd.s32 $0xFFFFFFFF  }
0xa5: {  	s26 =	simm.s32 $execute0_lowered;
	[smem:$0x3FD2] =	sst s25  }
0xa6: {  	s4 =	sshll.u32 s26, $0x1;
	_ =	strace $0x8000004C;
	[dreg:$0x1] =	wrdreg $0xFFFFFFFF  }
0xa7: {  	s28 =	simm.s32 $_size_execute0_lowered;
	s2 =	sadd.s32 s2, s4;
	[dreg:$0x0] =	wrdreg $0x0  }
0xa8: {  	s4 =	sshll.u32 s28, $0x1;
	[dreg:$0x2] =	wrdreg s2  }
0xa9: {  	[dreg:$0x3] =	wrdreg s4  }
0xaa: {  	[dreg:$0x4] =	wrdreg $0xC0  }
0xab: {  	_ =	task [dreg:s6], $0x5FFFF  }
0xac: {  	[dreg:$0x1] =	wrdreg $0xFFFFFFFF  }
0xad: {  	[dreg:$0x0] =	wrdreg $0x60  }
0xae: {  	[dreg:$0x2] =	wrdreg s24  }
0xaf: {  	[dreg:$0x3] =	wrdreg $0x150000  }
0xb0: {  	[dreg:$0x4] =	wrdreg $0xB0000  }
0xb1: {  	[dreg:$0x5] =	wrdreg $0x9  }
0xb2: {  	_ =	task.clear_ibuf [dreg:s6], $0x6FFFF;
	_ =	strace $0x9000004C  }
0xb3: {  	s29 =	simm.s32 $0x9;
	_ =	strace $0x8000004E  }
0xb4: {  	_ =	swait.ge [sflag:s29], $0x1  }
0xb5: {  	[sflag:s29] =	ssyncadd.s32 $0xFFFFFFFF  }
0xb6: {  	_ =	strace $0x9000004E  }
0xb7: {  	_ =	sfence  }
0xb8: {  	s30 =	sld [smem:$0x0];
	_ =	sdelay $0x2  }
0xb9: {  	s31 =	sshll.u32 s1, $0xD;
	s1 =	sshrl.u32 s1, $0x2  }
0xba: {  	s3 =	sand.u32 $0x4000, s31;
	s1 =	sadd.s32 s1, s30  }
0xbb: {  	s0 =	sor.u32 s3, s0;
	s1 =	sshll.u32 s1, $0x11  }
0xbc: {  	s0 =	sor.u32 s1, s0  }
0xbd: {  	s0 =	sadd.s32 $0x8F2B, s0  }
0xbe: {  	[sflag:s0] =	ssyncadd.remote.s32 $0x1  }
0xbf: {  	_ =	sfence.sel $0xFFFF  }
0xc0: {  	[dreg:$0x0] =	wrdreg $0xFFFFFFFF;
	(pc) =	sbr.abs _section_cstart, $3  }
0xc1: {  	[dreg:$0x1] =	wrdreg $0xFFFFFFFF  }
0xc2: {  	_ =	task.clear_ibuf [dreg:s6], $0x2FFFF;
	_ =	strace $0x9FFFFFFF  }
0xc3: {  	(tm) =	ssettm $0x7FFFFFFF  }
tec
execute0_lowered:
.L_overlay_start_1:
0x0: {  	(tag) =	ssettag $0x1  }
0x1: {  	s0 =	rddreg [dreg:$0x0]  }
0x2: {  	s2 =	rddreg [dreg:$0x1]  }
0x3: {  	s3 =	rddreg [dreg:$0x2]  }
0x4: {  	s11 =	stileid.u32;
	s1 =	srdreg.scid  }
0x5: {  	s4 =	simm.s32 $0x0;
	s15 =	simm.s32 $0x2800;
	s16 =	simm.s32 $0x1  }
0x6: {  	s17 =	simm.s32 $0x80;
	s18 =	simm.s32 $0x5000;
	s19 =	simm.s32 $0x7000  }
0x7: {  	s21 =	simm.s32 $0x9000;
	s22 =	simm.s32 $0x2;
	s24 =	simm.s32 $0x4  }
0x8: {  	s26 =	simm.s32 $0x3;
	s29 =	simm.s32 $0x5;
	s31 =	simm.s32 $0x6  }
0x9: {  	s20 =	simm.s32 $0x7;
	s23 =	simm.s32 $0x0;
	s8 =	smul.u32 $0xA000, s11  }
0xa: {  	s1 =	sand.u32 $0x1, s1;
	[smem:$0x7FF] =	sst s4;
	s5 =	sshll.u32 s11, $0x1  }
0xb: {  	s6 =	smul.u32 $0xA0000, s1;
	_ =	strace $0x8000004D;
	s5 =	sor.u32 s1, s5  }
0xc: {  	s1 =	ssub.s32 $0x2, s1;
	s7 =	sshrl.u32 s8, $0x3;
	s5 =	smul.u32 $0x500, s5  }
0xd: {  	s30 =	sshrl.u32 s1, $0x1;
	s13 =	sadd.s32 s8, s2;
	s14 =	sadd.s32 s8, s3  }
0xe: {  	s6 =	sadd.s32 s8, s6;
	s9 =	sadd.s32 s7, s0;
	s1 =	ssub.s32 s1, s30  }
0xf: {  	s13 =	sshrl.u32 s13, $0x3;
	s14 =	sshrl.u32 s14, $0x3;
	s6 =	sshrl.u32 s6, $0x3  }
0x10: {  	s10 =	sadd.s32 s5, s0;
	s5 =	sshll.u32 s11, $0x6;
	s8 =	sadd.s32 $0xE2E00, s9  }
0x11: {  	s12 =	smax.u32 s1, $0x1;
	s1 =	simm.s32 $0x4F80;
	s0 =	sadd.s32 s6, s0  }
0x12: {  	s6 =	sadd.s32 $0xF6E00, s9;
	s7 =	sor.u32 $0x1C01, s5;
	s9 =	sadd.s32 $0x10E00, s10  }
0x13: {  	s10 =	sadd.s32 $0x6E00, s10;
	s11 =	sadd.s32 $0x10AE00, s0;
	s0 =	simm.s32 $0x4F00  }
.LBB2_1:
0x14: {  	[spmem:s13], [sflag:s7] =	dma.local [hbm:s6], $0x1400  }
0x15: {  	[spmem:s14], [sflag:s7] =	dma.local [hbm:s8], $0x1400  }
0x16: {  	[tilespmem:s4], [sflag:$0x1] =	stream.linear.gather [hbm4b:s9+s4], $0x2800, $0x38;
	[tilespmem:$0x1F000] =	vst v63  }
0x17: {  	_ = 	snop  }
0x18: {  	[tilespmem:s15], [sflag:$0x1] =	stream.linear.gather [hbm4b:s10+s4], $0x2800, $0x38;
	[tilespmem:$0x1F000] =	vst v63  }
0x19: {  	_ =	swait.ge [sflag:s16], $0x1400  }
0x1a: {  	[sflag:s16] =	ssyncset.done $0x0  }
0x1b: {  	[sflag:s16] =	ssyncadd.s32 $0xFFFFEC00  }
0x1c: {  	_ =	swait.ge [sflag:s16], $0x1400  }
0x1d: {  	[sflag:s16] =	ssyncset.done $0x0  }
0x1e: {  	[sflag:s16] =	ssyncadd.s32 $0xFFFFEC00  }
0x1f: {  	_ =	swait.ge [sflag:s16], $0x2800  }
0x20: {  	[sflag:s16] =	ssyncset.done $0x0  }
0x21: {  	[sflag:s16] =	ssyncadd.s32 $0xFFFFD800  }
0x22: {  	_ =	swait.ge [sflag:s16], $0x2800  }
0x23: {  	[sflag:s16] =	ssyncset.done $0x0  }
0x24: {  	[sflag:s16] =	ssyncadd.s32 $0xFFFFD800  }
0x25: {  	[bflag:$0x0] =	sbarrier.arrive $0xFFFF  }
0x26: {  	[tilespmem:s18], [sflag:$0x1] =	stream.indirect.gather [spmem:s3], $0x40, s4, s17, $0xb8;
	[tilespmem:$0x1F000] =	vst v63  }
0x27: {  	_ = 	snop  }
0x28: {  	[tilespmem:s19], [sflag:$0x2] =	stream.indirect.gather [spmem:s3], $0x40, s17, s17, $0xb8;
	[tilespmem:$0x1F000] =	vst v63  }
0x29: {  	_ =	swait.ge [sflag:s16], $0x2000  }
0x2a: {  	[sflag:s16] =	ssyncset.done $0x0  }
0x2b: {  	[sflag:s16] =	ssyncadd.s32 $0xFFFFE000  }
0x2c: {  	[spmem:s2] =	stream.indirect.scatter.add.f32 [tilespmem:s18], [sflag:$0x4], $0x40, s15, s17, $0xb8;
	[tilespmem:$0x1F000] =	vst v63  }
0x2d: {  	s25 =	simm.s32 $0x100  }
0x2e: {  	[tilespmem:s21], [sflag:$0x3] =	stream.indirect.gather [spmem:s3], $0x40, s25, s17, $0xb8;
	[tilespmem:$0x1F000] =	vst v63  }
0x2f: {  	_ =	swait.ge [sflag:s22], $0x2000  }
0x30: {  	[sflag:s22] =	ssyncset.done $0x0  }
0x31: {  	s30 =	simm.s32 $0x2880;
	[sflag:s22] =	ssyncadd.s32 $0xFFFFE000  }
0x32: {  	[spmem:s2] =	stream.indirect.scatter.add.f32 [tilespmem:s19], [sflag:$0x5], $0x40, s30, s17, $0xb8;
	[tilespmem:$0x1F000] =	vst v63  }
0x33: {  	_ =	swait.ge [sflag:s24], $0x2000  }
0x34: {  	[sflag:s24] =	ssyncset.done $0x0  }
0x35: {  	s30 =	simm.s32 $0x180;
	[sflag:s24] =	ssyncadd.s32 $0xFFFFE000  }
0x36: {  	[tilespmem:s18], [sflag:$0x1] =	stream.indirect.gather [spmem:s3], $0x40, s30, s17, $0xb8;
	[tilespmem:$0x1F000] =	vst v63  }
0x37: {  	_ =	swait.ge [sflag:s26], $0x2000  }
0x38: {  	[sflag:s26] =	ssyncset.done $0x0  }
0x39: {  	s30 =	simm.s32 $0x2900;
	[sflag:s26] =	ssyncadd.s32 $0xFFFFE000  }
0x3a: {  	[spmem:s2] =	stream.indirect.scatter.add.f32 [tilespmem:s21], [sflag:$0x6], $0x40, s30, s17, $0xb8;
	[tilespmem:$0x1F000] =	vst v63  }
0x3b: {  	_ =	swait.ge [sflag:s29], $0x2000  }
0x3c: {  	[sflag:s29] =	ssyncset.done $0x0  }
0x3d: {  	s30 =	simm.s32 $0x200;
	[sflag:s29] =	ssyncadd.s32 $0xFFFFE000  }
0x3e: {  	[tilespmem:s19], [sflag:$0x2] =	stream.indirect.gather [spmem:s3], $0x40, s30, s17, $0xb8;
	[tilespmem:$0x1F000] =	vst v63  }
0x3f: {  	_ =	swait.ge [sflag:s16], $0x2000  }
0x40: {  	[sflag:s16] =	ssyncset.done $0x0  }
0x41: {  	s30 =	simm.s32 $0x2980;
	[sflag:s16] =	ssyncadd.s32 $0xFFFFE000  }
0x42: {  	[spmem:s2] =	stream.indirect.scatter.add.f32 [tilespmem:s18], [sflag:$0x4], $0x40, s30, s17, $0xb8;
	[tilespmem:$0x1F000] =	vst v63  }
0x43: {  	_ =	swait.ge [sflag:s31], $0x2000  }
0x44: {  	[sflag:s31] =	ssyncset.done $0x0  }
0x45: {  	s30 =	simm.s32 $0x280;
	[sflag:s31] =	ssyncadd.s32 $0xFFFFE000  }
0x46: {  	[tilespmem:s21], [sflag:$0x3] =	stream.indirect.gather [spmem:s3], $0x40, s30, s17, $0xb8;
	[tilespmem:$0x1F000] =	vst v63  }
0x47: {  	_ =	swait.ge [sflag:s22], $0x2000  }
0x48: {  	[sflag:s22] =	ssyncset.done $0x0  }
0x49: {  	s30 =	simm.s32 $0x2A00;
	[sflag:s22] =	ssyncadd.s32 $0xFFFFE000  }
0x4a: {  	[spmem:s2] =	stream.indirect.scatter.add.f32 [tilespmem:s19], [sflag:$0x5], $0x40, s30, s17, $0xb8;
	[tilespmem:$0x1F000] =	vst v63  }
0x4b: {  	_ =	swait.ge [sflag:s24], $0x2000  }
0x4c: {  	[sflag:s24] =	ssyncset.done $0x0  }
0x4d: {  	s30 =	simm.s32 $0x300;
	[sflag:s24] =	ssyncadd.s32 $0xFFFFE000  }
0x4e: {  	[tilespmem:s18], [sflag:$0x1] =	stream.indirect.gather [spmem:s3], $0x40, s30, s17, $0xb8;
	[tilespmem:$0x1F000] =	vst v63  }
0x4f: {  	_ =	swait.ge [sflag:s26], $0x2000  }
0x50: {  	[sflag:s26] =	ssyncset.done $0x0  }
0x51: {  	s30 =	simm.s32 $0x2A80;
	[sflag:s26] =	ssyncadd.s32 $0xFFFFE000  }
0x52: {  	[spmem:s2] =	stream.indirect.scatter.add.f32 [tilespmem:s21], [sflag:$0x6], $0x40, s30, s17, $0xb8;
	[tilespmem:$0x1F000] =	vst v63  }
0x53: {  	_ =	swait.ge [sflag:s29], $0x2000  }
0x54: {  	[sflag:s29] =	ssyncset.done $0x0  }
0x55: {  	s28 =	simm.s32 $0x380;
	s25 =	simm.s32 $0x600;
	[sflag:s29] =	ssyncadd.s32 $0xFFFFE000  }
.LBB2_2:
0x56: {  	[tilespmem:s19], [sflag:$0x2] =	stream.indirect.gather [spmem:s3], $0x40, s28, s17, $0xb8;
	[tilespmem:$0x1F000] =	vst v63  }
0x57: {  	s28 =	smov.u32 s25  }
0x58: {  	p0 =	sne.s32 s25, $0x9000;
	s25 =	sadd.s32 $0x600, s25;
	_ =	swait.ge [sflag:s16], $0x2000  }
0x59: {  	s28 =	sshra.s32 s28, $0x2;
	[sflag:s16] =	ssyncset.done $0x0  }
0x5a: {  	s30 =	sadd.s32 $0x2980, s28;
	[sflag:s16] =	ssyncadd.s32 $0xFFFFE000  }
0x5b: {  	[spmem:s2] =	stream.indirect.scatter.add.f32 [tilespmem:s18], [sflag:$0x4], $0x40, s30, s17, $0xb8;
	[tilespmem:$0x1F000] =	vst v63  }
0x5c: {  	_ =	swait.ge [sflag:s31], $0x2000  }
0x5d: {  	[sflag:s31] =	ssyncset.done $0x0  }
0x5e: {  	s30 =	sadd.s32 $0x280, s28;
	[sflag:s31] =	ssyncadd.s32 $0xFFFFE000  }
0x5f: {  	[tilespmem:s21], [sflag:$0x3] =	stream.indirect.gather [spmem:s3], $0x40, s30, s17, $0xb8;
	[tilespmem:$0x1F000] =	vst v63  }
0x60: {  	_ =	swait.ge [sflag:s22], $0x2000  }
0x61: {  	[sflag:s22] =	ssyncset.done $0x0  }
0x62: {  	s30 =	sadd.s32 $0x2A00, s28;
	[sflag:s22] =	ssyncadd.s32 $0xFFFFE000  }
0x63: {  	[spmem:s2] =	stream.indirect.scatter.add.f32 [tilespmem:s19], [sflag:$0x5], $0x40, s30, s17, $0xb8;
	[tilespmem:$0x1F000] =	vst v63  }
0x64: {  	_ =	swait.ge [sflag:s24], $0x2000  }
0x65: {  	[sflag:s24] =	ssyncset.done $0x0  }
0x66: {  	s30 =	sadd.s32 $0x300, s28;
	[sflag:s24] =	ssyncadd.s32 $0xFFFFE000  }
0x67: {  	[tilespmem:s18], [sflag:$0x1] =	stream.indirect.gather [spmem:s3], $0x40, s30, s17, $0xb8;
	[tilespmem:$0x1F000] =	vst v63  }
0x68: {  	_ =	swait.ge [sflag:s26], $0x2000  }
0x69: {  	[sflag:s26] =	ssyncset.done $0x0  }
.Ltmp0:
0x6a: {  	s30 =	sadd.s32 $0x2A80, s28;
	[sflag:s26] =	ssyncadd.s32 $0xFFFFE000;
	(pc) =	sbr.rel @p0 .LBB2_2-.Ltmp0, $4  }
0x6b: {  	[spmem:s2] =	stream.indirect.scatter.add.f32 [tilespmem:s21], [sflag:$0x6], $0x40, s30, s17, $0xb8;
	[tilespmem:$0x1F000] =	vst v63  }
0x6c: {  	_ =	swait.ge [sflag:s29], $0x2000  }
0x6d: {  	[sflag:s29] =	ssyncset.done $0x0  }
0x6e: {  	s28 =	sadd.s32 $0x380, s28;
	[sflag:s29] =	ssyncadd.s32 $0xFFFFE000  }
0x6f: {  	[tilespmem:s19], [sflag:$0x2] =	stream.indirect.gather [spmem:s3], $0x40, s28, s17, $0xb8;
	[tilespmem:$0x1F000] =	vst v63  }
0x70: {  	_ =	swait.ge [sflag:s16], $0x2000  }
0x71: {  	[sflag:s16] =	ssyncset.done $0x0  }
0x72: {  	[sflag:s16] =	ssyncadd.s32 $0xFFFFE000  }
0x73: {  	[spmem:s2] =	stream.indirect.scatter.add.f32 [tilespmem:s18], [sflag:$0x4], $0x40, s0, s17, $0xb8;
	[tilespmem:$0x1F000] =	vst v63  }
0x74: {  	_ =	swait.ge [sflag:s22], $0x2000  }
0x75: {  	[sflag:s22] =	ssyncset.done $0x0  }
0x76: {  	[sflag:s22] =	ssyncadd.s32 $0xFFFFE000  }
0x77: {  	[spmem:s2] =	stream.indirect.scatter.add.f32 [tilespmem:s19], [sflag:$0x5], $0x40, s1, s17, $0xb8;
	[tilespmem:$0x1F000] =	vst v63  }
0x78: {  	_ =	swait.ge [sflag:s31], $0x2000  }
0x79: {  	[sflag:s31] =	ssyncset.done $0x0  }
0x7a: {  	[sflag:s31] =	ssyncadd.s32 $0xFFFFE000  }
0x7b: {  	_ =	swait.ge [sflag:s24], $0x2000  }
0x7c: {  	[sflag:s24] =	ssyncset.done $0x0  }
0x7d: {  	[sflag:s24] =	ssyncadd.s32 $0xFFFFE000  }
0x7e: {  	_ =	swait.ge [sflag:s29], $0x2000  }
0x7f: {  	s23 =	sadd.s32 $0x1, s23;
	[sflag:s29] =	ssyncset.done $0x0  }
0x80: {  	p0 =	sne.s32 s23, s12;
	[sflag:s29] =	ssyncadd.s32 $0xFFFFE000  }
.Ltmp1:
0x81: {  	s25 =	sor.u32 $0x1C07, s5;
	[bflag:$0x0] =	sbarrier.arrive $0xFFFF;
	(pc) =	sbr.rel @p0 .LBB2_1-.Ltmp1, $4  }
0x82: {  	[hbm:s11], [sflag:s25] =	dma.local [spmem:s13], $0x1400  }
0x83: {  	_ =	swait.ge [sflag:s20], $0x1400  }
0x84: {  	[sflag:s20] =	ssyncset.done $0x0  }
0x85: {  	[sflag:s20] =	ssyncadd.s32 $0xFFFFEC00  }
0x86: {  	_ =	sfence.sel $0x180000  }
0x87: {  	[bflag:$0x0] =	sbarrier.arrive $0xFFFF  }
0x88: {  	_ =	strace $0x9000004D  }
0x89: {  	s0 =	stileid.u32;
	[bflag:$0x2] =	sbarrier.arrive $0xFFFF  }
0x8a: {  	p0 =	sne.s32 s0, $0x0;
	s0 =	rddreg [dreg:$0x3]  }
0x8b: {  	s0 =	sadd.s32 @!p0 $0x100000, s0  }
0x8c: {  	[sflag:s0] =	ssyncadd.tile.s32 @!p0 $0x1;
	_ =	shalt  }
.Lfunc_end2:
_tile_overlayer_lowered:
.L_overlay_start_2:
0x8d: {  	(tag) =	ssettag $0x2  }
0x8e: {  	s0 =	rddreg [dreg:$0x0];
	s2 =	stileid.u32  }
0x8f: {  	s1 =	rddreg [dreg:$0x1];
	p0 =	sne.s32 s2, $0x0  }
0x90: {  	s3 =	rddreg [dreg:$0x2];
	[bflag:$0x3] =	sbarrier.arrive $0xFFFF;
	s2 =	simm.s32 @!p0 $0x1C07  }
0x91: {  	[timem:s3], [sflag:s2] =	dma.local @!p0 [hbm:s0], s1  }
0x92: {  	s0 =	simm.s32 @!p0 $0x7  }
0x93: {  	_ =	swait.ge @!p0 [sflag:s0], s1  }
0x94: {  	s1 =	ssub.s32 @!p0 $0x0, s1;
	[sflag:s0] =	ssyncset.done @!p0 $0x0  }
0x95: {  	[sflag:s0] =	ssyncadd.s32 @!p0 s1  }
0x96: {  	[bflag:$0x3] =	sbarrier.arrive $0xFFFF  }
0x97: {  	_ =	shalt  }

// kernel: kernel.19.cloned.1.call-start
scs
__scs_entry_jumppad:
0x0: {  	(pc) =	sbr.rel $0x88, $3  }
0x1: {  	(tag) =	ssettag $0x0;
	lr =	simm.s32 $0x1  }
0x2: {  	[smem:$0x3F82] =	sst lr;
	_ =	strace $0xD0000000  }
0x3: {  	_ = 	snop  }
0x4: {  	_ = 	snop  }
0x5: {  	_ = 	snop  }
0x6: {  	_ = 	snop  }
0x7: {  	_ = 	snop  }
__scs_overlays_trampoline_lowered:
0x8: {  	[smem:$0x3F91] =	sst s0  }
0x9: {  	[smem:$0x3F92] =	sst s1  }
0xa: {  	[smem:$0x3F93] =	sst s2  }
0xb: {  	[smem:$0x3F94] =	sst s3  }
0xc: {  	[smem:$0x3F95] =	sst s4  }
0xd: {  	[smem:$0x3F96] =	sst s5  }
0xe: {  	[smem:$0x3F97] =	sst s6  }
0xf: {  	[smem:$0x3F98] =	sst s7  }
0x10: {  	[smem:$0x3F99] =	sst s8  }
0x11: {  	[smem:$0x3F9A] =	sst s9;
	s0 =	simm.s32 @!p0 $0x0  }
0x12: {  	s1 =	sld [smem:$0x3F80];
	s0 =	simm.s32 @p0 $0x1  }
0x13: {  	[smem:$0x3F9B] =	sst s0;
	s0 =	simm.s32 @!p1 $0x0  }
0x14: {  	s2 =	sld [smem:$0x3F7F];
	s0 =	simm.s32 @p1 $0x1  }
0x15: {  	[smem:$0x3F9C] =	sst s0;
	s0 =	simm.s32 @!p2 $0x0  }
0x16: {  	s3 =	sld [smem:$0x3FDB];
	s0 =	simm.s32 @p2 $0x1  }
0x17: {  	s4 =	simm.s32 $0x1BF5;
	[smem:$0x3F9E] =	sst s0  }
0x18: {  	s0 =	sld [smem:$0x3F81];
	_ =	swait.ge [sflag:s4], $0x0  }
0x19: {  	s7 =	sld [smem:$0x3F82]  }
0x1a: {  	s8 =	sadd.s32 $0xFFFFE003, lr  }
0x1b: {  	s9 =	sadd.s32 $0xFFFFFEF7, lr;
	s5 =	simm.s32 $0xFFFFFFFF;
	p2 =	slt.u32 s8, $0xFFFFF086  }
0x1c: {  	p1 =	slt.u32 s9, $0xF7A;
	s5 =	simm.s32 @!p2 $0x0  }
0x1d: {  	s5 =	simm.s32 @p1 $0x1;
	p0 =	seq.s32 s7, s2  }
0x1e: {  	s7 =	smul.u32 @!p0 $0xF7A, s2;
	p2 =	seq.s32 @!p0 s5, $0x0  }
0x1f: {  	s9 =	smul.u32 $0xF7A, s1;
	s8 =	simm.s32 @!p0 $0x1BF5;
	p2 =	por !p2, p0  }
0x20: {  	[sflag:s8] =	ssyncset.s32 @!p0 $0xFFFFF086;
	s6 =	sadd.s32 @!p0 s3, s7;
	s7 =	simm.s32 @!p0 $0x108  }
0x21: {  	s3 =	sadd.s32 s3, s9;
	s6 =	sadd.s32 @!p0 $0x88, s6;
	s7 =	simm.s32 @p2 $0x1082  }
0x22: {  	[simem:s7], [sflag:s8] =	dma.local @!p0 [hbm:s6], $0xF7A  }
0x23: {  	s9 =	sor.u32 $0xD0000000, s2;
	s6 =	simm.s32 $0x108;
	_ =	swait.ge @!p0 [sflag:s8], $0x0  }
0x24: {  	s3 =	sadd.s32 $0x88, s3;
	s6 =	simm.s32 @!p1 $0x1082;
	[sflag:s4] =	ssyncset.s32 $0xFFFFF086  }
0x25: {  	[simem:s6], [sflag:s4] =	dma.local [hbm:s3], $0xF7A  }
0x26: {  	[smem:$0x3F82] =	sst s1;
	(tag) =	ssettag s2;
	_ =	strace s9  }
0x27: {  	s1 =	sld [smem:$0x3F92]  }
0x28: {  	s2 =	sld [smem:$0x3F93]  }
0x29: {  	s4 =	sld [smem:$0x3F95]  }
0x2a: {  	p0 =	seq.s32 s5, $0x0;
	s5 =	sld [smem:$0x3F96]  }
0x2b: {  	s6 =	sld [smem:$0x3F97]  }
0x2c: {  	s7 =	sld [smem:$0x3F98]  }
0x2d: {  	s3 =	simm.s32 $0x108;
	s8 =	sld [smem:$0x3F99]  }
0x2e: {  	s3 =	simm.s32 @!p0 $0x1082;
	s9 =	sld [smem:$0x3F9A]  }
0x2f: {  	lr =	sadd.s32 s0, s3;
	s0 =	sld [smem:$0x3F91]  }
0x30: {  	s3 =	sld [smem:$0x3F94]  }
0x31: {  	[smem:$0x3F9D] =	sst s10  }
0x32: {  	s10 =	sld [smem:$0x3F9B];
	_ =	sdelay $0x3  }
0x33: {  	p0 =	seq.s32 s10, $0x1;
	s10 =	sld [smem:$0x3F9D];
	_ =	sdelay $0x3  }
0x34: {  	[smem:$0x3F9D] =	sst s10  }
0x35: {  	s10 =	sld [smem:$0x3F9C];
	_ =	sdelay $0x3  }
0x36: {  	p1 =	seq.s32 s10, $0x1;
	s10 =	sld [smem:$0x3F9D];
	_ =	sdelay $0x3  }
0x37: {  	[smem:$0x3F9D] =	sst s10  }
0x38: {  	s10 =	sld [smem:$0x3F9E]  }
0x39: {  	_ = 	snop;
	(pc) =	sbr.ind lr, $3  }
0x3a: {  	_ = 	snop  }
0x3b: {  	_ = 	snop  }
0x3c: {  	p2 =	seq.s32 s10, $0x1;
	s10 =	sld [smem:$0x3F9D]  }
0x3d: {  	_ =	shalt  }
0x3e: {  	_ =	shalt  }
0x3f: {  	_ =	shalt  }
0x40: {  	_ =	shalt  }
0x41: {  	_ =	shalt  }
0x42: {  	_ =	shalt  }
0x43: {  	_ =	shalt  }
0x44: {  	_ =	shalt  }
0x45: {  	_ =	shalt  }
0x46: {  	_ =	shalt  }
0x47: {  	_ =	shalt  }
0x48: {  	_ =	shalt  }
0x49: {  	_ =	shalt  }
0x4a: {  	_ =	shalt  }
0x4b: {  	_ =	shalt  }
0x4c: {  	_ =	shalt  }
0x4d: {  	_ =	shalt  }
0x4e: {  	_ =	shalt  }
0x4f: {  	_ =	shalt  }
0x50: {  	_ =	shalt  }
0x51: {  	_ =	shalt  }
0x52: {  	_ =	shalt  }
0x53: {  	_ =	shalt  }
0x54: {  	_ =	shalt  }
0x55: {  	_ =	shalt  }
0x56: {  	_ =	shalt  }
0x57: {  	_ =	shalt  }
0x58: {  	_ =	shalt  }
0x59: {  	_ =	shalt  }
0x5a: {  	_ =	shalt  }
0x5b: {  	_ =	shalt  }
0x5c: {  	_ =	shalt  }
0x5d: {  	_ =	shalt  }
0x5e: {  	_ =	shalt  }
0x5f: {  	_ =	shalt  }
0x60: {  	_ =	shalt  }
0x61: {  	_ =	shalt  }
0x62: {  	_ =	shalt  }
0x63: {  	_ =	shalt  }
0x64: {  	_ =	shalt  }
0x65: {  	_ =	shalt  }
0x66: {  	_ =	shalt  }
0x67: {  	_ =	shalt  }
0x68: {  	_ =	shalt  }
0x69: {  	_ =	shalt  }
0x6a: {  	_ =	shalt  }
0x6b: {  	_ =	shalt  }
0x6c: {  	_ =	shalt  }
0x6d: {  	_ =	shalt  }
0x6e: {  	_ =	shalt  }
0x6f: {  	_ =	shalt  }
0x70: {  	_ =	shalt  }
0x71: {  	_ =	shalt  }
0x72: {  	_ =	shalt  }
0x73: {  	_ =	shalt  }
0x74: {  	_ =	shalt  }
0x75: {  	_ =	shalt  }
0x76: {  	_ =	shalt  }
0x77: {  	_ =	shalt  }
0x78: {  	_ =	shalt  }
0x79: {  	_ =	shalt  }
0x7a: {  	_ =	shalt  }
0x7b: {  	_ =	shalt  }
0x7c: {  	_ =	shalt  }
0x7d: {  	_ =	shalt  }
0x7e: {  	_ =	shalt  }
0x7f: {  	_ =	shalt  }
0x80: {  	_ =	shalt  }
0x81: {  	_ =	shalt  }
0x82: {  	_ =	shalt  }
0x83: {  	_ =	shalt  }
0x84: {  	_ =	shalt  }
0x85: {  	_ =	shalt  }
0x86: {  	_ =	shalt  }
0x87: {  	_ =	shalt  }
.Lfunc_end0:
.L_simem_size_0:
called_computation.3_lowered:
.L_overlay_start_0:
0x88: {  	s2 =	sld [smem:$0x3FD9]  }
0x89: {  	s3 =	sld [smem:$0x3FFE];
	_ =	sdelay $0x1  }
0x8a: {  	s1 =	srdreg.scid  }
0x8b: {  	s0 =	sand.u32 $0x1, s1  }
0x8c: {  	s16 =	sshll.u32 s0, $0xA;
	s2 =	sadd.s32 s3, s2  }
0x8d: {  	s2 =	sadd.s32 s2, s16  }
0x8e: {  	[smem:$0x3FA9] =	sst s2  }
0x8f: {  	_ = 	snop  }
0x90: {  	(tm) =	ssettm $0x1  }
0x91: {  	s17 =	sld [smem:$0x3FFB];
	_ =	sdelay $0x3  }
0x92: {  	_ =	strace s17  }
0x93: {  	s2 =	sld [smem:$0x3FFC];
	_ =	sdelay $0x3  }
0x94: {  	_ =	strace s2  }
0x95: {  	s2 =	sld [smem:$0x3FFD];
	_ =	sdelay $0x3  }
0x96: {  	_ =	strace s2  }
0x97: {  	_ =	strace $0x8FFFFFFF  }
0x98: {  	s18 =	sld [smem:$0x3FDB];
	_ =	sdelay $0x1  }
0x99: {  	s19 =	simm.s32 $_scs_section_size  }
0x9a: {  	s4 =	simm.s32 $_size__tile_overlayer_lowered;
	s5 =	simm.s32 $_tile_overlayer_lowered  }
0x9b: {  	s22 =	simm.s32 $0x1BFF;
	s21 =	sshll.u32 s5, $0x1;
	s2 =	sadd.s32 s19, s18  }
0x9c: {  	s6 =	simm.s32 $0x0;
	s20 =	sshll.u32 s4, $0x1;
	s4 =	sadd.s32 s21, s2  }
0x9d: {  	[timem:s6], [sflag:s22] =	dma.local [hbm:s4], s20  }
0x9e: {  	_ =	swait.ge [sflag:s22], s20  }
0x9f: {  	s3 =	ssub.s32 $0x0, s20;
	[sflag:s22] =	ssyncset.done $0x0  }
0xa0: {  	[sflag:s22] =	ssyncadd.s32 s3;
	_ =	sdelay $0x1  }
0xa1: {  	s23 =	simm.s32 $0x1B8B  }
0xa2: {  	_ =	swait.ge [sflag:s23], $0x1  }
0xa3: {  	[sflag:s23] =	ssyncset.done $0x0  }
0xa4: {  	s25 =	simm.s32 $0x1B8E;
	s24 =	sld [smem:$0x3FFE];
	[sflag:s23] =	ssyncadd.s32 $0xFFFFFFFF  }
0xa5: {  	s26 =	simm.s32 $execute0_lowered;
	[smem:$0x3FD2] =	sst s25  }
0xa6: {  	s4 =	sshll.u32 s26, $0x1;
	_ =	strace $0x8000004F;
	[dreg:$0x1] =	wrdreg $0xFFFFFFFF  }
0xa7: {  	s28 =	simm.s32 $_size_execute0_lowered;
	s2 =	sadd.s32 s2, s4;
	[dreg:$0x0] =	wrdreg $0x0  }
0xa8: {  	s4 =	sshll.u32 s28, $0x1;
	[dreg:$0x2] =	wrdreg s2  }
0xa9: {  	[dreg:$0x3] =	wrdreg s4  }
0xaa: {  	[dreg:$0x4] =	wrdreg $0xC0  }
0xab: {  	_ =	task [dreg:s6], $0x5FFFF  }
0xac: {  	[dreg:$0x1] =	wrdreg $0xFFFFFFFF  }
0xad: {  	[dreg:$0x0] =	wrdreg $0x60  }
0xae: {  	[dreg:$0x2] =	wrdreg s24  }
0xaf: {  	[dreg:$0x3] =	wrdreg $0x150000  }
0xb0: {  	[dreg:$0x4] =	wrdreg $0xB0000  }
0xb1: {  	[dreg:$0x5] =	wrdreg $0x9  }
0xb2: {  	_ =	task.clear_ibuf [dreg:s6], $0x6FFFF;
	_ =	strace $0x9000004F  }
0xb3: {  	s29 =	simm.s32 $0x9;
	_ =	strace $0x80000051  }
0xb4: {  	_ =	swait.ge [sflag:s29], $0x1  }
0xb5: {  	[sflag:s29] =	ssyncadd.s32 $0xFFFFFFFF  }
0xb6: {  	_ =	strace $0x90000051  }
0xb7: {  	_ =	sfence  }
0xb8: {  	s30 =	sld [smem:$0x0];
	_ =	sdelay $0x2  }
0xb9: {  	s31 =	sshll.u32 s1, $0xD;
	s1 =	sshrl.u32 s1, $0x2  }
0xba: {  	s3 =	sand.u32 $0x4000, s31;
	s1 =	sadd.s32 s1, s30  }
0xbb: {  	s0 =	sor.u32 s3, s0;
	s1 =	sshll.u32 s1, $0x11  }
0xbc: {  	s0 =	sor.u32 s1, s0  }
0xbd: {  	s0 =	sadd.s32 $0x8F2B, s0  }
0xbe: {  	[sflag:s0] =	ssyncadd.remote.s32 $0x1  }
0xbf: {  	_ =	sfence.sel $0xFFFF  }
0xc0: {  	[dreg:$0x0] =	wrdreg $0xFFFFFFFF;
	(pc) =	sbr.abs _section_cstart, $3  }
0xc1: {  	[dreg:$0x1] =	wrdreg $0xFFFFFFFF  }
0xc2: {  	_ =	task.clear_ibuf [dreg:s6], $0x2FFFF;
	_ =	strace $0x9FFFFFFF  }
0xc3: {  	(tm) =	ssettm $0x7FFFFFFF  }
tec
execute0_lowered:
.L_overlay_start_1:
0x0: {  	(tag) =	ssettag $0x1  }
0x1: {  	s0 =	rddreg [dreg:$0x0]  }
0x2: {  	s2 =	rddreg [dreg:$0x1]  }
0x3: {  	s3 =	rddreg [dreg:$0x2]  }
0x4: {  	s11 =	stileid.u32;
	s1 =	srdreg.scid  }
0x5: {  	s4 =	simm.s32 $0x0;
	s15 =	simm.s32 $0x2800;
	s16 =	simm.s32 $0x1  }
0x6: {  	s17 =	simm.s32 $0x80;
	s18 =	simm.s32 $0x5000;
	s19 =	simm.s32 $0x7000  }
0x7: {  	s21 =	simm.s32 $0x9000;
	s22 =	simm.s32 $0x2;
	s24 =	simm.s32 $0x4  }
0x8: {  	s26 =	simm.s32 $0x3;
	s29 =	simm.s32 $0x5;
	s31 =	simm.s32 $0x6  }
0x9: {  	s20 =	simm.s32 $0x7;
	s23 =	simm.s32 $0x0;
	s8 =	smul.u32 $0xA000, s11  }
0xa: {  	s1 =	sand.u32 $0x1, s1;
	[smem:$0x7FF] =	sst s4;
	s5 =	sshll.u32 s11, $0x1  }
0xb: {  	s6 =	smul.u32 $0xA0000, s1;
	_ =	strace $0x80000050;
	s5 =	sor.u32 s1, s5  }
0xc: {  	s1 =	ssub.s32 $0x2, s1;
	s7 =	sshrl.u32 s8, $0x3;
	s5 =	smul.u32 $0x500, s5  }
0xd: {  	s30 =	sshrl.u32 s1, $0x1;
	s13 =	sadd.s32 s8, s2;
	s14 =	sadd.s32 s8, s3  }
0xe: {  	s6 =	sadd.s32 s8, s6;
	s9 =	sadd.s32 s7, s0;
	s1 =	ssub.s32 s1, s30  }
0xf: {  	s13 =	sshrl.u32 s13, $0x3;
	s14 =	sshrl.u32 s14, $0x3;
	s6 =	sshrl.u32 s6, $0x3  }
0x10: {  	s10 =	sadd.s32 s5, s0;
	s5 =	sshll.u32 s11, $0x6;
	s8 =	sadd.s32 $0x1AE00, s9  }
0x11: {  	s12 =	smax.u32 s1, $0x1;
	s1 =	simm.s32 $0x4F80;
	s0 =	sadd.s32 s6, s0  }
0x12: {  	s6 =	sadd.s32 $0xF6E00, s9;
	s7 =	sor.u32 $0x1C01, s5;
	s9 =	sadd.s32 $0x10E00, s10  }
0x13: {  	s10 =	sadd.s32 $0x6E00, s10;
	s11 =	sadd.s32 $0x92E00, s0;
	s0 =	simm.s32 $0x4F00  }
.LBB2_1:
0x14: {  	[spmem:s13], [sflag:s7] =	dma.local [hbm:s6], $0x1400  }
0x15: {  	[spmem:s14], [sflag:s7] =	dma.local [hbm:s8], $0x1400  }
0x16: {  	[tilespmem:s4], [sflag:$0x1] =	stream.linear.gather [hbm4b:s9+s4], $0x2800, $0x38;
	[tilespmem:$0x1F000] =	vst v63  }
0x17: {  	_ = 	snop  }
0x18: {  	[tilespmem:s15], [sflag:$0x1] =	stream.linear.gather [hbm4b:s10+s4], $0x2800, $0x38;
	[tilespmem:$0x1F000] =	vst v63  }
0x19: {  	_ =	swait.ge [sflag:s16], $0x1400  }
0x1a: {  	[sflag:s16] =	ssyncset.done $0x0  }
0x1b: {  	[sflag:s16] =	ssyncadd.s32 $0xFFFFEC00  }
0x1c: {  	_ =	swait.ge [sflag:s16], $0x1400  }
0x1d: {  	[sflag:s16] =	ssyncset.done $0x0  }
0x1e: {  	[sflag:s16] =	ssyncadd.s32 $0xFFFFEC00  }
0x1f: {  	_ =	swait.ge [sflag:s16], $0x2800  }
0x20: {  	[sflag:s16] =	ssyncset.done $0x0  }
0x21: {  	[sflag:s16] =	ssyncadd.s32 $0xFFFFD800  }
0x22: {  	_ =	swait.ge [sflag:s16], $0x2800  }
0x23: {  	[sflag:s16] =	ssyncset.done $0x0  }
0x24: {  	[sflag:s16] =	ssyncadd.s32 $0xFFFFD800  }
0x25: {  	[bflag:$0x0] =	sbarrier.arrive $0xFFFF  }
0x26: {  	[tilespmem:s18], [sflag:$0x1] =	stream.indirect.gather [spmem:s3], $0x40, s4, s17, $0xb8;
	[tilespmem:$0x1F000] =	vst v63  }
0x27: {  	_ = 	snop  }
0x28: {  	[tilespmem:s19], [sflag:$0x2] =	stream.indirect.gather [spmem:s3], $0x40, s17, s17, $0xb8;
	[tilespmem:$0x1F000] =	vst v63  }
0x29: {  	_ =	swait.ge [sflag:s16], $0x2000  }
0x2a: {  	[sflag:s16] =	ssyncset.done $0x0  }
0x2b: {  	[sflag:s16] =	ssyncadd.s32 $0xFFFFE000  }
0x2c: {  	[spmem:s2] =	stream.indirect.scatter.add.f32 [tilespmem:s18], [sflag:$0x4], $0x40, s15, s17, $0xb8;
	[tilespmem:$0x1F000] =	vst v63  }
0x2d: {  	s25 =	simm.s32 $0x100  }
0x2e: {  	[tilespmem:s21], [sflag:$0x3] =	stream.indirect.gather [spmem:s3], $0x40, s25, s17, $0xb8;
	[tilespmem:$0x1F000] =	vst v63  }
0x2f: {  	_ =	swait.ge [sflag:s22], $0x2000  }
0x30: {  	[sflag:s22] =	ssyncset.done $0x0  }
0x31: {  	s30 =	simm.s32 $0x2880;
	[sflag:s22] =	ssyncadd.s32 $0xFFFFE000  }
0x32: {  	[spmem:s2] =	stream.indirect.scatter.add.f32 [tilespmem:s19], [sflag:$0x5], $0x40, s30, s17, $0xb8;
	[tilespmem:$0x1F000] =	vst v63  }
0x33: {  	_ =	swait.ge [sflag:s24], $0x2000  }
0x34: {  	[sflag:s24] =	ssyncset.done $0x0  }
0x35: {  	s30 =	simm.s32 $0x180;
	[sflag:s24] =	ssyncadd.s32 $0xFFFFE000  }
0x36: {  	[tilespmem:s18], [sflag:$0x1] =	stream.indirect.gather [spmem:s3], $0x40, s30, s17, $0xb8;
	[tilespmem:$0x1F000] =	vst v63  }
0x37: {  	_ =	swait.ge [sflag:s26], $0x2000  }
0x38: {  	[sflag:s26] =	ssyncset.done $0x0  }
0x39: {  	s30 =	simm.s32 $0x2900;
	[sflag:s26] =	ssyncadd.s32 $0xFFFFE000  }
0x3a: {  	[spmem:s2] =	stream.indirect.scatter.add.f32 [tilespmem:s21], [sflag:$0x6], $0x40, s30, s17, $0xb8;
	[tilespmem:$0x1F000] =	vst v63  }
0x3b: {  	_ =	swait.ge [sflag:s29], $0x2000  }
0x3c: {  	[sflag:s29] =	ssyncset.done $0x0  }
0x3d: {  	s30 =	simm.s32 $0x200;
	[sflag:s29] =	ssyncadd.s32 $0xFFFFE000  }
0x3e: {  	[tilespmem:s19], [sflag:$0x2] =	stream.indirect.gather [spmem:s3], $0x40, s30, s17, $0xb8;
	[tilespmem:$0x1F000] =	vst v63  }
0x3f: {  	_ =	swait.ge [sflag:s16], $0x2000  }
0x40: {  	[sflag:s16] =	ssyncset.done $0x0  }
0x41: {  	s30 =	simm.s32 $0x2980;
	[sflag:s16] =	ssyncadd.s32 $0xFFFFE000  }
0x42: {  	[spmem:s2] =	stream.indirect.scatter.add.f32 [tilespmem:s18], [sflag:$0x4], $0x40, s30, s17, $0xb8;
	[tilespmem:$0x1F000] =	vst v63  }
0x43: {  	_ =	swait.ge [sflag:s31], $0x2000  }
0x44: {  	[sflag:s31] =	ssyncset.done $0x0  }
0x45: {  	s30 =	simm.s32 $0x280;
	[sflag:s31] =	ssyncadd.s32 $0xFFFFE000  }
0x46: {  	[tilespmem:s21], [sflag:$0x3] =	stream.indirect.gather [spmem:s3], $0x40, s30, s17, $0xb8;
	[tilespmem:$0x1F000] =	vst v63  }
0x47: {  	_ =	swait.ge [sflag:s22], $0x2000  }
0x48: {  	[sflag:s22] =	ssyncset.done $0x0  }
0x49: {  	s30 =	simm.s32 $0x2A00;
	[sflag:s22] =	ssyncadd.s32 $0xFFFFE000  }
0x4a: {  	[spmem:s2] =	stream.indirect.scatter.add.f32 [tilespmem:s19], [sflag:$0x5], $0x40, s30, s17, $0xb8;
	[tilespmem:$0x1F000] =	vst v63  }
0x4b: {  	_ =	swait.ge [sflag:s24], $0x2000  }
0x4c: {  	[sflag:s24] =	ssyncset.done $0x0  }
0x4d: {  	s30 =	simm.s32 $0x300;
	[sflag:s24] =	ssyncadd.s32 $0xFFFFE000  }
0x4e: {  	[tilespmem:s18], [sflag:$0x1] =	stream.indirect.gather [spmem:s3], $0x40, s30, s17, $0xb8;
	[tilespmem:$0x1F000] =	vst v63  }
0x4f: {  	_ =	swait.ge [sflag:s26], $0x2000  }
0x50: {  	[sflag:s26] =	ssyncset.done $0x0  }
0x51: {  	s30 =	simm.s32 $0x2A80;
	[sflag:s26] =	ssyncadd.s32 $0xFFFFE000  }
0x52: {  	[spmem:s2] =	stream.indirect.scatter.add.f32 [tilespmem:s21], [sflag:$0x6], $0x40, s30, s17, $0xb8;
	[tilespmem:$0x1F000] =	vst v63  }
0x53: {  	_ =	swait.ge [sflag:s29], $0x2000  }
0x54: {  	[sflag:s29] =	ssyncset.done $0x0  }
0x55: {  	s28 =	simm.s32 $0x380;
	s25 =	simm.s32 $0x600;
	[sflag:s29] =	ssyncadd.s32 $0xFFFFE000  }
.LBB2_2:
0x56: {  	[tilespmem:s19], [sflag:$0x2] =	stream.indirect.gather [spmem:s3], $0x40, s28, s17, $0xb8;
	[tilespmem:$0x1F000] =	vst v63  }
0x57: {  	s28 =	smov.u32 s25  }
0x58: {  	p0 =	sne.s32 s25, $0x9000;
	s25 =	sadd.s32 $0x600, s25;
	_ =	swait.ge [sflag:s16], $0x2000  }
0x59: {  	s28 =	sshra.s32 s28, $0x2;
	[sflag:s16] =	ssyncset.done $0x0  }
0x5a: {  	s30 =	sadd.s32 $0x2980, s28;
	[sflag:s16] =	ssyncadd.s32 $0xFFFFE000  }
0x5b: {  	[spmem:s2] =	stream.indirect.scatter.add.f32 [tilespmem:s18], [sflag:$0x4], $0x40, s30, s17, $0xb8;
	[tilespmem:$0x1F000] =	vst v63  }
0x5c: {  	_ =	swait.ge [sflag:s31], $0x2000  }
0x5d: {  	[sflag:s31] =	ssyncset.done $0x0  }
0x5e: {  	s30 =	sadd.s32 $0x280, s28;
	[sflag:s31] =	ssyncadd.s32 $0xFFFFE000  }
0x5f: {  	[tilespmem:s21], [sflag:$0x3] =	stream.indirect.gather [spmem:s3], $0x40, s30, s17, $0xb8;
	[tilespmem:$0x1F000] =	vst v63  }
0x60: {  	_ =	swait.ge [sflag:s22], $0x2000  }
0x61: {  	[sflag:s22] =	ssyncset.done $0x0  }
0x62: {  	s30 =	sadd.s32 $0x2A00, s28;
	[sflag:s22] =	ssyncadd.s32 $0xFFFFE000  }
0x63: {  	[spmem:s2] =	stream.indirect.scatter.add.f32 [tilespmem:s19], [sflag:$0x5], $0x40, s30, s17, $0xb8;
	[tilespmem:$0x1F000] =	vst v63  }
0x64: {  	_ =	swait.ge [sflag:s24], $0x2000  }
0x65: {  	[sflag:s24] =	ssyncset.done $0x0  }
0x66: {  	s30 =	sadd.s32 $0x300, s28;
	[sflag:s24] =	ssyncadd.s32 $0xFFFFE000  }
0x67: {  	[tilespmem:s18], [sflag:$0x1] =	stream.indirect.gather [spmem:s3], $0x40, s30, s17, $0xb8;
	[tilespmem:$0x1F000] =	vst v63  }
0x68: {  	_ =	swait.ge [sflag:s26], $0x2000  }
0x69: {  	[sflag:s26] =	ssyncset.done $0x0  }
.Ltmp0:
0x6a: {  	s30 =	sadd.s32 $0x2A80, s28;
	[sflag:s26] =	ssyncadd.s32 $0xFFFFE000;
	(pc) =	sbr.rel @p0 .LBB2_2-.Ltmp0, $4  }
0x6b: {  	[spmem:s2] =	stream.indirect.scatter.add.f32 [tilespmem:s21], [sflag:$0x6], $0x40, s30, s17, $0xb8;
	[tilespmem:$0x1F000] =	vst v63  }
0x6c: {  	_ =	swait.ge [sflag:s29], $0x2000  }
0x6d: {  	[sflag:s29] =	ssyncset.done $0x0  }
0x6e: {  	s28 =	sadd.s32 $0x380, s28;
	[sflag:s29] =	ssyncadd.s32 $0xFFFFE000  }
0x6f: {  	[tilespmem:s19], [sflag:$0x2] =	stream.indirect.gather [spmem:s3], $0x40, s28, s17, $0xb8;
	[tilespmem:$0x1F000] =	vst v63  }
0x70: {  	_ =	swait.ge [sflag:s16], $0x2000  }
0x71: {  	[sflag:s16] =	ssyncset.done $0x0  }
0x72: {  	[sflag:s16] =	ssyncadd.s32 $0xFFFFE000  }
0x73: {  	[spmem:s2] =	stream.indirect.scatter.add.f32 [tilespmem:s18], [sflag:$0x4], $0x40, s0, s17, $0xb8;
	[tilespmem:$0x1F000] =	vst v63  }
0x74: {  	_ =	swait.ge [sflag:s22], $0x2000  }
0x75: {  	[sflag:s22] =	ssyncset.done $0x0  }
0x76: {  	[sflag:s22] =	ssyncadd.s32 $0xFFFFE000  }
0x77: {  	[spmem:s2] =	stream.indirect.scatter.add.f32 [tilespmem:s19], [sflag:$0x5], $0x40, s1, s17, $0xb8;
	[tilespmem:$0x1F000] =	vst v63  }
0x78: {  	_ =	swait.ge [sflag:s31], $0x2000  }
0x79: {  	[sflag:s31] =	ssyncset.done $0x0  }
0x7a: {  	[sflag:s31] =	ssyncadd.s32 $0xFFFFE000  }
0x7b: {  	_ =	swait.ge [sflag:s24], $0x2000  }
0x7c: {  	[sflag:s24] =	ssyncset.done $0x0  }
0x7d: {  	[sflag:s24] =	ssyncadd.s32 $0xFFFFE000  }
0x7e: {  	_ =	swait.ge [sflag:s29], $0x2000  }
0x7f: {  	s23 =	sadd.s32 $0x1, s23;
	[sflag:s29] =	ssyncset.done $0x0  }
0x80: {  	p0 =	sne.s32 s23, s12;
	[sflag:s29] =	ssyncadd.s32 $0xFFFFE000  }
.Ltmp1:
0x81: {  	s25 =	sor.u32 $0x1C07, s5;
	[bflag:$0x0] =	sbarrier.arrive $0xFFFF;
	(pc) =	sbr.rel @p0 .LBB2_1-.Ltmp1, $4  }
0x82: {  	[hbm:s11], [sflag:s25] =	dma.local [spmem:s13], $0x1400  }
0x83: {  	_ =	swait.ge [sflag:s20], $0x1400  }
0x84: {  	[sflag:s20] =	ssyncset.done $0x0  }
0x85: {  	[sflag:s20] =	ssyncadd.s32 $0xFFFFEC00  }
0x86: {  	_ =	sfence.sel $0x180000  }
0x87: {  	[bflag:$0x0] =	sbarrier.arrive $0xFFFF  }
0x88: {  	_ =	strace $0x90000050  }
0x89: {  	s0 =	stileid.u32;
	[bflag:$0x2] =	sbarrier.arrive $0xFFFF  }
0x8a: {  	p0 =	sne.s32 s0, $0x0;
	s0 =	rddreg [dreg:$0x3]  }
0x8b: {  	s0 =	sadd.s32 @!p0 $0x100000, s0  }
0x8c: {  	[sflag:s0] =	ssyncadd.tile.s32 @!p0 $0x1;
	_ =	shalt  }
.Lfunc_end2:
_tile_overlayer_lowered:
.L_overlay_start_2:
0x8d: {  	(tag) =	ssettag $0x2  }
0x8e: {  	s0 =	rddreg [dreg:$0x0];
	s2 =	stileid.u32  }
0x8f: {  	s1 =	rddreg [dreg:$0x1];
	p0 =	sne.s32 s2, $0x0  }
0x90: {  	s3 =	rddreg [dreg:$0x2];
	[bflag:$0x3] =	sbarrier.arrive $0xFFFF;
	s2 =	simm.s32 @!p0 $0x1C07  }
0x91: {  	[timem:s3], [sflag:s2] =	dma.local @!p0 [hbm:s0], s1  }
0x92: {  	s0 =	simm.s32 @!p0 $0x7  }
0x93: {  	_ =	swait.ge @!p0 [sflag:s0], s1  }
0x94: {  	s1 =	ssub.s32 @!p0 $0x0, s1;
	[sflag:s0] =	ssyncset.done @!p0 $0x0  }
0x95: {  	[sflag:s0] =	ssyncadd.s32 @!p0 s1  }
0x96: {  	[bflag:$0x3] =	sbarrier.arrive $0xFFFF  }
0x97: {  	_ =	shalt  }

</sc_bundles>
